<compile_context>
chip_gen: v7x
topology: tpu7x:2x2x1
jax: 0.10.2.dev20260603
libtpu: 0.0.44.dev20260713+nightly
codegen_flags: <defaults>
</compile_context>

<pallas_src>
import functools

import jax
import jax.numpy as jnp
from jax import lax
from jax.experimental import pallas as pl
from jax.experimental.pallas import tpu as pltpu
from jax.experimental.pallas import tpu_sc as plsc

OLD = 98000
NEW = 100000
D = 128
B = 4096
S = 50

N_TOK = B * S
LANES = 16
G = 128
NBUF = 4
WPB = 4
NW = 32


def _sc_kernel():
    per_w = N_TOK // NW
    n_groups = per_w // G
    n_blocks = n_groups // NBUF - 1
    n_win = per_w // LANES
    fb_rows = WPB * LANES
    mesh = plsc.VectorSubcoreMesh(core_axis_name="c", subcore_axis_name="s")

    @functools.partial(
        pl.kernel,
        mesh=mesh,
        out_type=(
            jax.ShapeDtypeStruct((N_TOK, D), jnp.float32),
            jax.ShapeDtypeStruct((NW, LANES), jnp.int32),
        ),
        scratch_types=[
            pltpu.VMEM((n_groups, G), jnp.int32),
            pltpu.VMEM((NBUF, G, D), jnp.float32),
            pltpu.VMEM((2, fb_rows, D), jnp.float32),
            pltpu.VMEM((2, fb_rows), jnp.int32),
            pltpu.VMEM((2, fb_rows), jnp.int32),
            pltpu.VMEM((LANES,), jnp.int32),
            pltpu.SemaphoreType.DMA((NBUF,)),
            pltpu.SemaphoreType.DMA((NBUF,)),
            pltpu.SemaphoreType.DMA((2,)),
            pltpu.SemaphoreType.DMA((2,)),
        ],
    )
    def k(ids_hbm, orig_hbm, new_hbm, out_hbm, flags_hbm,
          idx_v, rows_v, fix_v, fidx_v, fpos_v, flag_v,
          gsem, osem, fgsem, fssem):
        nc = 2
        wid = lax.axis_index("s") * nc + lax.axis_index("c")
        base = wid * per_w
        lane = lax.broadcasted_iota(jnp.int32, (LANES,), 0)

        pltpu.sync_copy(ids_hbm.at[wid], idx_v)
        flag_v[...] = jnp.zeros((LANES,), jnp.int32)

        def start_gather(g, b):
            pltpu.async_copy(orig_hbm.at[idx_v.at[g]], rows_v.at[b],
                             gsem.at[b])

        def wait_gather(b):
            pltpu.make_async_copy(orig_hbm.at[pl.ds(0, G)], rows_v.at[b],
                                  gsem.at[b]).wait()

        def start_out(g, b):
            pltpu.async_copy(rows_v.at[b], out_hbm.at[pl.ds(base + g * G, G)],
                             osem.at[b])

        def wait_out(g, b):
            pltpu.make_async_copy(rows_v.at[b],
                                  out_hbm.at[pl.ds(base + g * G, G)],
                                  osem.at[b]).wait()

        for b in range(NBUF):
            start_gather(b, b)

        def block(blk, _):
            g0 = blk * NBUF
            for b in range(NBUF):
                wait_gather(b)
                start_out(g0 + b, b)
                wait_out(g0 + b, b)
                start_gather(g0 + b + NBUF, b)
            return 0

        lax.fori_loop(0, n_blocks, block, 0)

        g0 = n_blocks * NBUF
        for b in range(NBUF):
            wait_gather(b)
            start_out(g0 + b, b)
            wait_out(g0 + b, b)
        start_gather(n_groups - 2, 0)
        start_gather(n_groups - 1, 1)
        for b in range(2):
            wait_gather(b)
            start_out(n_groups - 2 + b, b)
        for b in range(2):
            wait_out(n_groups - 2 + b, b)

        def fix_gather(s):
            pltpu.async_copy(new_hbm.at[fidx_v.at[s]], fix_v.at[s],
                             fgsem.at[s])

        def fix_gather_wait(s):
            pltpu.make_async_copy(new_hbm.at[pl.ds(0, fb_rows)], fix_v.at[s],
                                  fgsem.at[s]).wait()

        def fix_scatter(s):
            pltpu.async_copy(fix_v.at[s], out_hbm.at[fpos_v.at[s]],
                             fssem.at[s])

        def fix_scatter_wait(s):
            pltpu.make_async_copy(fix_v.at[s], out_hbm.at[pl.ds(0, fb_rows)],
                                  fssem.at[s]).wait()

        def flush(bi):
            s = lax.rem(bi, 2)

            @pl.when(bi >= 1)
            def _():
                s1 = lax.rem(bi - 1, 2)
                fix_gather_wait(s1)
                fix_scatter(s1)

            @pl.when(bi >= 2)
            def _():
                fix_scatter_wait(s)

            fix_gather(s)

        def win_scan(w, r):
            g = w // (G // LANES)
            o = lax.rem(w, G // LANES) * LANES
            v = idx_v[g, pl.ds(o, LANES)]
            flag_v[...] = jnp.maximum(flag_v[...], v)
            f = jnp.int32(-1)
            pv = jnp.int32(0)
            for jj in range(LANES):
                vj = v[jj]
                upd = jnp.logical_and(vj >= OLD, f < 0)
                f = jnp.where(upd, jj, f)
                pv = jnp.where(upd, vj, pv)
            active = f >= 0

            @pl.when(active)
            def _():
                m = v >= OLD
                gidx = jnp.where(m, v, pv) - OLD
                pos = jnp.where(m, base + w * LANES + lane,
                                base + w * LANES + f)
                s = lax.rem(r // WPB, 2)
                ws = lax.rem(r, WPB)
                wo = pl.multiple_of(ws * LANES, 8)

                @pl.when(r == 0)
                def _():
                    for s0 in range(2):
                        for w0 in range(WPB):
                            fidx_v[s0, pl.ds(w0 * LANES, LANES)] = gidx
                            fpos_v[s0, pl.ds(w0 * LANES, LANES)] = pos

                fidx_v[s, pl.ds(wo, LANES)] = gidx
                fpos_v[s, pl.ds(wo, LANES)] = pos

                @pl.when(ws == WPB - 1)
                def _():
                    flush(r // WPB)

            return jnp.where(active, r + 1, r)

        r = lax.fori_loop(0, n_win, win_scan, jnp.int32(0))
        pltpu.sync_copy(flag_v, flags_hbm.at[wid])

        nb_full = r // WPB

        @pl.when(lax.rem(r, WPB) > 0)
        def _():
            flush(nb_full)

        nb = (r + WPB - 1) // WPB

        @pl.when(nb >= 1)
        def _():
            s1 = lax.rem(nb - 1, 2)
            fix_gather_wait(s1)
            fix_scatter(s1)

        @pl.when(nb >= 2)
        def _():
            fix_scatter_wait(lax.rem(nb - 2, 2))

        @pl.when(nb >= 1)
        def _():
            fix_scatter_wait(lax.rem(nb - 1, 2))

    return k


def kernel(input_ids, num_dict, orig_table, new_table):
    zero = (0.0 * num_dict[0]).astype(jnp.int32)
    ids3d = (input_ids.reshape(NW, N_TOK // (NW * G), G).astype(jnp.int32)
             + zero)
    out, flags = _sc_kernel()(ids3d, orig_table, new_table)
    emb = out.reshape(B, S, D)
    trainable = jnp.max(flags) >= OLD
    return (emb, trainable)

# --- scband reference (transcript-rebuilt; emitter-appended) ---
"""Pipeline reference for scband-custom-embeddings-41334765256704 (READ-ONLY COPY).

The authoritative reference and input builder live on the scoring server;
editing this copy changes nothing except your own understanding.
"""

import jax, jax.numpy as jnp
import numpy as np

OLD = 98000
SF = 99000
NEW = 100000
D = 128
B = 4096
S = 50

def setup_inputs(seed: int = 0) -> dict:
    key = jax.random.key(seed)
    k1, k2, k3 = jax.random.split(key, 3)
    input_ids = jax.random.randint(k1, (B, S), 0, NEW, dtype=jnp.int64 if jax.config.jax_enable_x64 else jnp.int32)
    orig_table = jax.random.normal(k2, (NEW, D), dtype=jnp.float32)
    new_table = jax.random.normal(k3, (NEW - OLD, D), dtype=jnp.float32)
    num_dict = jnp.zeros((1,), dtype=jnp.float32)
    return {"input_ids": input_ids, "num_dict": num_dict, "orig_table": orig_table, "new_table": new_table}

def reference(input_ids, num_dict, orig_table, new_table):
    # original embeddings lookup (cloned in torch; pure-functional here)
    emb = jnp.take(orig_table, input_ids, axis=0)  # [B, S, D]
    flat_ids = input_ids.reshape(-1)
    emb = emb.reshape(-1, D)
    # token_id -> new-embedding index map (full-vocab sized, -1 for old tokens)
    vocab_range = jnp.arange(NEW)
    token_map = jnp.where(vocab_range >= OLD, vocab_range - OLD, -1)
    # isin(range(OLD, SF)) and isin(range(SF, NEW)) are contiguous -> range checks
    mask_sf = (flat_ids >= OLD) & (flat_ids < SF)
    mask_num = (flat_ids >= SF) & (flat_ids < NEW)
    sel = jnp.take(token_map, flat_ids, axis=0)
    sel_safe = jnp.clip(sel, 0, NEW - OLD - 1)
    new_emb = jnp.take(new_table, sel_safe, axis=0)
    # overwrite rows for stocks/fin tokens
    emb = jnp.where(mask_sf[:, None], new_emb, emb)
    # overwrite rows for numerical tokens (WithMLP=False -> embedding layer only)
    emb = jnp.where(mask_num[:, None], new_emb, emb)
    emb = emb.reshape(B, S, D)
    trainable = jnp.any(mask_sf | mask_num)
    return (emb, trainable)

if __name__ == "__main__":
    import jax
    _d = setup_inputs()
    print(jax.jit(kernel)(*tuple(_d.values())))

</pallas_src>

<mosaic_0001>
#map = affine_map<(d0, d1) -> (0, 0, 0)>
#map1 = affine_map<(d0, d1) -> (0, 0)>
module attributes {stable_mosaic.version = 14 : i64} {
  func.func @k(%arg0: i32, %arg1: i32, %arg2: memref<32x50x128xi32, #tpu.memory_space<hbm>>, %arg3: memref<100000x128xf32, #tpu.memory_space<hbm>>, %arg4: memref<2000x128xf32, #tpu.memory_space<hbm>>, %arg5: memref<204800x128xf32, #tpu.memory_space<hbm>>, %arg6: memref<32x16xi32, #tpu.memory_space<hbm>>, %arg7: memref<50x128xi32, #tpu.memory_space<vmem>>, %arg8: memref<4x128x128xf32, #tpu.memory_space<vmem>>, %arg9: memref<2x64x128xf32, #tpu.memory_space<vmem>>, %arg10: memref<2x64xi32, #tpu.memory_space<vmem>>, %arg11: memref<2x64xi32, #tpu.memory_space<vmem>>, %arg12: memref<16xi32, #tpu.memory_space<vmem>>, %arg13: memref<4x!tpu.dma_semaphore, #tpu.memory_space<semaphore_mem>>, %arg14: memref<4x!tpu.dma_semaphore, #tpu.memory_space<semaphore_mem>>, %arg15: memref<2x!tpu.dma_semaphore, #tpu.memory_space<semaphore_mem>>, %arg16: memref<2x!tpu.dma_semaphore, #tpu.memory_space<semaphore_mem>>) attributes {dimension_semantics = [#tpu.dimension_semantics<core_parallel>, #tpu.dimension_semantics<subcore_parallel>], iteration_bounds = array<i64: 2, 16>, scalar_prefetch = 0 : i64, scratch_operands = 10 : i64, tpu.core_type = #tpu.core_type<sc_vector_subcore>, window_params = [{transform_indices = #map}, {transform_indices = #map1}, {transform_indices = #map1}, {transform_indices = #map1}, {transform_indices = #map1}]} {
    %mul3A = arith.constant 2 : i32
    %mul3A_0 = arith.muli %arg1, %mul3A : i32
    %add3A = arith.addi %mul3A_0, %arg0 : i32
    %mul3A_1 = arith.constant 6400 : i32
    %mul3A_2 = arith.muli %add3A, %mul3A_1 : i32
    %iota3A = tpu.iota {dimensions = array<i32: 0>} : vector<16xi32>
    "tpu.region"() ({
      %run_scoped3A = tpu.sem_alloc : memref<!tpu.dma_semaphore, #tpu.memory_space<semaphore_mem>>
      %dma_start3A_494 = arith.constant 0 : i32
      %dma_start3A_495 = arith.constant 0 : i32
      %dma_start3A_496 = tpu.memref_slice %arg2[%add3A, %dma_start3A_494, %dma_start3A_495] : memref<32x50x128xi32, #tpu.memory_space<hbm>> -> memref<1x50x128xi32, #tpu.memory_space<hbm>>
      %dma_start3A_497 = tpu.memref_squeeze %dma_start3A_496 : memref<1x50x128xi32, #tpu.memory_space<hbm>> -> memref<50x128xi32, #tpu.memory_space<hbm>>
      %dma_start3A_498 = arith.constant 0 : i32
      %dma_start3A_499 = arith.constant 0 : i32
      %dma_start3A_500 = tpu.memref_slice %arg2[%add3A, %dma_start3A_498, %dma_start3A_499] : memref<32x50x128xi32, #tpu.memory_space<hbm>> -> memref<1x50x128xi32, #tpu.memory_space<hbm>>
      %dma_start3A_501 = tpu.memref_squeeze %dma_start3A_500 : memref<1x50x128xi32, #tpu.memory_space<hbm>> -> memref<50x128xi32, #tpu.memory_space<hbm>>
      tpu.enqueue_dma source(%dma_start3A_501 : memref<50x128xi32, #tpu.memory_space<hbm>>) target(%arg7 : memref<50x128xi32, #tpu.memory_space<vmem>>) target_semaphore(%run_scoped3A : memref<!tpu.dma_semaphore, #tpu.memory_space<semaphore_mem>>)
      %dma_wait3A_502 = arith.constant 0 : i32
      %dma_wait3A_503 = arith.constant 0 : i32
      %dma_wait3A_504 = tpu.memref_slice %arg2[%add3A, %dma_wait3A_502, %dma_wait3A_503] : memref<32x50x128xi32, #tpu.memory_space<hbm>> -> memref<1x50x128xi32, #tpu.memory_space<hbm>>
      %dma_wait3A_505 = tpu.memref_squeeze %dma_wait3A_504 : memref<1x50x128xi32, #tpu.memory_space<hbm>> -> memref<50x128xi32, #tpu.memory_space<hbm>>
      %dma_wait3A_506 = arith.constant 0 : i32
      %dma_wait3A_507 = arith.constant 0 : i32
      %dma_wait3A_508 = tpu.memref_slice %arg2[%add3A, %dma_wait3A_506, %dma_wait3A_507] : memref<32x50x128xi32, #tpu.memory_space<hbm>> -> memref<1x50x128xi32, #tpu.memory_space<hbm>>
      %dma_wait3A_509 = tpu.memref_squeeze %dma_wait3A_508 : memref<1x50x128xi32, #tpu.memory_space<hbm>> -> memref<50x128xi32, #tpu.memory_space<hbm>>
      tpu.wait_dma2 semaphore(%run_scoped3A : memref<!tpu.dma_semaphore, #tpu.memory_space<semaphore_mem>>) src(%dma_wait3A_509 : memref<50x128xi32, #tpu.memory_space<hbm>>) dst(%arg7 : memref<50x128xi32, #tpu.memory_space<vmem>>)
      tpu.yield
    }) : () -> ()
    %broadcast_in_dim3A = arith.constant 0 : i32
    %broadcast_in_dim3A_3 = vector.broadcast %broadcast_in_dim3A : i32 to vector<16xi32>
    %swap3A = arith.constant 0 : index
    %swap3A_4 = tpu.vector_load %arg12[%swap3A] {strides = array<i32>} : memref<16xi32, #tpu.memory_space<vmem>>, vector<16xi32>,
    %swap3A_5 = vector.shape_cast %swap3A_4 : vector<16xi32> to vector<16xi32>
    %swap3A_6 = vector.shape_cast %broadcast_in_dim3A_3 : vector<16xi32> to vector<16xi32>
    tpu.vector_store %arg12[%swap3A], %swap3A_6 {strides = array<i32>} : memref<16xi32, #tpu.memory_space<vmem>>, vector<16xi32>,
    %dma_start3A = arith.constant 0 : i32
    %dma_start3A_7 = arith.constant 0 : i32
    %dma_start3A_8 = arith.constant 0 : i32
    %dma_start3A_9 = arith.constant 0 : i32
    %dma_start3A_10 = arith.constant 0 : i32
    %dma_start3A_11 = tpu.memref_slice %arg8[%dma_start3A_7, %dma_start3A_9, %dma_start3A_10] : memref<4x128x128xf32, #tpu.memory_space<vmem>> -> memref<1x128x128xf32, #tpu.memory_space<vmem>>
    %dma_start3A_12 = tpu.memref_squeeze %dma_start3A_11 : memref<1x128x128xf32, #tpu.memory_space<vmem>> -> memref<128x128xf32, #tpu.memory_space<vmem>>
    %dma_start3A_13 = arith.constant 0 : i32
    %dma_start3A_14 = tpu.memref_slice %arg7[%dma_start3A, %dma_start3A_13] : memref<50x128xi32, #tpu.memory_space<vmem>> -> memref<1x128xi32, #tpu.memory_space<vmem>>
    %dma_start3A_15 = tpu.memref_squeeze %dma_start3A_14 : memref<1x128xi32, #tpu.memory_space<vmem>> -> memref<128xi32, #tpu.memory_space<vmem>>
    %dma_start3A_16 = arith.constant 0 : i32
    %dma_start3A_17 = arith.constant 0 : i32
    %dma_start3A_18 = tpu.memref_slice %arg3[%dma_start3A_16, %dma_start3A_17] : memref<100000x128xf32, #tpu.memory_space<hbm>> -> memref<100000x128xf32, #tpu.memory_space<hbm>>
    %dma_start3A_19 = tpu.memref_slice %arg13[%dma_start3A_8] : memref<4x!tpu.dma_semaphore, #tpu.memory_space<semaphore_mem>> -> memref<1x!tpu.dma_semaphore, #tpu.memory_space<semaphore_mem>>
    %dma_start3A_20 = tpu.memref_squeeze %dma_start3A_19 : memref<1x!tpu.dma_semaphore, #tpu.memory_space<semaphore_mem>> -> memref<!tpu.dma_semaphore, #tpu.memory_space<semaphore_mem>>
    tpu.enqueue_indirect_dma source(%dma_start3A_18 : memref<100000x128xf32, #tpu.memory_space<hbm>>) target(%dma_start3A_12 : memref<128x128xf32, #tpu.memory_space<vmem>>) offsets(%dma_start3A_15 : memref<128xi32, #tpu.memory_space<vmem>>) semaphore(%dma_start3A_20 : memref<!tpu.dma_semaphore, #tpu.memory_space<semaphore_mem>>)
    %dma_start3A_21 = arith.constant 1 : i32
    %dma_start3A_22 = arith.constant 1 : i32
    %dma_start3A_23 = arith.constant 1 : i32
    %dma_start3A_24 = arith.constant 0 : i32
    %dma_start3A_25 = arith.constant 0 : i32
    %dma_start3A_26 = tpu.memref_slice %arg8[%dma_start3A_22, %dma_start3A_24, %dma_start3A_25] : memref<4x128x128xf32, #tpu.memory_space<vmem>> -> memref<1x128x128xf32, #tpu.memory_space<vmem>>
    %dma_start3A_27 = tpu.memref_squeeze %dma_start3A_26 : memref<1x128x128xf32, #tpu.memory_space<vmem>> -> memref<128x128xf32, #tpu.memory_space<vmem>>
    %dma_start3A_28 = arith.constant 0 : i32
    %dma_start3A_29 = tpu.memref_slice %arg7[%dma_start3A_21, %dma_start3A_28] : memref<50x128xi32, #tpu.memory_space<vmem>> -> memref<1x128xi32, #tpu.memory_space<vmem>>
    %dma_start3A_30 = tpu.memref_squeeze %dma_start3A_29 : memref<1x128xi32, #tpu.memory_space<vmem>> -> memref<128xi32, #tpu.memory_space<vmem>>
    %dma_start3A_31 = arith.constant 0 : i32
    %dma_start3A_32 = arith.constant 0 : i32
    %dma_start3A_33 = tpu.memref_slice %arg3[%dma_start3A_31, %dma_start3A_32] : memref<100000x128xf32, #tpu.memory_space<hbm>> -> memref<100000x128xf32, #tpu.memory_space<hbm>>
    %dma_start3A_34 = tpu.memref_slice %arg13[%dma_start3A_23] : memref<4x!tpu.dma_semaphore, #tpu.memory_space<semaphore_mem>> -> memref<1x!tpu.dma_semaphore, #tpu.memory_space<semaphore_mem>>
    %dma_start3A_35 = tpu.memref_squeeze %dma_start3A_34 : memref<1x!tpu.dma_semaphore, #tpu.memory_space<semaphore_mem>> -> memref<!tpu.dma_semaphore, #tpu.memory_space<semaphore_mem>>
    tpu.enqueue_indirect_dma source(%dma_start3A_33 : memref<100000x128xf32, #tpu.memory_space<hbm>>) target(%dma_start3A_27 : memref<128x128xf32, #tpu.memory_space<vmem>>) offsets(%dma_start3A_30 : memref<128xi32, #tpu.memory_space<vmem>>) semaphore(%dma_start3A_35 : memref<!tpu.dma_semaphore, #tpu.memory_space<semaphore_mem>>)
    %dma_start3A_36 = arith.constant 2 : i32
    %dma_start3A_37 = arith.constant 2 : i32
    %dma_start3A_38 = arith.constant 2 : i32
    %dma_start3A_39 = arith.constant 0 : i32
    %dma_start3A_40 = arith.constant 0 : i32
    %dma_start3A_41 = tpu.memref_slice %arg8[%dma_start3A_37, %dma_start3A_39, %dma_start3A_40] : memref<4x128x128xf32, #tpu.memory_space<vmem>> -> memref<1x128x128xf32, #tpu.memory_space<vmem>>
    %dma_start3A_42 = tpu.memref_squeeze %dma_start3A_41 : memref<1x128x128xf32, #tpu.memory_space<vmem>> -> memref<128x128xf32, #tpu.memory_space<vmem>>
    %dma_start3A_43 = arith.constant 0 : i32
    %dma_start3A_44 = tpu.memref_slice %arg7[%dma_start3A_36, %dma_start3A_43] : memref<50x128xi32, #tpu.memory_space<vmem>> -> memref<1x128xi32, #tpu.memory_space<vmem>>
    %dma_start3A_45 = tpu.memref_squeeze %dma_start3A_44 : memref<1x128xi32, #tpu.memory_space<vmem>> -> memref<128xi32, #tpu.memory_space<vmem>>
    %dma_start3A_46 = arith.constant 0 : i32
    %dma_start3A_47 = arith.constant 0 : i32
    %dma_start3A_48 = tpu.memref_slice %arg3[%dma_start3A_46, %dma_start3A_47] : memref<100000x128xf32, #tpu.memory_space<hbm>> -> memref<100000x128xf32, #tpu.memory_space<hbm>>
    %dma_start3A_49 = tpu.memref_slice %arg13[%dma_start3A_38] : memref<4x!tpu.dma_semaphore, #tpu.memory_space<semaphore_mem>> -> memref<1x!tpu.dma_semaphore, #tpu.memory_space<semaphore_mem>>
    %dma_start3A_50 = tpu.memref_squeeze %dma_start3A_49 : memref<1x!tpu.dma_semaphore, #tpu.memory_space<semaphore_mem>> -> memref<!tpu.dma_semaphore, #tpu.memory_space<semaphore_mem>>
    tpu.enqueue_indirect_dma source(%dma_start3A_48 : memref<100000x128xf32, #tpu.memory_space<hbm>>) target(%dma_start3A_42 : memref<128x128xf32, #tpu.memory_space<vmem>>) offsets(%dma_start3A_45 : memref<128xi32, #tpu.memory_space<vmem>>) semaphore(%dma_start3A_50 : memref<!tpu.dma_semaphore, #tpu.memory_space<semaphore_mem>>)
    %dma_start3A_51 = arith.constant 3 : i32
    %dma_start3A_52 = arith.constant 3 : i32
    %dma_start3A_53 = arith.constant 3 : i32
    %dma_start3A_54 = arith.constant 0 : i32
    %dma_start3A_55 = arith.constant 0 : i32
    %dma_start3A_56 = tpu.memref_slice %arg8[%dma_start3A_52, %dma_start3A_54, %dma_start3A_55] : memref<4x128x128xf32, #tpu.memory_space<vmem>> -> memref<1x128x128xf32, #tpu.memory_space<vmem>>
    %dma_start3A_57 = tpu.memref_squeeze %dma_start3A_56 : memref<1x128x128xf32, #tpu.memory_space<vmem>> -> memref<128x128xf32, #tpu.memory_space<vmem>>
    %dma_start3A_58 = arith.constant 0 : i32
    %dma_start3A_59 = tpu.memref_slice %arg7[%dma_start3A_51, %dma_start3A_58] : memref<50x128xi32, #tpu.memory_space<vmem>> -> memref<1x128xi32, #tpu.memory_space<vmem>>
    %dma_start3A_60 = tpu.memref_squeeze %dma_start3A_59 : memref<1x128xi32, #tpu.memory_space<vmem>> -> memref<128xi32, #tpu.memory_space<vmem>>
    %dma_start3A_61 = arith.constant 0 : i32
    %dma_start3A_62 = arith.constant 0 : i32
    %dma_start3A_63 = tpu.memref_slice %arg3[%dma_start3A_61, %dma_start3A_62] : memref<100000x128xf32, #tpu.memory_space<hbm>> -> memref<100000x128xf32, #tpu.memory_space<hbm>>
    %dma_start3A_64 = tpu.memref_slice %arg13[%dma_start3A_53] : memref<4x!tpu.dma_semaphore, #tpu.memory_space<semaphore_mem>> -> memref<1x!tpu.dma_semaphore, #tpu.memory_space<semaphore_mem>>
    %dma_start3A_65 = tpu.memref_squeeze %dma_start3A_64 : memref<1x!tpu.dma_semaphore, #tpu.memory_space<semaphore_mem>> -> memref<!tpu.dma_semaphore, #tpu.memory_space<semaphore_mem>>
    tpu.enqueue_indirect_dma source(%dma_start3A_63 : memref<100000x128xf32, #tpu.memory_space<hbm>>) target(%dma_start3A_57 : memref<128x128xf32, #tpu.memory_space<vmem>>) offsets(%dma_start3A_60 : memref<128xi32, #tpu.memory_space<vmem>>) semaphore(%dma_start3A_65 : memref<!tpu.dma_semaphore, #tpu.memory_space<semaphore_mem>>)
    %scan3A = arith.constant 0 : i32
    %scan3A_66 = arith.constant 0 : i32
    %scan3A_67 = arith.constant 11 : i32
    %scan3A_68 = arith.addi %scan3A_66, %scan3A_67 : i32
    %scan3A_69 = arith.constant 1 : i32
    %scan3A_70 = scf.for %scan3A_494 = %scan3A_66 to %scan3A_68 step %scan3A_69 iter_args(%scan3A_495 = %scan3A) -> (i32)  : i32 {
      %mul3A_496 = arith.constant 4 : i32
      %mul3A_497 = arith.muli %scan3A_494, %mul3A_496 : i32
      %dma_wait3A_498 = arith.constant 0 : i32
      %dma_wait3A_499 = arith.constant 0 : i32
      %dma_wait3A_500 = arith.constant 0 : i32
      %dma_wait3A_501 = arith.constant 0 : i32
      %dma_wait3A_502 = tpu.memref_slice %arg8[%dma_wait3A_498, %dma_wait3A_500, %dma_wait3A_501] : memref<4x128x128xf32, #tpu.memory_space<vmem>> -> memref<1x128x128xf32, #tpu.memory_space<vmem>>
      %dma_wait3A_503 = tpu.memref_squeeze %dma_wait3A_502 : memref<1x128x128xf32, #tpu.memory_space<vmem>> -> memref<128x128xf32, #tpu.memory_space<vmem>>
      %dma_wait3A_504 = arith.constant 0 : i32
      %dma_wait3A_505 = arith.constant 0 : i32
      %dma_wait3A_506 = tpu.memref_slice %arg3[%dma_wait3A_504, %dma_wait3A_505] : memref<100000x128xf32, #tpu.memory_space<hbm>> -> memref<128x128xf32, #tpu.memory_space<hbm>>
      %dma_wait3A_507 = tpu.memref_slice %arg13[%dma_wait3A_499] : memref<4x!tpu.dma_semaphore, #tpu.memory_space<semaphore_mem>> -> memref<1x!tpu.dma_semaphore, #tpu.memory_space<semaphore_mem>>
      %dma_wait3A_508 = tpu.memref_squeeze %dma_wait3A_507 : memref<1x!tpu.dma_semaphore, #tpu.memory_space<semaphore_mem>> -> memref<!tpu.dma_semaphore, #tpu.memory_space<semaphore_mem>>
      %dma_wait3A_509 = arith.constant 0 : i32
      %dma_wait3A_510 = arith.constant 0 : i32
      %dma_wait3A_511 = tpu.memref_slice %arg8[%dma_wait3A_498, %dma_wait3A_509, %dma_wait3A_510] : memref<4x128x128xf32, #tpu.memory_space<vmem>> -> memref<1x128x128xf32, #tpu.memory_space<vmem>>
      %dma_wait3A_512 = tpu.memref_squeeze %dma_wait3A_511 : memref<1x128x128xf32, #tpu.memory_space<vmem>> -> memref<128x128xf32, #tpu.memory_space<vmem>>
      %dma_wait3A_513 = arith.constant 0 : i32
      %dma_wait3A_514 = arith.constant 0 : i32
      %dma_wait3A_515 = tpu.memref_slice %arg3[%dma_wait3A_513, %dma_wait3A_514] : memref<100000x128xf32, #tpu.memory_space<hbm>> -> memref<128x128xf32, #tpu.memory_space<hbm>>
      tpu.wait_dma2 semaphore(%dma_wait3A_508 : memref<!tpu.dma_semaphore, #tpu.memory_space<semaphore_mem>>) src(%dma_wait3A_515 : memref<128x128xf32, #tpu.memory_space<hbm>>) dst(%dma_wait3A_512 : memref<128x128xf32, #tpu.memory_space<vmem>>)
      %add3A_516 = arith.constant 0 : i32
      %add3A_517 = arith.addi %mul3A_497, %add3A_516 : i32
      %mul3A_518 = arith.constant 128 : i32
      %mul3A_519 = arith.muli %add3A_517, %mul3A_518 : i32
      %add3A_520 = arith.addi %mul3A_2, %mul3A_519 : i32
      %dma_start3A_521 = arith.constant 0 : i32
      %dma_start3A_522 = arith.constant 0 : i32
      %dma_start3A_523 = arith.constant 0 : i32
      %dma_start3A_524 = arith.constant 0 : i32
      %dma_start3A_525 = tpu.memref_slice %arg8[%dma_start3A_521, %dma_start3A_523, %dma_start3A_524] : memref<4x128x128xf32, #tpu.memory_space<vmem>> -> memref<1x128x128xf32, #tpu.memory_space<vmem>>
      %dma_start3A_526 = tpu.memref_squeeze %dma_start3A_525 : memref<1x128x128xf32, #tpu.memory_space<vmem>> -> memref<128x128xf32, #tpu.memory_space<vmem>>
      %dma_start3A_527 = arith.constant 0 : i32
      %dma_start3A_528 = tpu.memref_slice %arg5[%add3A_520, %dma_start3A_527] : memref<204800x128xf32, #tpu.memory_space<hbm>> -> memref<128x128xf32, #tpu.memory_space<hbm>>
      %dma_start3A_529 = tpu.memref_slice %arg14[%dma_start3A_522] : memref<4x!tpu.dma_semaphore, #tpu.memory_space<semaphore_mem>> -> memref<1x!tpu.dma_semaphore, #tpu.memory_space<semaphore_mem>>
      %dma_start3A_530 = tpu.memref_squeeze %dma_start3A_529 : memref<1x!tpu.dma_semaphore, #tpu.memory_space<semaphore_mem>> -> memref<!tpu.dma_semaphore, #tpu.memory_space<semaphore_mem>>
      %dma_start3A_531 = arith.constant 0 : i32
      %dma_start3A_532 = tpu.memref_slice %arg5[%add3A_520, %dma_start3A_531] : memref<204800x128xf32, #tpu.memory_space<hbm>> -> memref<128x128xf32, #tpu.memory_space<hbm>>
      %dma_start3A_533 = arith.constant 0 : i32
      %dma_start3A_534 = arith.constant 0 : i32
      %dma_start3A_535 = tpu.memref_slice %arg8[%dma_start3A_521, %dma_start3A_533, %dma_start3A_534] : memref<4x128x128xf32, #tpu.memory_space<vmem>> -> memref<1x128x128xf32, #tpu.memory_space<vmem>>
      %dma_start3A_536 = tpu.memref_squeeze %dma_start3A_535 : memref<1x128x128xf32, #tpu.memory_space<vmem>> -> memref<128x128xf32, #tpu.memory_space<vmem>>
      tpu.enqueue_dma source(%dma_start3A_536 : memref<128x128xf32, #tpu.memory_space<vmem>>) target(%dma_start3A_532 : memref<128x128xf32, #tpu.memory_space<hbm>>) target_semaphore(%dma_start3A_530 : memref<!tpu.dma_semaphore, #tpu.memory_space<semaphore_mem>>)
      %add3A_537 = arith.constant 0 : i32
      %add3A_538 = arith.addi %mul3A_497, %add3A_537 : i32
      %mul3A_539 = arith.constant 128 : i32
      %mul3A_540 = arith.muli %add3A_538, %mul3A_539 : i32
      %add3A_541 = arith.addi %mul3A_2, %mul3A_540 : i32
      %dma_wait3A_542 = arith.constant 0 : i32
      %dma_wait3A_543 = arith.constant 0 : i32
      %dma_wait3A_544 = arith.constant 0 : i32
      %dma_wait3A_545 = arith.constant 0 : i32
      %dma_wait3A_546 = tpu.memref_slice %arg8[%dma_wait3A_542, %dma_wait3A_544, %dma_wait3A_545] : memref<4x128x128xf32, #tpu.memory_space<vmem>> -> memref<1x128x128xf32, #tpu.memory_space<vmem>>
      %dma_wait3A_547 = tpu.memref_squeeze %dma_wait3A_546 : memref<1x128x128xf32, #tpu.memory_space<vmem>> -> memref<128x128xf32, #tpu.memory_space<vmem>>
      %dma_wait3A_548 = arith.constant 0 : i32
      %dma_wait3A_549 = tpu.memref_slice %arg5[%add3A_541, %dma_wait3A_548] : memref<204800x128xf32, #tpu.memory_space<hbm>> -> memref<128x128xf32, #tpu.memory_space<hbm>>
      %dma_wait3A_550 = tpu.memref_slice %arg14[%dma_wait3A_543] : memref<4x!tpu.dma_semaphore, #tpu.memory_space<semaphore_mem>> -> memref<1x!tpu.dma_semaphore, #tpu.memory_space<semaphore_mem>>
      %dma_wait3A_551 = tpu.memref_squeeze %dma_wait3A_550 : memref<1x!tpu.dma_semaphore, #tpu.memory_space<semaphore_mem>> -> memref<!tpu.dma_semaphore, #tpu.memory_space<semaphore_mem>>
      %dma_wait3A_552 = arith.constant 0 : i32
      %dma_wait3A_553 = tpu.memref_slice %arg5[%add3A_541, %dma_wait3A_552] : memref<204800x128xf32, #tpu.memory_space<hbm>> -> memref<128x128xf32, #tpu.memory_space<hbm>>
      %dma_wait3A_554 = arith.constant 0 : i32
      %dma_wait3A_555 = arith.constant 0 : i32
      %dma_wait3A_556 = tpu.memref_slice %arg8[%dma_wait3A_542, %dma_wait3A_554, %dma_wait3A_555] : memref<4x128x128xf32, #tpu.memory_space<vmem>> -> memref<1x128x128xf32, #tpu.memory_space<vmem>>
      %dma_wait3A_557 = tpu.memref_squeeze %dma_wait3A_556 : memref<1x128x128xf32, #tpu.memory_space<vmem>> -> memref<128x128xf32, #tpu.memory_space<vmem>>
      tpu.wait_dma2 semaphore(%dma_wait3A_551 : memref<!tpu.dma_semaphore, #tpu.memory_space<semaphore_mem>>) src(%dma_wait3A_557 : memref<128x128xf32, #tpu.memory_space<vmem>>) dst(%dma_wait3A_553 : memref<128x128xf32, #tpu.memory_space<hbm>>)
      %add3A_558 = arith.constant 0 : i32
      %add3A_559 = arith.addi %mul3A_497, %add3A_558 : i32
      %add3A_560 = arith.constant 4 : i32
      %add3A_561 = arith.addi %add3A_559, %add3A_560 : i32
      %dma_start3A_562 = arith.constant 0 : i32
      %dma_start3A_563 = arith.constant 0 : i32
      %dma_start3A_564 = arith.constant 0 : i32
      %dma_start3A_565 = arith.constant 0 : i32
      %dma_start3A_566 = tpu.memref_slice %arg8[%dma_start3A_562, %dma_start3A_564, %dma_start3A_565] : memref<4x128x128xf32, #tpu.memory_space<vmem>> -> memref<1x128x128xf32, #tpu.memory_space<vmem>>
      %dma_start3A_567 = tpu.memref_squeeze %dma_start3A_566 : memref<1x128x128xf32, #tpu.memory_space<vmem>> -> memref<128x128xf32, #tpu.memory_space<vmem>>
      %dma_start3A_568 = arith.constant 0 : i32
      %dma_start3A_569 = tpu.memref_slice %arg7[%add3A_561, %dma_start3A_568] : memref<50x128xi32, #tpu.memory_space<vmem>> -> memref<1x128xi32, #tpu.memory_space<vmem>>
      %dma_start3A_570 = tpu.memref_squeeze %dma_start3A_569 : memref<1x128xi32, #tpu.memory_space<vmem>> -> memref<128xi32, #tpu.memory_space<vmem>>
      %dma_start3A_571 = arith.constant 0 : i32
      %dma_start3A_572 = arith.constant 0 : i32
      %dma_start3A_573 = tpu.memref_slice %arg3[%dma_start3A_571, %dma_start3A_572] : memref<100000x128xf32, #tpu.memory_space<hbm>> -> memref<100000x128xf32, #tpu.memory_space<hbm>>
      %dma_start3A_574 = tpu.memref_slice %arg13[%dma_start3A_563] : memref<4x!tpu.dma_semaphore, #tpu.memory_space<semaphore_mem>> -> memref<1x!tpu.dma_semaphore, #tpu.memory_space<semaphore_mem>>
      %dma_start3A_575 = tpu.memref_squeeze %dma_start3A_574 : memref<1x!tpu.dma_semaphore, #tpu.memory_space<semaphore_mem>> -> memref<!tpu.dma_semaphore, #tpu.memory_space<semaphore_mem>>
      tpu.enqueue_indirect_dma source(%dma_start3A_573 : memref<100000x128xf32, #tpu.memory_space<hbm>>) target(%dma_start3A_567 : memref<128x128xf32, #tpu.memory_space<vmem>>) offsets(%dma_start3A_570 : memref<128xi32, #tpu.memory_space<vmem>>) semaphore(%dma_start3A_575 : memref<!tpu.dma_semaphore, #tpu.memory_space<semaphore_mem>>)
      %dma_wait3A_576 = arith.constant 1 : i32
      %dma_wait3A_577 = arith.constant 1 : i32
      %dma_wait3A_578 = arith.constant 0 : i32
      %dma_wait3A_579 = arith.constant 0 : i32
      %dma_wait3A_580 = tpu.memref_slice %arg8[%dma_wait3A_576, %dma_wait3A_578, %dma_wait3A_579] : memref<4x128x128xf32, #tpu.memory_space<vmem>> -> memref<1x128x128xf32, #tpu.memory_space<vmem>>
      %dma_wait3A_581 = tpu.memref_squeeze %dma_wait3A_580 : memref<1x128x128xf32, #tpu.memory_space<vmem>> -> memref<128x128xf32, #tpu.memory_space<vmem>>
      %dma_wait3A_582 = arith.constant 0 : i32
      %dma_wait3A_583 = arith.constant 0 : i32
      %dma_wait3A_584 = tpu.memref_slice %arg3[%dma_wait3A_582, %dma_wait3A_583] : memref<100000x128xf32, #tpu.memory_space<hbm>> -> memref<128x128xf32, #tpu.memory_space<hbm>>
      %dma_wait3A_585 = tpu.memref_slice %arg13[%dma_wait3A_577] : memref<4x!tpu.dma_semaphore, #tpu.memory_space<semaphore_mem>> -> memref<1x!tpu.dma_semaphore, #tpu.memory_space<semaphore_mem>>
      %dma_wait3A_586 = tpu.memref_squeeze %dma_wait3A_585 : memref<1x!tpu.dma_semaphore, #tpu.memory_space<semaphore_mem>> -> memref<!tpu.dma_semaphore, #tpu.memory_space<semaphore_mem>>
      %dma_wait3A_587 = arith.constant 0 : i32
      %dma_wait3A_588 = arith.constant 0 : i32
      %dma_wait3A_589 = tpu.memref_slice %arg8[%dma_wait3A_576, %dma_wait3A_587, %dma_wait3A_588] : memref<4x128x128xf32, #tpu.memory_space<vmem>> -> memref<1x128x128xf32, #tpu.memory_space<vmem>>
      %dma_wait3A_590 = tpu.memref_squeeze %dma_wait3A_589 : memref<1x128x128xf32, #tpu.memory_space<vmem>> -> memref<128x128xf32, #tpu.memory_space<vmem>>
      %dma_wait3A_591 = arith.constant 0 : i32
      %dma_wait3A_592 = arith.constant 0 : i32
      %dma_wait3A_593 = tpu.memref_slice %arg3[%dma_wait3A_591, %dma_wait3A_592] : memref<100000x128xf32, #tpu.memory_space<hbm>> -> memref<128x128xf32, #tpu.memory_space<hbm>>
      tpu.wait_dma2 semaphore(%dma_wait3A_586 : memref<!tpu.dma_semaphore, #tpu.memory_space<semaphore_mem>>) src(%dma_wait3A_593 : memref<128x128xf32, #tpu.memory_space<hbm>>) dst(%dma_wait3A_590 : memref<128x128xf32, #tpu.memory_space<vmem>>)
      %add3A_594 = arith.constant 1 : i32
      %add3A_595 = arith.addi %mul3A_497, %add3A_594 : i32
      %mul3A_596 = arith.constant 128 : i32
      %mul3A_597 = arith.muli %add3A_595, %mul3A_596 : i32
      %add3A_598 = arith.addi %mul3A_2, %mul3A_597 : i32
      %dma_start3A_599 = arith.constant 1 : i32
      %dma_start3A_600 = arith.constant 1 : i32
      %dma_start3A_601 = arith.constant 0 : i32
      %dma_start3A_602 = arith.constant 0 : i32
      %dma_start3A_603 = tpu.memref_slice %arg8[%dma_start3A_599, %dma_start3A_601, %dma_start3A_602] : memref<4x128x128xf32, #tpu.memory_space<vmem>> -> memref<1x128x128xf32, #tpu.memory_space<vmem>>
      %dma_start3A_604 = tpu.memref_squeeze %dma_start3A_603 : memref<1x128x128xf32, #tpu.memory_space<vmem>> -> memref<128x128xf32, #tpu.memory_space<vmem>>
      %dma_start3A_605 = arith.constant 0 : i32
      %dma_start3A_606 = tpu.memref_slice %arg5[%add3A_598, %dma_start3A_605] : memref<204800x128xf32, #tpu.memory_space<hbm>> -> memref<128x128xf32, #tpu.memory_space<hbm>>
      %dma_start3A_607 = tpu.memref_slice %arg14[%dma_start3A_600] : memref<4x!tpu.dma_semaphore, #tpu.memory_space<semaphore_mem>> -> memref<1x!tpu.dma_semaphore, #tpu.memory_space<semaphore_mem>>
      %dma_start3A_608 = tpu.memref_squeeze %dma_start3A_607 : memref<1x!tpu.dma_semaphore, #tpu.memory_space<semaphore_mem>> -> memref<!tpu.dma_semaphore, #tpu.memory_space<semaphore_mem>>
      %dma_start3A_609 = arith.constant 0 : i32
      %dma_start3A_610 = tpu.memref_slice %arg5[%add3A_598, %dma_start3A_609] : memref<204800x128xf32, #tpu.memory_space<hbm>> -> memref<128x128xf32, #tpu.memory_space<hbm>>
      %dma_start3A_611 = arith.constant 0 : i32
      %dma_start3A_612 = arith.constant 0 : i32
      %dma_start3A_613 = tpu.memref_slice %arg8[%dma_start3A_599, %dma_start3A_611, %dma_start3A_612] : memref<4x128x128xf32, #tpu.memory_space<vmem>> -> memref<1x128x128xf32, #tpu.memory_space<vmem>>
      %dma_start3A_614 = tpu.memref_squeeze %dma_start3A_613 : memref<1x128x128xf32, #tpu.memory_space<vmem>> -> memref<128x128xf32, #tpu.memory_space<vmem>>
      tpu.enqueue_dma source(%dma_start3A_614 : memref<128x128xf32, #tpu.memory_space<vmem>>) target(%dma_start3A_610 : memref<128x128xf32, #tpu.memory_space<hbm>>) target_semaphore(%dma_start3A_608 : memref<!tpu.dma_semaphore, #tpu.memory_space<semaphore_mem>>)
      %add3A_615 = arith.constant 1 : i32
      %add3A_616 = arith.addi %mul3A_497, %add3A_615 : i32
      %mul3A_617 = arith.constant 128 : i32
      %mul3A_618 = arith.muli %add3A_616, %mul3A_617 : i32
      %add3A_619 = arith.addi %mul3A_2, %mul3A_618 : i32
      %dma_wait3A_620 = arith.constant 1 : i32
      %dma_wait3A_621 = arith.constant 1 : i32
      %dma_wait3A_622 = arith.constant 0 : i32
      %dma_wait3A_623 = arith.constant 0 : i32
      %dma_wait3A_624 = tpu.memref_slice %arg8[%dma_wait3A_620, %dma_wait3A_622, %dma_wait3A_623] : memref<4x128x128xf32, #tpu.memory_space<vmem>> -> memref<1x128x128xf32, #tpu.memory_space<vmem>>
      %dma_wait3A_625 = tpu.memref_squeeze %dma_wait3A_624 : memref<1x128x128xf32, #tpu.memory_space<vmem>> -> memref<128x128xf32, #tpu.memory_space<vmem>>
      %dma_wait3A_626 = arith.constant 0 : i32
      %dma_wait3A_627 = tpu.memref_slice %arg5[%add3A_619, %dma_wait3A_626] : memref<204800x128xf32, #tpu.memory_space<hbm>> -> memref<128x128xf32, #tpu.memory_space<hbm>>
      %dma_wait3A_628 = tpu.memref_slice %arg14[%dma_wait3A_621] : memref<4x!tpu.dma_semaphore, #tpu.memory_space<semaphore_mem>> -> memref<1x!tpu.dma_semaphore, #tpu.memory_space<semaphore_mem>>
      %dma_wait3A_629 = tpu.memref_squeeze %dma_wait3A_628 : memref<1x!tpu.dma_semaphore, #tpu.memory_space<semaphore_mem>> -> memref<!tpu.dma_semaphore, #tpu.memory_space<semaphore_mem>>
      %dma_wait3A_630 = arith.constant 0 : i32
      %dma_wait3A_631 = tpu.memref_slice %arg5[%add3A_619, %dma_wait3A_630] : memref<204800x128xf32, #tpu.memory_space<hbm>> -> memref<128x128xf32, #tpu.memory_space<hbm>>
      %dma_wait3A_632 = arith.constant 0 : i32
      %dma_wait3A_633 = arith.constant 0 : i32
      %dma_wait3A_634 = tpu.memref_slice %arg8[%dma_wait3A_620, %dma_wait3A_632, %dma_wait3A_633] : memref<4x128x128xf32, #tpu.memory_space<vmem>> -> memref<1x128x128xf32, #tpu.memory_space<vmem>>
      %dma_wait3A_635 = tpu.memref_squeeze %dma_wait3A_634 : memref<1x128x128xf32, #tpu.memory_space<vmem>> -> memref<128x128xf32, #tpu.memory_space<vmem>>
      tpu.wait_dma2 semaphore(%dma_wait3A_629 : memref<!tpu.dma_semaphore, #tpu.memory_space<semaphore_mem>>) src(%dma_wait3A_635 : memref<128x128xf32, #tpu.memory_space<vmem>>) dst(%dma_wait3A_631 : memref<128x128xf32, #tpu.memory_space<hbm>>)
      %add3A_636 = arith.constant 1 : i32
      %add3A_637 = arith.addi %mul3A_497, %add3A_636 : i32
      %add3A_638 = arith.constant 4 : i32
      %add3A_639 = arith.addi %add3A_637, %add3A_638 : i32
      %dma_start3A_640 = arith.constant 1 : i32
      %dma_start3A_641 = arith.constant 1 : i32
      %dma_start3A_642 = arith.constant 0 : i32
      %dma_start3A_643 = arith.constant 0 : i32
      %dma_start3A_644 = tpu.memref_slice %arg8[%dma_start3A_640, %dma_start3A_642, %dma_start3A_643] : memref<4x128x128xf32, #tpu.memory_space<vmem>> -> memref<1x128x128xf32, #tpu.memory_space<vmem>>
      %dma_start3A_645 = tpu.memref_squeeze %dma_start3A_644 : memref<1x128x128xf32, #tpu.memory_space<vmem>> -> memref<128x128xf32, #tpu.memory_space<vmem>>
      %dma_start3A_646 = arith.constant 0 : i32
      %dma_start3A_647 = tpu.memref_slice %arg7[%add3A_639, %dma_start3A_646] : memref<50x128xi32, #tpu.memory_space<vmem>> -> memref<1x128xi32, #tpu.memory_space<vmem>>
      %dma_start3A_648 = tpu.memref_squeeze %dma_start3A_647 : memref<1x128xi32, #tpu.memory_space<vmem>> -> memref<128xi32, #tpu.memory_space<vmem>>
      %dma_start3A_649 = arith.constant 0 : i32
      %dma_start3A_650 = arith.constant 0 : i32
      %dma_start3A_651 = tpu.memref_slice %arg3[%dma_start3A_649, %dma_start3A_650] : memref<100000x128xf32, #tpu.memory_space<hbm>> -> memref<100000x128xf32, #tpu.memory_space<hbm>>
      %dma_start3A_652 = tpu.memref_slice %arg13[%dma_start3A_641] : memref<4x!tpu.dma_semaphore, #tpu.memory_space<semaphore_mem>> -> memref<1x!tpu.dma_semaphore, #tpu.memory_space<semaphore_mem>>
      %dma_start3A_653 = tpu.memref_squeeze %dma_start3A_652 : memref<1x!tpu.dma_semaphore, #tpu.memory_space<semaphore_mem>> -> memref<!tpu.dma_semaphore, #tpu.memory_space<semaphore_mem>>
      tpu.enqueue_indirect_dma source(%dma_start3A_651 : memref<100000x128xf32, #tpu.memory_space<hbm>>) target(%dma_start3A_645 : memref<128x128xf32, #tpu.memory_space<vmem>>) offsets(%dma_start3A_648 : memref<128xi32, #tpu.memory_space<vmem>>) semaphore(%dma_start3A_653 : memref<!tpu.dma_semaphore, #tpu.memory_space<semaphore_mem>>)
      %dma_wait3A_654 = arith.constant 2 : i32
      %dma_wait3A_655 = arith.constant 2 : i32
      %dma_wait3A_656 = arith.constant 0 : i32
      %dma_wait3A_657 = arith.constant 0 : i32
      %dma_wait3A_658 = tpu.memref_slice %arg8[%dma_wait3A_654, %dma_wait3A_656, %dma_wait3A_657] : memref<4x128x128xf32, #tpu.memory_space<vmem>> -> memref<1x128x128xf32, #tpu.memory_space<vmem>>
      %dma_wait3A_659 = tpu.memref_squeeze %dma_wait3A_658 : memref<1x128x128xf32, #tpu.memory_space<vmem>> -> memref<128x128xf32, #tpu.memory_space<vmem>>
      %dma_wait3A_660 = arith.constant 0 : i32
      %dma_wait3A_661 = arith.constant 0 : i32
      %dma_wait3A_662 = tpu.memref_slice %arg3[%dma_wait3A_660, %dma_wait3A_661] : memref<100000x128xf32, #tpu.memory_space<hbm>> -> memref<128x128xf32, #tpu.memory_space<hbm>>
      %dma_wait3A_663 = tpu.memref_slice %arg13[%dma_wait3A_655] : memref<4x!tpu.dma_semaphore, #tpu.memory_space<semaphore_mem>> -> memref<1x!tpu.dma_semaphore, #tpu.memory_space<semaphore_mem>>
      %dma_wait3A_664 = tpu.memref_squeeze %dma_wait3A_663 : memref<1x!tpu.dma_semaphore, #tpu.memory_space<semaphore_mem>> -> memref<!tpu.dma_semaphore, #tpu.memory_space<semaphore_mem>>
      %dma_wait3A_665 = arith.constant 0 : i32
      %dma_wait3A_666 = arith.constant 0 : i32
      %dma_wait3A_667 = tpu.memref_slice %arg8[%dma_wait3A_654, %dma_wait3A_665, %dma_wait3A_666] : memref<4x128x128xf32, #tpu.memory_space<vmem>> -> memref<1x128x128xf32, #tpu.memory_space<vmem>>
      %dma_wait3A_668 = tpu.memref_squeeze %dma_wait3A_667 : memref<1x128x128xf32, #tpu.memory_space<vmem>> -> memref<128x128xf32, #tpu.memory_space<vmem>>
      %dma_wait3A_669 = arith.constant 0 : i32
      %dma_wait3A_670 = arith.constant 0 : i32
      %dma_wait3A_671 = tpu.memref_slice %arg3[%dma_wait3A_669, %dma_wait3A_670] : memref<100000x128xf32, #tpu.memory_space<hbm>> -> memref<128x128xf32, #tpu.memory_space<hbm>>
      tpu.wait_dma2 semaphore(%dma_wait3A_664 : memref<!tpu.dma_semaphore, #tpu.memory_space<semaphore_mem>>) src(%dma_wait3A_671 : memref<128x128xf32, #tpu.memory_space<hbm>>) dst(%dma_wait3A_668 : memref<128x128xf32, #tpu.memory_space<vmem>>)
      %add3A_672 = arith.constant 2 : i32
      %add3A_673 = arith.addi %mul3A_497, %add3A_672 : i32
      %mul3A_674 = arith.constant 128 : i32
      %mul3A_675 = arith.muli %add3A_673, %mul3A_674 : i32
      %add3A_676 = arith.addi %mul3A_2, %mul3A_675 : i32
      %dma_start3A_677 = arith.constant 2 : i32
      %dma_start3A_678 = arith.constant 2 : i32
      %dma_start3A_679 = arith.constant 0 : i32
      %dma_start3A_680 = arith.constant 0 : i32
      %dma_start3A_681 = tpu.memref_slice %arg8[%dma_start3A_677, %dma_start3A_679, %dma_start3A_680] : memref<4x128x128xf32, #tpu.memory_space<vmem>> -> memref<1x128x128xf32, #tpu.memory_space<vmem>>
      %dma_start3A_682 = tpu.memref_squeeze %dma_start3A_681 : memref<1x128x128xf32, #tpu.memory_space<vmem>> -> memref<128x128xf32, #tpu.memory_space<vmem>>
      %dma_start3A_683 = arith.constant 0 : i32
      %dma_start3A_684 = tpu.memref_slice %arg5[%add3A_676, %dma_start3A_683] : memref<204800x128xf32, #tpu.memory_space<hbm>> -> memref<128x128xf32, #tpu.memory_space<hbm>>
      %dma_start3A_685 = tpu.memref_slice %arg14[%dma_start3A_678] : memref<4x!tpu.dma_semaphore, #tpu.memory_space<semaphore_mem>> -> memref<1x!tpu.dma_semaphore, #tpu.memory_space<semaphore_mem>>
      %dma_start3A_686 = tpu.memref_squeeze %dma_start3A_685 : memref<1x!tpu.dma_semaphore, #tpu.memory_space<semaphore_mem>> -> memref<!tpu.dma_semaphore, #tpu.memory_space<semaphore_mem>>
      %dma_start3A_687 = arith.constant 0 : i32
      %dma_start3A_688 = tpu.memref_slice %arg5[%add3A_676, %dma_start3A_687] : memref<204800x128xf32, #tpu.memory_space<hbm>> -> memref<128x128xf32, #tpu.memory_space<hbm>>
      %dma_start3A_689 = arith.constant 0 : i32
      %dma_start3A_690 = arith.constant 0 : i32
      %dma_start3A_691 = tpu.memref_slice %arg8[%dma_start3A_677, %dma_start3A_689, %dma_start3A_690] : memref<4x128x128xf32, #tpu.memory_space<vmem>> -> memref<1x128x128xf32, #tpu.memory_space<vmem>>
      %dma_start3A_692 = tpu.memref_squeeze %dma_start3A_691 : memref<1x128x128xf32, #tpu.memory_space<vmem>> -> memref<128x128xf32, #tpu.memory_space<vmem>>
      tpu.enqueue_dma source(%dma_start3A_692 : memref<128x128xf32, #tpu.memory_space<vmem>>) target(%dma_start3A_688 : memref<128x128xf32, #tpu.memory_space<hbm>>) target_semaphore(%dma_start3A_686 : memref<!tpu.dma_semaphore, #tpu.memory_space<semaphore_mem>>)
      %add3A_693 = arith.constant 2 : i32
      %add3A_694 = arith.addi %mul3A_497, %add3A_693 : i32
      %mul3A_695 = arith.constant 128 : i32
      %mul3A_696 = arith.muli %add3A_694, %mul3A_695 : i32
      %add3A_697 = arith.addi %mul3A_2, %mul3A_696 : i32
      %dma_wait3A_698 = arith.constant 2 : i32
      %dma_wait3A_699 = arith.constant 2 : i32
      %dma_wait3A_700 = arith.constant 0 : i32
      %dma_wait3A_701 = arith.constant 0 : i32
      %dma_wait3A_702 = tpu.memref_slice %arg8[%dma_wait3A_698, %dma_wait3A_700, %dma_wait3A_701] : memref<4x128x128xf32, #tpu.memory_space<vmem>> -> memref<1x128x128xf32, #tpu.memory_space<vmem>>
      %dma_wait3A_703 = tpu.memref_squeeze %dma_wait3A_702 : memref<1x128x128xf32, #tpu.memory_space<vmem>> -> memref<128x128xf32, #tpu.memory_space<vmem>>
      %dma_wait3A_704 = arith.constant 0 : i32
      %dma_wait3A_705 = tpu.memref_slice %arg5[%add3A_697, %dma_wait3A_704] : memref<204800x128xf32, #tpu.memory_space<hbm>> -> memref<128x128xf32, #tpu.memory_space<hbm>>
      %dma_wait3A_706 = tpu.memref_slice %arg14[%dma_wait3A_699] : memref<4x!tpu.dma_semaphore, #tpu.memory_space<semaphore_mem>> -> memref<1x!tpu.dma_semaphore, #tpu.memory_space<semaphore_mem>>
      %dma_wait3A_707 = tpu.memref_squeeze %dma_wait3A_706 : memref<1x!tpu.dma_semaphore, #tpu.memory_space<semaphore_mem>> -> memref<!tpu.dma_semaphore, #tpu.memory_space<semaphore_mem>>
      %dma_wait3A_708 = arith.constant 0 : i32
      %dma_wait3A_709 = tpu.memref_slice %arg5[%add3A_697, %dma_wait3A_708] : memref<204800x128xf32, #tpu.memory_space<hbm>> -> memref<128x128xf32, #tpu.memory_space<hbm>>
      %dma_wait3A_710 = arith.constant 0 : i32
      %dma_wait3A_711 = arith.constant 0 : i32
      %dma_wait3A_712 = tpu.memref_slice %arg8[%dma_wait3A_698, %dma_wait3A_710, %dma_wait3A_711] : memref<4x128x128xf32, #tpu.memory_space<vmem>> -> memref<1x128x128xf32, #tpu.memory_space<vmem>>
      %dma_wait3A_713 = tpu.memref_squeeze %dma_wait3A_712 : memref<1x128x128xf32, #tpu.memory_space<vmem>> -> memref<128x128xf32, #tpu.memory_space<vmem>>
      tpu.wait_dma2 semaphore(%dma_wait3A_707 : memref<!tpu.dma_semaphore, #tpu.memory_space<semaphore_mem>>) src(%dma_wait3A_713 : memref<128x128xf32, #tpu.memory_space<vmem>>) dst(%dma_wait3A_709 : memref<128x128xf32, #tpu.memory_space<hbm>>)
      %add3A_714 = arith.constant 2 : i32
      %add3A_715 = arith.addi %mul3A_497, %add3A_714 : i32
      %add3A_716 = arith.constant 4 : i32
      %add3A_717 = arith.addi %add3A_715, %add3A_716 : i32
      %dma_start3A_718 = arith.constant 2 : i32
      %dma_start3A_719 = arith.constant 2 : i32
      %dma_start3A_720 = arith.constant 0 : i32
      %dma_start3A_721 = arith.constant 0 : i32
      %dma_start3A_722 = tpu.memref_slice %arg8[%dma_start3A_718, %dma_start3A_720, %dma_start3A_721] : memref<4x128x128xf32, #tpu.memory_space<vmem>> -> memref<1x128x128xf32, #tpu.memory_space<vmem>>
      %dma_start3A_723 = tpu.memref_squeeze %dma_start3A_722 : memref<1x128x128xf32, #tpu.memory_space<vmem>> -> memref<128x128xf32, #tpu.memory_space<vmem>>
      %dma_start3A_724 = arith.constant 0 : i32
      %dma_start3A_725 = tpu.memref_slice %arg7[%add3A_717, %dma_start3A_724] : memref<50x128xi32, #tpu.memory_space<vmem>> -> memref<1x128xi32, #tpu.memory_space<vmem>>
      %dma_start3A_726 = tpu.memref_squeeze %dma_start3A_725 : memref<1x128xi32, #tpu.memory_space<vmem>> -> memref<128xi32, #tpu.memory_space<vmem>>
      %dma_start3A_727 = arith.constant 0 : i32
      %dma_start3A_728 = arith.constant 0 : i32
      %dma_start3A_729 = tpu.memref_slice %arg3[%dma_start3A_727, %dma_start3A_728] : memref<100000x128xf32, #tpu.memory_space<hbm>> -> memref<100000x128xf32, #tpu.memory_space<hbm>>
      %dma_start3A_730 = tpu.memref_slice %arg13[%dma_start3A_719] : memref<4x!tpu.dma_semaphore, #tpu.memory_space<semaphore_mem>> -> memref<1x!tpu.dma_semaphore, #tpu.memory_space<semaphore_mem>>
      %dma_start3A_731 = tpu.memref_squeeze %dma_start3A_730 : memref<1x!tpu.dma_semaphore, #tpu.memory_space<semaphore_mem>> -> memref<!tpu.dma_semaphore, #tpu.memory_space<semaphore_mem>>
      tpu.enqueue_indirect_dma source(%dma_start3A_729 : memref<100000x128xf32, #tpu.memory_space<hbm>>) target(%dma_start3A_723 : memref<128x128xf32, #tpu.memory_space<vmem>>) offsets(%dma_start3A_726 : memref<128xi32, #tpu.memory_space<vmem>>) semaphore(%dma_start3A_731 : memref<!tpu.dma_semaphore, #tpu.memory_space<semaphore_mem>>)
      %dma_wait3A_732 = arith.constant 3 : i32
      %dma_wait3A_733 = arith.constant 3 : i32
      %dma_wait3A_734 = arith.constant 0 : i32
      %dma_wait3A_735 = arith.constant 0 : i32
      %dma_wait3A_736 = tpu.memref_slice %arg8[%dma_wait3A_732, %dma_wait3A_734, %dma_wait3A_735] : memref<4x128x128xf32, #tpu.memory_space<vmem>> -> memref<1x128x128xf32, #tpu.memory_space<vmem>>
      %dma_wait3A_737 = tpu.memref_squeeze %dma_wait3A_736 : memref<1x128x128xf32, #tpu.memory_space<vmem>> -> memref<128x128xf32, #tpu.memory_space<vmem>>
      %dma_wait3A_738 = arith.constant 0 : i32
      %dma_wait3A_739 = arith.constant 0 : i32
      %dma_wait3A_740 = tpu.memref_slice %arg3[%dma_wait3A_738, %dma_wait3A_739] : memref<100000x128xf32, #tpu.memory_space<hbm>> -> memref<128x128xf32, #tpu.memory_space<hbm>>
      %dma_wait3A_741 = tpu.memref_slice %arg13[%dma_wait3A_733] : memref<4x!tpu.dma_semaphore, #tpu.memory_space<semaphore_mem>> -> memref<1x!tpu.dma_semaphore, #tpu.memory_space<semaphore_mem>>
      %dma_wait3A_742 = tpu.memref_squeeze %dma_wait3A_741 : memref<1x!tpu.dma_semaphore, #tpu.memory_space<semaphore_mem>> -> memref<!tpu.dma_semaphore, #tpu.memory_space<semaphore_mem>>
      %dma_wait3A_743 = arith.constant 0 : i32
      %dma_wait3A_744 = arith.constant 0 : i32
      %dma_wait3A_745 = tpu.memref_slice %arg8[%dma_wait3A_732, %dma_wait3A_743, %dma_wait3A_744] : memref<4x128x128xf32, #tpu.memory_space<vmem>> -> memref<1x128x128xf32, #tpu.memory_space<vmem>>
      %dma_wait3A_746 = tpu.memref_squeeze %dma_wait3A_745 : memref<1x128x128xf32, #tpu.memory_space<vmem>> -> memref<128x128xf32, #tpu.memory_space<vmem>>
      %dma_wait3A_747 = arith.constant 0 : i32
      %dma_wait3A_748 = arith.constant 0 : i32
      %dma_wait3A_749 = tpu.memref_slice %arg3[%dma_wait3A_747, %dma_wait3A_748] : memref<100000x128xf32, #tpu.memory_space<hbm>> -> memref<128x128xf32, #tpu.memory_space<hbm>>
      tpu.wait_dma2 semaphore(%dma_wait3A_742 : memref<!tpu.dma_semaphore, #tpu.memory_space<semaphore_mem>>) src(%dma_wait3A_749 : memref<128x128xf32, #tpu.memory_space<hbm>>) dst(%dma_wait3A_746 : memref<128x128xf32, #tpu.memory_space<vmem>>)
      %add3A_750 = arith.constant 3 : i32
      %add3A_751 = arith.addi %mul3A_497, %add3A_750 : i32
      %mul3A_752 = arith.constant 128 : i32
      %mul3A_753 = arith.muli %add3A_751, %mul3A_752 : i32
      %add3A_754 = arith.addi %mul3A_2, %mul3A_753 : i32
      %dma_start3A_755 = arith.constant 3 : i32
      %dma_start3A_756 = arith.constant 3 : i32
      %dma_start3A_757 = arith.constant 0 : i32
      %dma_start3A_758 = arith.constant 0 : i32
      %dma_start3A_759 = tpu.memref_slice %arg8[%dma_start3A_755, %dma_start3A_757, %dma_start3A_758] : memref<4x128x128xf32, #tpu.memory_space<vmem>> -> memref<1x128x128xf32, #tpu.memory_space<vmem>>
      %dma_start3A_760 = tpu.memref_squeeze %dma_start3A_759 : memref<1x128x128xf32, #tpu.memory_space<vmem>> -> memref<128x128xf32, #tpu.memory_space<vmem>>
      %dma_start3A_761 = arith.constant 0 : i32
      %dma_start3A_762 = tpu.memref_slice %arg5[%add3A_754, %dma_start3A_761] : memref<204800x128xf32, #tpu.memory_space<hbm>> -> memref<128x128xf32, #tpu.memory_space<hbm>>
      %dma_start3A_763 = tpu.memref_slice %arg14[%dma_start3A_756] : memref<4x!tpu.dma_semaphore, #tpu.memory_space<semaphore_mem>> -> memref<1x!tpu.dma_semaphore, #tpu.memory_space<semaphore_mem>>
      %dma_start3A_764 = tpu.memref_squeeze %dma_start3A_763 : memref<1x!tpu.dma_semaphore, #tpu.memory_space<semaphore_mem>> -> memref<!tpu.dma_semaphore, #tpu.memory_space<semaphore_mem>>
      %dma_start3A_765 = arith.constant 0 : i32
      %dma_start3A_766 = tpu.memref_slice %arg5[%add3A_754, %dma_start3A_765] : memref<204800x128xf32, #tpu.memory_space<hbm>> -> memref<128x128xf32, #tpu.memory_space<hbm>>
      %dma_start3A_767 = arith.constant 0 : i32
      %dma_start3A_768 = arith.constant 0 : i32
      %dma_start3A_769 = tpu.memref_slice %arg8[%dma_start3A_755, %dma_start3A_767, %dma_start3A_768] : memref<4x128x128xf32, #tpu.memory_space<vmem>> -> memref<1x128x128xf32, #tpu.memory_space<vmem>>
      %dma_start3A_770 = tpu.memref_squeeze %dma_start3A_769 : memref<1x128x128xf32, #tpu.memory_space<vmem>> -> memref<128x128xf32, #tpu.memory_space<vmem>>
      tpu.enqueue_dma source(%dma_start3A_770 : memref<128x128xf32, #tpu.memory_space<vmem>>) target(%dma_start3A_766 : memref<128x128xf32, #tpu.memory_space<hbm>>) target_semaphore(%dma_start3A_764 : memref<!tpu.dma_semaphore, #tpu.memory_space<semaphore_mem>>)
      %add3A_771 = arith.constant 3 : i32
      %add3A_772 = arith.addi %mul3A_497, %add3A_771 : i32
      %mul3A_773 = arith.constant 128 : i32
      %mul3A_774 = arith.muli %add3A_772, %mul3A_773 : i32
      %add3A_775 = arith.addi %mul3A_2, %mul3A_774 : i32
      %dma_wait3A_776 = arith.constant 3 : i32
      %dma_wait3A_777 = arith.constant 3 : i32
      %dma_wait3A_778 = arith.constant 0 : i32
      %dma_wait3A_779 = arith.constant 0 : i32
      %dma_wait3A_780 = tpu.memref_slice %arg8[%dma_wait3A_776, %dma_wait3A_778, %dma_wait3A_779] : memref<4x128x128xf32, #tpu.memory_space<vmem>> -> memref<1x128x128xf32, #tpu.memory_space<vmem>>
      %dma_wait3A_781 = tpu.memref_squeeze %dma_wait3A_780 : memref<1x128x128xf32, #tpu.memory_space<vmem>> -> memref<128x128xf32, #tpu.memory_space<vmem>>
      %dma_wait3A_782 = arith.constant 0 : i32
      %dma_wait3A_783 = tpu.memref_slice %arg5[%add3A_775, %dma_wait3A_782] : memref<204800x128xf32, #tpu.memory_space<hbm>> -> memref<128x128xf32, #tpu.memory_space<hbm>>
      %dma_wait3A_784 = tpu.memref_slice %arg14[%dma_wait3A_777] : memref<4x!tpu.dma_semaphore, #tpu.memory_space<semaphore_mem>> -> memref<1x!tpu.dma_semaphore, #tpu.memory_space<semaphore_mem>>
      %dma_wait3A_785 = tpu.memref_squeeze %dma_wait3A_784 : memref<1x!tpu.dma_semaphore, #tpu.memory_space<semaphore_mem>> -> memref<!tpu.dma_semaphore, #tpu.memory_space<semaphore_mem>>
      %dma_wait3A_786 = arith.constant 0 : i32
      %dma_wait3A_787 = tpu.memref_slice %arg5[%add3A_775, %dma_wait3A_786] : memref<204800x128xf32, #tpu.memory_space<hbm>> -> memref<128x128xf32, #tpu.memory_space<hbm>>
      %dma_wait3A_788 = arith.constant 0 : i32
      %dma_wait3A_789 = arith.constant 0 : i32
      %dma_wait3A_790 = tpu.memref_slice %arg8[%dma_wait3A_776, %dma_wait3A_788, %dma_wait3A_789] : memref<4x128x128xf32, #tpu.memory_space<vmem>> -> memref<1x128x128xf32, #tpu.memory_space<vmem>>
      %dma_wait3A_791 = tpu.memref_squeeze %dma_wait3A_790 : memref<1x128x128xf32, #tpu.memory_space<vmem>> -> memref<128x128xf32, #tpu.memory_space<vmem>>
      tpu.wait_dma2 semaphore(%dma_wait3A_785 : memref<!tpu.dma_semaphore, #tpu.memory_space<semaphore_mem>>) src(%dma_wait3A_791 : memref<128x128xf32, #tpu.memory_space<vmem>>) dst(%dma_wait3A_787 : memref<128x128xf32, #tpu.memory_space<hbm>>)
      %add3A_792 = arith.constant 3 : i32
      %add3A_793 = arith.addi %mul3A_497, %add3A_792 : i32
      %add3A_794 = arith.constant 4 : i32
      %add3A_795 = arith.addi %add3A_793, %add3A_794 : i32
      %dma_start3A_796 = arith.constant 3 : i32
      %dma_start3A_797 = arith.constant 3 : i32
      %dma_start3A_798 = arith.constant 0 : i32
      %dma_start3A_799 = arith.constant 0 : i32
      %dma_start3A_800 = tpu.memref_slice %arg8[%dma_start3A_796, %dma_start3A_798, %dma_start3A_799] : memref<4x128x128xf32, #tpu.memory_space<vmem>> -> memref<1x128x128xf32, #tpu.memory_space<vmem>>
      %dma_start3A_801 = tpu.memref_squeeze %dma_start3A_800 : memref<1x128x128xf32, #tpu.memory_space<vmem>> -> memref<128x128xf32, #tpu.memory_space<vmem>>
      %dma_start3A_802 = arith.constant 0 : i32
      %dma_start3A_803 = tpu.memref_slice %arg7[%add3A_795, %dma_start3A_802] : memref<50x128xi32, #tpu.memory_space<vmem>> -> memref<1x128xi32, #tpu.memory_space<vmem>>
      %dma_start3A_804 = tpu.memref_squeeze %dma_start3A_803 : memref<1x128xi32, #tpu.memory_space<vmem>> -> memref<128xi32, #tpu.memory_space<vmem>>
      %dma_start3A_805 = arith.constant 0 : i32
      %dma_start3A_806 = arith.constant 0 : i32
      %dma_start3A_807 = tpu.memref_slice %arg3[%dma_start3A_805, %dma_start3A_806] : memref<100000x128xf32, #tpu.memory_space<hbm>> -> memref<100000x128xf32, #tpu.memory_space<hbm>>
      %dma_start3A_808 = tpu.memref_slice %arg13[%dma_start3A_797] : memref<4x!tpu.dma_semaphore, #tpu.memory_space<semaphore_mem>> -> memref<1x!tpu.dma_semaphore, #tpu.memory_space<semaphore_mem>>
      %dma_start3A_809 = tpu.memref_squeeze %dma_start3A_808 : memref<1x!tpu.dma_semaphore, #tpu.memory_space<semaphore_mem>> -> memref<!tpu.dma_semaphore, #tpu.memory_space<semaphore_mem>>
      tpu.enqueue_indirect_dma source(%dma_start3A_807 : memref<100000x128xf32, #tpu.memory_space<hbm>>) target(%dma_start3A_801 : memref<128x128xf32, #tpu.memory_space<vmem>>) offsets(%dma_start3A_804 : memref<128xi32, #tpu.memory_space<vmem>>) semaphore(%dma_start3A_809 : memref<!tpu.dma_semaphore, #tpu.memory_space<semaphore_mem>>)
      %scan3A_810 = arith.constant 0 : i32
      scf.yield %scan3A_810 : i32
    }
    %scan3A_71 = arith.constant 11 : i32
    %dma_wait3A = arith.constant 0 : i32
    %dma_wait3A_72 = arith.constant 0 : i32
    %dma_wait3A_73 = arith.constant 0 : i32
    %dma_wait3A_74 = arith.constant 0 : i32
    %dma_wait3A_75 = tpu.memref_slice %arg8[%dma_wait3A, %dma_wait3A_73, %dma_wait3A_74] : memref<4x128x128xf32, #tpu.memory_space<vmem>> -> memref<1x128x128xf32, #tpu.memory_space<vmem>>
    %dma_wait3A_76 = tpu.memref_squeeze %dma_wait3A_75 : memref<1x128x128xf32, #tpu.memory_space<vmem>> -> memref<128x128xf32, #tpu.memory_space<vmem>>
    %dma_wait3A_77 = arith.constant 0 : i32
    %dma_wait3A_78 = arith.constant 0 : i32
    %dma_wait3A_79 = tpu.memref_slice %arg3[%dma_wait3A_77, %dma_wait3A_78] : memref<100000x128xf32, #tpu.memory_space<hbm>> -> memref<128x128xf32, #tpu.memory_space<hbm>>
    %dma_wait3A_80 = tpu.memref_slice %arg13[%dma_wait3A_72] : memref<4x!tpu.dma_semaphore, #tpu.memory_space<semaphore_mem>> -> memref<1x!tpu.dma_semaphore, #tpu.memory_space<semaphore_mem>>
    %dma_wait3A_81 = tpu.memref_squeeze %dma_wait3A_80 : memref<1x!tpu.dma_semaphore, #tpu.memory_space<semaphore_mem>> -> memref<!tpu.dma_semaphore, #tpu.memory_space<semaphore_mem>>
    %dma_wait3A_82 = arith.constant 0 : i32
    %dma_wait3A_83 = arith.constant 0 : i32
    %dma_wait3A_84 = tpu.memref_slice %arg8[%dma_wait3A, %dma_wait3A_82, %dma_wait3A_83] : memref<4x128x128xf32, #tpu.memory_space<vmem>> -> memref<1x128x128xf32, #tpu.memory_space<vmem>>
    %dma_wait3A_85 = tpu.memref_squeeze %dma_wait3A_84 : memref<1x128x128xf32, #tpu.memory_space<vmem>> -> memref<128x128xf32, #tpu.memory_space<vmem>>
    %dma_wait3A_86 = arith.constant 0 : i32
    %dma_wait3A_87 = arith.constant 0 : i32
    %dma_wait3A_88 = tpu.memref_slice %arg3[%dma_wait3A_86, %dma_wait3A_87] : memref<100000x128xf32, #tpu.memory_space<hbm>> -> memref<128x128xf32, #tpu.memory_space<hbm>>
    tpu.wait_dma2 semaphore(%dma_wait3A_81 : memref<!tpu.dma_semaphore, #tpu.memory_space<semaphore_mem>>) src(%dma_wait3A_88 : memref<128x128xf32, #tpu.memory_space<hbm>>) dst(%dma_wait3A_85 : memref<128x128xf32, #tpu.memory_space<vmem>>)
    %add3A_89 = arith.constant 5632 : i32
    %add3A_90 = arith.addi %mul3A_2, %add3A_89 : i32
    %dma_start3A_91 = arith.constant 0 : i32
    %dma_start3A_92 = arith.constant 0 : i32
    %dma_start3A_93 = arith.constant 0 : i32
    %dma_start3A_94 = arith.constant 0 : i32
    %dma_start3A_95 = tpu.memref_slice %arg8[%dma_start3A_91, %dma_start3A_93, %dma_start3A_94] : memref<4x128x128xf32, #tpu.memory_space<vmem>> -> memref<1x128x128xf32, #tpu.memory_space<vmem>>
    %dma_start3A_96 = tpu.memref_squeeze %dma_start3A_95 : memref<1x128x128xf32, #tpu.memory_space<vmem>> -> memref<128x128xf32, #tpu.memory_space<vmem>>
    %dma_start3A_97 = arith.constant 0 : i32
    %dma_start3A_98 = tpu.memref_slice %arg5[%add3A_90, %dma_start3A_97] : memref<204800x128xf32, #tpu.memory_space<hbm>> -> memref<128x128xf32, #tpu.memory_space<hbm>>
    %dma_start3A_99 = tpu.memref_slice %arg14[%dma_start3A_92] : memref<4x!tpu.dma_semaphore, #tpu.memory_space<semaphore_mem>> -> memref<1x!tpu.dma_semaphore, #tpu.memory_space<semaphore_mem>>
    %dma_start3A_100 = tpu.memref_squeeze %dma_start3A_99 : memref<1x!tpu.dma_semaphore, #tpu.memory_space<semaphore_mem>> -> memref<!tpu.dma_semaphore, #tpu.memory_space<semaphore_mem>>
    %dma_start3A_101 = arith.constant 0 : i32
    %dma_start3A_102 = tpu.memref_slice %arg5[%add3A_90, %dma_start3A_101] : memref<204800x128xf32, #tpu.memory_space<hbm>> -> memref<128x128xf32, #tpu.memory_space<hbm>>
    %dma_start3A_103 = arith.constant 0 : i32
    %dma_start3A_104 = arith.constant 0 : i32
    %dma_start3A_105 = tpu.memref_slice %arg8[%dma_start3A_91, %dma_start3A_103, %dma_start3A_104] : memref<4x128x128xf32, #tpu.memory_space<vmem>> -> memref<1x128x128xf32, #tpu.memory_space<vmem>>
    %dma_start3A_106 = tpu.memref_squeeze %dma_start3A_105 : memref<1x128x128xf32, #tpu.memory_space<vmem>> -> memref<128x128xf32, #tpu.memory_space<vmem>>
    tpu.enqueue_dma source(%dma_start3A_106 : memref<128x128xf32, #tpu.memory_space<vmem>>) target(%dma_start3A_102 : memref<128x128xf32, #tpu.memory_space<hbm>>) target_semaphore(%dma_start3A_100 : memref<!tpu.dma_semaphore, #tpu.memory_space<semaphore_mem>>)
    %add3A_107 = arith.constant 5632 : i32
    %add3A_108 = arith.addi %mul3A_2, %add3A_107 : i32
    %dma_wait3A_109 = arith.constant 0 : i32
    %dma_wait3A_110 = arith.constant 0 : i32
    %dma_wait3A_111 = arith.constant 0 : i32
    %dma_wait3A_112 = arith.constant 0 : i32
    %dma_wait3A_113 = tpu.memref_slice %arg8[%dma_wait3A_109, %dma_wait3A_111, %dma_wait3A_112] : memref<4x128x128xf32, #tpu.memory_space<vmem>> -> memref<1x128x128xf32, #tpu.memory_space<vmem>>
    %dma_wait3A_114 = tpu.memref_squeeze %dma_wait3A_113 : memref<1x128x128xf32, #tpu.memory_space<vmem>> -> memref<128x128xf32, #tpu.memory_space<vmem>>
    %dma_wait3A_115 = arith.constant 0 : i32
    %dma_wait3A_116 = tpu.memref_slice %arg5[%add3A_108, %dma_wait3A_115] : memref<204800x128xf32, #tpu.memory_space<hbm>> -> memref<128x128xf32, #tpu.memory_space<hbm>>
    %dma_wait3A_117 = tpu.memref_slice %arg14[%dma_wait3A_110] : memref<4x!tpu.dma_semaphore, #tpu.memory_space<semaphore_mem>> -> memref<1x!tpu.dma_semaphore, #tpu.memory_space<semaphore_mem>>
    %dma_wait3A_118 = tpu.memref_squeeze %dma_wait3A_117 : memref<1x!tpu.dma_semaphore, #tpu.memory_space<semaphore_mem>> -> memref<!tpu.dma_semaphore, #tpu.memory_space<semaphore_mem>>
    %dma_wait3A_119 = arith.constant 0 : i32
    %dma_wait3A_120 = tpu.memref_slice %arg5[%add3A_108, %dma_wait3A_119] : memref<204800x128xf32, #tpu.memory_space<hbm>> -> memref<128x128xf32, #tpu.memory_space<hbm>>
    %dma_wait3A_121 = arith.constant 0 : i32
    %dma_wait3A_122 = arith.constant 0 : i32
    %dma_wait3A_123 = tpu.memref_slice %arg8[%dma_wait3A_109, %dma_wait3A_121, %dma_wait3A_122] : memref<4x128x128xf32, #tpu.memory_space<vmem>> -> memref<1x128x128xf32, #tpu.memory_space<vmem>>
    %dma_wait3A_124 = tpu.memref_squeeze %dma_wait3A_123 : memref<1x128x128xf32, #tpu.memory_space<vmem>> -> memref<128x128xf32, #tpu.memory_space<vmem>>
    tpu.wait_dma2 semaphore(%dma_wait3A_118 : memref<!tpu.dma_semaphore, #tpu.memory_space<semaphore_mem>>) src(%dma_wait3A_124 : memref<128x128xf32, #tpu.memory_space<vmem>>) dst(%dma_wait3A_120 : memref<128x128xf32, #tpu.memory_space<hbm>>)
    %dma_wait3A_125 = arith.constant 1 : i32
    %dma_wait3A_126 = arith.constant 1 : i32
    %dma_wait3A_127 = arith.constant 0 : i32
    %dma_wait3A_128 = arith.constant 0 : i32
    %dma_wait3A_129 = tpu.memref_slice %arg8[%dma_wait3A_125, %dma_wait3A_127, %dma_wait3A_128] : memref<4x128x128xf32, #tpu.memory_space<vmem>> -> memref<1x128x128xf32, #tpu.memory_space<vmem>>
    %dma_wait3A_130 = tpu.memref_squeeze %dma_wait3A_129 : memref<1x128x128xf32, #tpu.memory_space<vmem>> -> memref<128x128xf32, #tpu.memory_space<vmem>>
    %dma_wait3A_131 = arith.constant 0 : i32
    %dma_wait3A_132 = arith.constant 0 : i32
    %dma_wait3A_133 = tpu.memref_slice %arg3[%dma_wait3A_131, %dma_wait3A_132] : memref<100000x128xf32, #tpu.memory_space<hbm>> -> memref<128x128xf32, #tpu.memory_space<hbm>>
    %dma_wait3A_134 = tpu.memref_slice %arg13[%dma_wait3A_126] : memref<4x!tpu.dma_semaphore, #tpu.memory_space<semaphore_mem>> -> memref<1x!tpu.dma_semaphore, #tpu.memory_space<semaphore_mem>>
    %dma_wait3A_135 = tpu.memref_squeeze %dma_wait3A_134 : memref<1x!tpu.dma_semaphore, #tpu.memory_space<semaphore_mem>> -> memref<!tpu.dma_semaphore, #tpu.memory_space<semaphore_mem>>
    %dma_wait3A_136 = arith.constant 0 : i32
    %dma_wait3A_137 = arith.constant 0 : i32
    %dma_wait3A_138 = tpu.memref_slice %arg8[%dma_wait3A_125, %dma_wait3A_136, %dma_wait3A_137] : memref<4x128x128xf32, #tpu.memory_space<vmem>> -> memref<1x128x128xf32, #tpu.memory_space<vmem>>
    %dma_wait3A_139 = tpu.memref_squeeze %dma_wait3A_138 : memref<1x128x128xf32, #tpu.memory_space<vmem>> -> memref<128x128xf32, #tpu.memory_space<vmem>>
    %dma_wait3A_140 = arith.constant 0 : i32
    %dma_wait3A_141 = arith.constant 0 : i32
    %dma_wait3A_142 = tpu.memref_slice %arg3[%dma_wait3A_140, %dma_wait3A_141] : memref<100000x128xf32, #tpu.memory_space<hbm>> -> memref<128x128xf32, #tpu.memory_space<hbm>>
    tpu.wait_dma2 semaphore(%dma_wait3A_135 : memref<!tpu.dma_semaphore, #tpu.memory_space<semaphore_mem>>) src(%dma_wait3A_142 : memref<128x128xf32, #tpu.memory_space<hbm>>) dst(%dma_wait3A_139 : memref<128x128xf32, #tpu.memory_space<vmem>>)
    %add3A_143 = arith.constant 5760 : i32
    %add3A_144 = arith.addi %mul3A_2, %add3A_143 : i32
    %dma_start3A_145 = arith.constant 1 : i32
    %dma_start3A_146 = arith.constant 1 : i32
    %dma_start3A_147 = arith.constant 0 : i32
    %dma_start3A_148 = arith.constant 0 : i32
    %dma_start3A_149 = tpu.memref_slice %arg8[%dma_start3A_145, %dma_start3A_147, %dma_start3A_148] : memref<4x128x128xf32, #tpu.memory_space<vmem>> -> memref<1x128x128xf32, #tpu.memory_space<vmem>>
    %dma_start3A_150 = tpu.memref_squeeze %dma_start3A_149 : memref<1x128x128xf32, #tpu.memory_space<vmem>> -> memref<128x128xf32, #tpu.memory_space<vmem>>
    %dma_start3A_151 = arith.constant 0 : i32
    %dma_start3A_152 = tpu.memref_slice %arg5[%add3A_144, %dma_start3A_151] : memref<204800x128xf32, #tpu.memory_space<hbm>> -> memref<128x128xf32, #tpu.memory_space<hbm>>
    %dma_start3A_153 = tpu.memref_slice %arg14[%dma_start3A_146] : memref<4x!tpu.dma_semaphore, #tpu.memory_space<semaphore_mem>> -> memref<1x!tpu.dma_semaphore, #tpu.memory_space<semaphore_mem>>
    %dma_start3A_154 = tpu.memref_squeeze %dma_start3A_153 : memref<1x!tpu.dma_semaphore, #tpu.memory_space<semaphore_mem>> -> memref<!tpu.dma_semaphore, #tpu.memory_space<semaphore_mem>>
    %dma_start3A_155 = arith.constant 0 : i32
    %dma_start3A_156 = tpu.memref_slice %arg5[%add3A_144, %dma_start3A_155] : memref<204800x128xf32, #tpu.memory_space<hbm>> -> memref<128x128xf32, #tpu.memory_space<hbm>>
    %dma_start3A_157 = arith.constant 0 : i32
    %dma_start3A_158 = arith.constant 0 : i32
    %dma_start3A_159 = tpu.memref_slice %arg8[%dma_start3A_145, %dma_start3A_157, %dma_start3A_158] : memref<4x128x128xf32, #tpu.memory_space<vmem>> -> memref<1x128x128xf32, #tpu.memory_space<vmem>>
    %dma_start3A_160 = tpu.memref_squeeze %dma_start3A_159 : memref<1x128x128xf32, #tpu.memory_space<vmem>> -> memref<128x128xf32, #tpu.memory_space<vmem>>
    tpu.enqueue_dma source(%dma_start3A_160 : memref<128x128xf32, #tpu.memory_space<vmem>>) target(%dma_start3A_156 : memref<128x128xf32, #tpu.memory_space<hbm>>) target_semaphore(%dma_start3A_154 : memref<!tpu.dma_semaphore, #tpu.memory_space<semaphore_mem>>)
    %add3A_161 = arith.constant 5760 : i32
    %add3A_162 = arith.addi %mul3A_2, %add3A_161 : i32
    %dma_wait3A_163 = arith.constant 1 : i32
    %dma_wait3A_164 = arith.constant 1 : i32
    %dma_wait3A_165 = arith.constant 0 : i32
    %dma_wait3A_166 = arith.constant 0 : i32
    %dma_wait3A_167 = tpu.memref_slice %arg8[%dma_wait3A_163, %dma_wait3A_165, %dma_wait3A_166] : memref<4x128x128xf32, #tpu.memory_space<vmem>> -> memref<1x128x128xf32, #tpu.memory_space<vmem>>
    %dma_wait3A_168 = tpu.memref_squeeze %dma_wait3A_167 : memref<1x128x128xf32, #tpu.memory_space<vmem>> -> memref<128x128xf32, #tpu.memory_space<vmem>>
    %dma_wait3A_169 = arith.constant 0 : i32
    %dma_wait3A_170 = tpu.memref_slice %arg5[%add3A_162, %dma_wait3A_169] : memref<204800x128xf32, #tpu.memory_space<hbm>> -> memref<128x128xf32, #tpu.memory_space<hbm>>
    %dma_wait3A_171 = tpu.memref_slice %arg14[%dma_wait3A_164] : memref<4x!tpu.dma_semaphore, #tpu.memory_space<semaphore_mem>> -> memref<1x!tpu.dma_semaphore, #tpu.memory_space<semaphore_mem>>
    %dma_wait3A_172 = tpu.memref_squeeze %dma_wait3A_171 : memref<1x!tpu.dma_semaphore, #tpu.memory_space<semaphore_mem>> -> memref<!tpu.dma_semaphore, #tpu.memory_space<semaphore_mem>>
    %dma_wait3A_173 = arith.constant 0 : i32
    %dma_wait3A_174 = tpu.memref_slice %arg5[%add3A_162, %dma_wait3A_173] : memref<204800x128xf32, #tpu.memory_space<hbm>> -> memref<128x128xf32, #tpu.memory_space<hbm>>
    %dma_wait3A_175 = arith.constant 0 : i32
    %dma_wait3A_176 = arith.constant 0 : i32
    %dma_wait3A_177 = tpu.memref_slice %arg8[%dma_wait3A_163, %dma_wait3A_175, %dma_wait3A_176] : memref<4x128x128xf32, #tpu.memory_space<vmem>> -> memref<1x128x128xf32, #tpu.memory_space<vmem>>
    %dma_wait3A_178 = tpu.memref_squeeze %dma_wait3A_177 : memref<1x128x128xf32, #tpu.memory_space<vmem>> -> memref<128x128xf32, #tpu.memory_space<vmem>>
    tpu.wait_dma2 semaphore(%dma_wait3A_172 : memref<!tpu.dma_semaphore, #tpu.memory_space<semaphore_mem>>) src(%dma_wait3A_178 : memref<128x128xf32, #tpu.memory_space<vmem>>) dst(%dma_wait3A_174 : memref<128x128xf32, #tpu.memory_space<hbm>>)
    %dma_wait3A_179 = arith.constant 2 : i32
    %dma_wait3A_180 = arith.constant 2 : i32
    %dma_wait3A_181 = arith.constant 0 : i32
    %dma_wait3A_182 = arith.constant 0 : i32
    %dma_wait3A_183 = tpu.memref_slice %arg8[%dma_wait3A_179, %dma_wait3A_181, %dma_wait3A_182] : memref<4x128x128xf32, #tpu.memory_space<vmem>> -> memref<1x128x128xf32, #tpu.memory_space<vmem>>
    %dma_wait3A_184 = tpu.memref_squeeze %dma_wait3A_183 : memref<1x128x128xf32, #tpu.memory_space<vmem>> -> memref<128x128xf32, #tpu.memory_space<vmem>>
    %dma_wait3A_185 = arith.constant 0 : i32
    %dma_wait3A_186 = arith.constant 0 : i32
    %dma_wait3A_187 = tpu.memref_slice %arg3[%dma_wait3A_185, %dma_wait3A_186] : memref<100000x128xf32, #tpu.memory_space<hbm>> -> memref<128x128xf32, #tpu.memory_space<hbm>>
    %dma_wait3A_188 = tpu.memref_slice %arg13[%dma_wait3A_180] : memref<4x!tpu.dma_semaphore, #tpu.memory_space<semaphore_mem>> -> memref<1x!tpu.dma_semaphore, #tpu.memory_space<semaphore_mem>>
    %dma_wait3A_189 = tpu.memref_squeeze %dma_wait3A_188 : memref<1x!tpu.dma_semaphore, #tpu.memory_space<semaphore_mem>> -> memref<!tpu.dma_semaphore, #tpu.memory_space<semaphore_mem>>
    %dma_wait3A_190 = arith.constant 0 : i32
    %dma_wait3A_191 = arith.constant 0 : i32
    %dma_wait3A_192 = tpu.memref_slice %arg8[%dma_wait3A_179, %dma_wait3A_190, %dma_wait3A_191] : memref<4x128x128xf32, #tpu.memory_space<vmem>> -> memref<1x128x128xf32, #tpu.memory_space<vmem>>
    %dma_wait3A_193 = tpu.memref_squeeze %dma_wait3A_192 : memref<1x128x128xf32, #tpu.memory_space<vmem>> -> memref<128x128xf32, #tpu.memory_space<vmem>>
    %dma_wait3A_194 = arith.constant 0 : i32
    %dma_wait3A_195 = arith.constant 0 : i32
    %dma_wait3A_196 = tpu.memref_slice %arg3[%dma_wait3A_194, %dma_wait3A_195] : memref<100000x128xf32, #tpu.memory_space<hbm>> -> memref<128x128xf32, #tpu.memory_space<hbm>>
    tpu.wait_dma2 semaphore(%dma_wait3A_189 : memref<!tpu.dma_semaphore, #tpu.memory_space<semaphore_mem>>) src(%dma_wait3A_196 : memref<128x128xf32, #tpu.memory_space<hbm>>) dst(%dma_wait3A_193 : memref<128x128xf32, #tpu.memory_space<vmem>>)
    %add3A_197 = arith.constant 5888 : i32
    %add3A_198 = arith.addi %mul3A_2, %add3A_197 : i32
    %dma_start3A_199 = arith.constant 2 : i32
    %dma_start3A_200 = arith.constant 2 : i32
    %dma_start3A_201 = arith.constant 0 : i32
    %dma_start3A_202 = arith.constant 0 : i32
    %dma_start3A_203 = tpu.memref_slice %arg8[%dma_start3A_199, %dma_start3A_201, %dma_start3A_202] : memref<4x128x128xf32, #tpu.memory_space<vmem>> -> memref<1x128x128xf32, #tpu.memory_space<vmem>>
    %dma_start3A_204 = tpu.memref_squeeze %dma_start3A_203 : memref<1x128x128xf32, #tpu.memory_space<vmem>> -> memref<128x128xf32, #tpu.memory_space<vmem>>
    %dma_start3A_205 = arith.constant 0 : i32
    %dma_start3A_206 = tpu.memref_slice %arg5[%add3A_198, %dma_start3A_205] : memref<204800x128xf32, #tpu.memory_space<hbm>> -> memref<128x128xf32, #tpu.memory_space<hbm>>
    %dma_start3A_207 = tpu.memref_slice %arg14[%dma_start3A_200] : memref<4x!tpu.dma_semaphore, #tpu.memory_space<semaphore_mem>> -> memref<1x!tpu.dma_semaphore, #tpu.memory_space<semaphore_mem>>
    %dma_start3A_208 = tpu.memref_squeeze %dma_start3A_207 : memref<1x!tpu.dma_semaphore, #tpu.memory_space<semaphore_mem>> -> memref<!tpu.dma_semaphore, #tpu.memory_space<semaphore_mem>>
    %dma_start3A_209 = arith.constant 0 : i32
    %dma_start3A_210 = tpu.memref_slice %arg5[%add3A_198, %dma_start3A_209] : memref<204800x128xf32, #tpu.memory_space<hbm>> -> memref<128x128xf32, #tpu.memory_space<hbm>>
    %dma_start3A_211 = arith.constant 0 : i32
    %dma_start3A_212 = arith.constant 0 : i32
    %dma_start3A_213 = tpu.memref_slice %arg8[%dma_start3A_199, %dma_start3A_211, %dma_start3A_212] : memref<4x128x128xf32, #tpu.memory_space<vmem>> -> memref<1x128x128xf32, #tpu.memory_space<vmem>>
    %dma_start3A_214 = tpu.memref_squeeze %dma_start3A_213 : memref<1x128x128xf32, #tpu.memory_space<vmem>> -> memref<128x128xf32, #tpu.memory_space<vmem>>
    tpu.enqueue_dma source(%dma_start3A_214 : memref<128x128xf32, #tpu.memory_space<vmem>>) target(%dma_start3A_210 : memref<128x128xf32, #tpu.memory_space<hbm>>) target_semaphore(%dma_start3A_208 : memref<!tpu.dma_semaphore, #tpu.memory_space<semaphore_mem>>)
    %add3A_215 = arith.constant 5888 : i32
    %add3A_216 = arith.addi %mul3A_2, %add3A_215 : i32
    %dma_wait3A_217 = arith.constant 2 : i32
    %dma_wait3A_218 = arith.constant 2 : i32
    %dma_wait3A_219 = arith.constant 0 : i32
    %dma_wait3A_220 = arith.constant 0 : i32
    %dma_wait3A_221 = tpu.memref_slice %arg8[%dma_wait3A_217, %dma_wait3A_219, %dma_wait3A_220] : memref<4x128x128xf32, #tpu.memory_space<vmem>> -> memref<1x128x128xf32, #tpu.memory_space<vmem>>
    %dma_wait3A_222 = tpu.memref_squeeze %dma_wait3A_221 : memref<1x128x128xf32, #tpu.memory_space<vmem>> -> memref<128x128xf32, #tpu.memory_space<vmem>>
    %dma_wait3A_223 = arith.constant 0 : i32
    %dma_wait3A_224 = tpu.memref_slice %arg5[%add3A_216, %dma_wait3A_223] : memref<204800x128xf32, #tpu.memory_space<hbm>> -> memref<128x128xf32, #tpu.memory_space<hbm>>
    %dma_wait3A_225 = tpu.memref_slice %arg14[%dma_wait3A_218] : memref<4x!tpu.dma_semaphore, #tpu.memory_space<semaphore_mem>> -> memref<1x!tpu.dma_semaphore, #tpu.memory_space<semaphore_mem>>
    %dma_wait3A_226 = tpu.memref_squeeze %dma_wait3A_225 : memref<1x!tpu.dma_semaphore, #tpu.memory_space<semaphore_mem>> -> memref<!tpu.dma_semaphore, #tpu.memory_space<semaphore_mem>>
    %dma_wait3A_227 = arith.constant 0 : i32
    %dma_wait3A_228 = tpu.memref_slice %arg5[%add3A_216, %dma_wait3A_227] : memref<204800x128xf32, #tpu.memory_space<hbm>> -> memref<128x128xf32, #tpu.memory_space<hbm>>
    %dma_wait3A_229 = arith.constant 0 : i32
    %dma_wait3A_230 = arith.constant 0 : i32
    %dma_wait3A_231 = tpu.memref_slice %arg8[%dma_wait3A_217, %dma_wait3A_229, %dma_wait3A_230] : memref<4x128x128xf32, #tpu.memory_space<vmem>> -> memref<1x128x128xf32, #tpu.memory_space<vmem>>
    %dma_wait3A_232 = tpu.memref_squeeze %dma_wait3A_231 : memref<1x128x128xf32, #tpu.memory_space<vmem>> -> memref<128x128xf32, #tpu.memory_space<vmem>>
    tpu.wait_dma2 semaphore(%dma_wait3A_226 : memref<!tpu.dma_semaphore, #tpu.memory_space<semaphore_mem>>) src(%dma_wait3A_232 : memref<128x128xf32, #tpu.memory_space<vmem>>) dst(%dma_wait3A_228 : memref<128x128xf32, #tpu.memory_space<hbm>>)
    %dma_wait3A_233 = arith.constant 3 : i32
    %dma_wait3A_234 = arith.constant 3 : i32
    %dma_wait3A_235 = arith.constant 0 : i32
    %dma_wait3A_236 = arith.constant 0 : i32
    %dma_wait3A_237 = tpu.memref_slice %arg8[%dma_wait3A_233, %dma_wait3A_235, %dma_wait3A_236] : memref<4x128x128xf32, #tpu.memory_space<vmem>> -> memref<1x128x128xf32, #tpu.memory_space<vmem>>
    %dma_wait3A_238 = tpu.memref_squeeze %dma_wait3A_237 : memref<1x128x128xf32, #tpu.memory_space<vmem>> -> memref<128x128xf32, #tpu.memory_space<vmem>>
    %dma_wait3A_239 = arith.constant 0 : i32
    %dma_wait3A_240 = arith.constant 0 : i32
    %dma_wait3A_241 = tpu.memref_slice %arg3[%dma_wait3A_239, %dma_wait3A_240] : memref<100000x128xf32, #tpu.memory_space<hbm>> -> memref<128x128xf32, #tpu.memory_space<hbm>>
    %dma_wait3A_242 = tpu.memref_slice %arg13[%dma_wait3A_234] : memref<4x!tpu.dma_semaphore, #tpu.memory_space<semaphore_mem>> -> memref<1x!tpu.dma_semaphore, #tpu.memory_space<semaphore_mem>>
    %dma_wait3A_243 = tpu.memref_squeeze %dma_wait3A_242 : memref<1x!tpu.dma_semaphore, #tpu.memory_space<semaphore_mem>> -> memref<!tpu.dma_semaphore, #tpu.memory_space<semaphore_mem>>
    %dma_wait3A_244 = arith.constant 0 : i32
    %dma_wait3A_245 = arith.constant 0 : i32
    %dma_wait3A_246 = tpu.memref_slice %arg8[%dma_wait3A_233, %dma_wait3A_244, %dma_wait3A_245] : memref<4x128x128xf32, #tpu.memory_space<vmem>> -> memref<1x128x128xf32, #tpu.memory_space<vmem>>
    %dma_wait3A_247 = tpu.memref_squeeze %dma_wait3A_246 : memref<1x128x128xf32, #tpu.memory_space<vmem>> -> memref<128x128xf32, #tpu.memory_space<vmem>>
    %dma_wait3A_248 = arith.constant 0 : i32
    %dma_wait3A_249 = arith.constant 0 : i32
    %dma_wait3A_250 = tpu.memref_slice %arg3[%dma_wait3A_248, %dma_wait3A_249] : memref<100000x128xf32, #tpu.memory_space<hbm>> -> memref<128x128xf32, #tpu.memory_space<hbm>>
    tpu.wait_dma2 semaphore(%dma_wait3A_243 : memref<!tpu.dma_semaphore, #tpu.memory_space<semaphore_mem>>) src(%dma_wait3A_250 : memref<128x128xf32, #tpu.memory_space<hbm>>) dst(%dma_wait3A_247 : memref<128x128xf32, #tpu.memory_space<vmem>>)
    %add3A_251 = arith.constant 6016 : i32
    %add3A_252 = arith.addi %mul3A_2, %add3A_251 : i32
    %dma_start3A_253 = arith.constant 3 : i32
    %dma_start3A_254 = arith.constant 3 : i32
    %dma_start3A_255 = arith.constant 0 : i32
    %dma_start3A_256 = arith.constant 0 : i32
    %dma_start3A_257 = tpu.memref_slice %arg8[%dma_start3A_253, %dma_start3A_255, %dma_start3A_256] : memref<4x128x128xf32, #tpu.memory_space<vmem>> -> memref<1x128x128xf32, #tpu.memory_space<vmem>>
    %dma_start3A_258 = tpu.memref_squeeze %dma_start3A_257 : memref<1x128x128xf32, #tpu.memory_space<vmem>> -> memref<128x128xf32, #tpu.memory_space<vmem>>
    %dma_start3A_259 = arith.constant 0 : i32
    %dma_start3A_260 = tpu.memref_slice %arg5[%add3A_252, %dma_start3A_259] : memref<204800x128xf32, #tpu.memory_space<hbm>> -> memref<128x128xf32, #tpu.memory_space<hbm>>
    %dma_start3A_261 = tpu.memref_slice %arg14[%dma_start3A_254] : memref<4x!tpu.dma_semaphore, #tpu.memory_space<semaphore_mem>> -> memref<1x!tpu.dma_semaphore, #tpu.memory_space<semaphore_mem>>
    %dma_start3A_262 = tpu.memref_squeeze %dma_start3A_261 : memref<1x!tpu.dma_semaphore, #tpu.memory_space<semaphore_mem>> -> memref<!tpu.dma_semaphore, #tpu.memory_space<semaphore_mem>>
    %dma_start3A_263 = arith.constant 0 : i32
    %dma_start3A_264 = tpu.memref_slice %arg5[%add3A_252, %dma_start3A_263] : memref<204800x128xf32, #tpu.memory_space<hbm>> -> memref<128x128xf32, #tpu.memory_space<hbm>>
    %dma_start3A_265 = arith.constant 0 : i32
    %dma_start3A_266 = arith.constant 0 : i32
    %dma_start3A_267 = tpu.memref_slice %arg8[%dma_start3A_253, %dma_start3A_265, %dma_start3A_266] : memref<4x128x128xf32, #tpu.memory_space<vmem>> -> memref<1x128x128xf32, #tpu.memory_space<vmem>>
    %dma_start3A_268 = tpu.memref_squeeze %dma_start3A_267 : memref<1x128x128xf32, #tpu.memory_space<vmem>> -> memref<128x128xf32, #tpu.memory_space<vmem>>
    tpu.enqueue_dma source(%dma_start3A_268 : memref<128x128xf32, #tpu.memory_space<vmem>>) target(%dma_start3A_264 : memref<128x128xf32, #tpu.memory_space<hbm>>) target_semaphore(%dma_start3A_262 : memref<!tpu.dma_semaphore, #tpu.memory_space<semaphore_mem>>)
    %add3A_269 = arith.constant 6016 : i32
    %add3A_270 = arith.addi %mul3A_2, %add3A_269 : i32
    %dma_wait3A_271 = arith.constant 3 : i32
    %dma_wait3A_272 = arith.constant 3 : i32
    %dma_wait3A_273 = arith.constant 0 : i32
    %dma_wait3A_274 = arith.constant 0 : i32
    %dma_wait3A_275 = tpu.memref_slice %arg8[%dma_wait3A_271, %dma_wait3A_273, %dma_wait3A_274] : memref<4x128x128xf32, #tpu.memory_space<vmem>> -> memref<1x128x128xf32, #tpu.memory_space<vmem>>
    %dma_wait3A_276 = tpu.memref_squeeze %dma_wait3A_275 : memref<1x128x128xf32, #tpu.memory_space<vmem>> -> memref<128x128xf32, #tpu.memory_space<vmem>>
    %dma_wait3A_277 = arith.constant 0 : i32
    %dma_wait3A_278 = tpu.memref_slice %arg5[%add3A_270, %dma_wait3A_277] : memref<204800x128xf32, #tpu.memory_space<hbm>> -> memref<128x128xf32, #tpu.memory_space<hbm>>
    %dma_wait3A_279 = tpu.memref_slice %arg14[%dma_wait3A_272] : memref<4x!tpu.dma_semaphore, #tpu.memory_space<semaphore_mem>> -> memref<1x!tpu.dma_semaphore, #tpu.memory_space<semaphore_mem>>
    %dma_wait3A_280 = tpu.memref_squeeze %dma_wait3A_279 : memref<1x!tpu.dma_semaphore, #tpu.memory_space<semaphore_mem>> -> memref<!tpu.dma_semaphore, #tpu.memory_space<semaphore_mem>>
    %dma_wait3A_281 = arith.constant 0 : i32
    %dma_wait3A_282 = tpu.memref_slice %arg5[%add3A_270, %dma_wait3A_281] : memref<204800x128xf32, #tpu.memory_space<hbm>> -> memref<128x128xf32, #tpu.memory_space<hbm>>
    %dma_wait3A_283 = arith.constant 0 : i32
    %dma_wait3A_284 = arith.constant 0 : i32
    %dma_wait3A_285 = tpu.memref_slice %arg8[%dma_wait3A_271, %dma_wait3A_283, %dma_wait3A_284] : memref<4x128x128xf32, #tpu.memory_space<vmem>> -> memref<1x128x128xf32, #tpu.memory_space<vmem>>
    %dma_wait3A_286 = tpu.memref_squeeze %dma_wait3A_285 : memref<1x128x128xf32, #tpu.memory_space<vmem>> -> memref<128x128xf32, #tpu.memory_space<vmem>>
    tpu.wait_dma2 semaphore(%dma_wait3A_280 : memref<!tpu.dma_semaphore, #tpu.memory_space<semaphore_mem>>) src(%dma_wait3A_286 : memref<128x128xf32, #tpu.memory_space<vmem>>) dst(%dma_wait3A_282 : memref<128x128xf32, #tpu.memory_space<hbm>>)
    %dma_start3A_287 = arith.constant 48 : i32
    %dma_start3A_288 = arith.constant 0 : i32
    %dma_start3A_289 = arith.constant 0 : i32
    %dma_start3A_290 = arith.constant 0 : i32
    %dma_start3A_291 = arith.constant 0 : i32
    %dma_start3A_292 = tpu.memref_slice %arg8[%dma_start3A_288, %dma_start3A_290, %dma_start3A_291] : memref<4x128x128xf32, #tpu.memory_space<vmem>> -> memref<1x128x128xf32, #tpu.memory_space<vmem>>
    %dma_start3A_293 = tpu.memref_squeeze %dma_start3A_292 : memref<1x128x128xf32, #tpu.memory_space<vmem>> -> memref<128x128xf32, #tpu.memory_space<vmem>>
    %dma_start3A_294 = arith.constant 0 : i32
    %dma_start3A_295 = tpu.memref_slice %arg7[%dma_start3A_287, %dma_start3A_294] : memref<50x128xi32, #tpu.memory_space<vmem>> -> memref<1x128xi32, #tpu.memory_space<vmem>>
    %dma_start3A_296 = tpu.memref_squeeze %dma_start3A_295 : memref<1x128xi32, #tpu.memory_space<vmem>> -> memref<128xi32, #tpu.memory_space<vmem>>
    %dma_start3A_297 = arith.constant 0 : i32
    %dma_start3A_298 = arith.constant 0 : i32
    %dma_start3A_299 = tpu.memref_slice %arg3[%dma_start3A_297, %dma_start3A_298] : memref<100000x128xf32, #tpu.memory_space<hbm>> -> memref<100000x128xf32, #tpu.memory_space<hbm>>
    %dma_start3A_300 = tpu.memref_slice %arg13[%dma_start3A_289] : memref<4x!tpu.dma_semaphore, #tpu.memory_space<semaphore_mem>> -> memref<1x!tpu.dma_semaphore, #tpu.memory_space<semaphore_mem>>
    %dma_start3A_301 = tpu.memref_squeeze %dma_start3A_300 : memref<1x!tpu.dma_semaphore, #tpu.memory_space<semaphore_mem>> -> memref<!tpu.dma_semaphore, #tpu.memory_space<semaphore_mem>>
    tpu.enqueue_indirect_dma source(%dma_start3A_299 : memref<100000x128xf32, #tpu.memory_space<hbm>>) target(%dma_start3A_293 : memref<128x128xf32, #tpu.memory_space<vmem>>) offsets(%dma_start3A_296 : memref<128xi32, #tpu.memory_space<vmem>>) semaphore(%dma_start3A_301 : memref<!tpu.dma_semaphore, #tpu.memory_space<semaphore_mem>>)
    %dma_start3A_302 = arith.constant 49 : i32
    %dma_start3A_303 = arith.constant 1 : i32
    %dma_start3A_304 = arith.constant 1 : i32
    %dma_start3A_305 = arith.constant 0 : i32
    %dma_start3A_306 = arith.constant 0 : i32
    %dma_start3A_307 = tpu.memref_slice %arg8[%dma_start3A_303, %dma_start3A_305, %dma_start3A_306] : memref<4x128x128xf32, #tpu.memory_space<vmem>> -> memref<1x128x128xf32, #tpu.memory_space<vmem>>
    %dma_start3A_308 = tpu.memref_squeeze %dma_start3A_307 : memref<1x128x128xf32, #tpu.memory_space<vmem>> -> memref<128x128xf32, #tpu.memory_space<vmem>>
    %dma_start3A_309 = arith.constant 0 : i32
    %dma_start3A_310 = tpu.memref_slice %arg7[%dma_start3A_302, %dma_start3A_309] : memref<50x128xi32, #tpu.memory_space<vmem>> -> memref<1x128xi32, #tpu.memory_space<vmem>>
    %dma_start3A_311 = tpu.memref_squeeze %dma_start3A_310 : memref<1x128xi32, #tpu.memory_space<vmem>> -> memref<128xi32, #tpu.memory_space<vmem>>
    %dma_start3A_312 = arith.constant 0 : i32
    %dma_start3A_313 = arith.constant 0 : i32
    %dma_start3A_314 = tpu.memref_slice %arg3[%dma_start3A_312, %dma_start3A_313] : memref<100000x128xf32, #tpu.memory_space<hbm>> -> memref<100000x128xf32, #tpu.memory_space<hbm>>
    %dma_start3A_315 = tpu.memref_slice %arg13[%dma_start3A_304] : memref<4x!tpu.dma_semaphore, #tpu.memory_space<semaphore_mem>> -> memref<1x!tpu.dma_semaphore, #tpu.memory_space<semaphore_mem>>
    %dma_start3A_316 = tpu.memref_squeeze %dma_start3A_315 : memref<1x!tpu.dma_semaphore, #tpu.memory_space<semaphore_mem>> -> memref<!tpu.dma_semaphore, #tpu.memory_space<semaphore_mem>>
    tpu.enqueue_indirect_dma source(%dma_start3A_314 : memref<100000x128xf32, #tpu.memory_space<hbm>>) target(%dma_start3A_308 : memref<128x128xf32, #tpu.memory_space<vmem>>) offsets(%dma_start3A_311 : memref<128xi32, #tpu.memory_space<vmem>>) semaphore(%dma_start3A_316 : memref<!tpu.dma_semaphore, #tpu.memory_space<semaphore_mem>>)
    %dma_wait3A_317 = arith.constant 0 : i32
    %dma_wait3A_318 = arith.constant 0 : i32
    %dma_wait3A_319 = arith.constant 0 : i32
    %dma_wait3A_320 = arith.constant 0 : i32
    %dma_wait3A_321 = tpu.memref_slice %arg8[%dma_wait3A_317, %dma_wait3A_319, %dma_wait3A_320] : memref<4x128x128xf32, #tpu.memory_space<vmem>> -> memref<1x128x128xf32, #tpu.memory_space<vmem>>
    %dma_wait3A_322 = tpu.memref_squeeze %dma_wait3A_321 : memref<1x128x128xf32, #tpu.memory_space<vmem>> -> memref<128x128xf32, #tpu.memory_space<vmem>>
    %dma_wait3A_323 = arith.constant 0 : i32
    %dma_wait3A_324 = arith.constant 0 : i32
    %dma_wait3A_325 = tpu.memref_slice %arg3[%dma_wait3A_323, %dma_wait3A_324] : memref<100000x128xf32, #tpu.memory_space<hbm>> -> memref<128x128xf32, #tpu.memory_space<hbm>>
    %dma_wait3A_326 = tpu.memref_slice %arg13[%dma_wait3A_318] : memref<4x!tpu.dma_semaphore, #tpu.memory_space<semaphore_mem>> -> memref<1x!tpu.dma_semaphore, #tpu.memory_space<semaphore_mem>>
    %dma_wait3A_327 = tpu.memref_squeeze %dma_wait3A_326 : memref<1x!tpu.dma_semaphore, #tpu.memory_space<semaphore_mem>> -> memref<!tpu.dma_semaphore, #tpu.memory_space<semaphore_mem>>
    %dma_wait3A_328 = arith.constant 0 : i32
    %dma_wait3A_329 = arith.constant 0 : i32
    %dma_wait3A_330 = tpu.memref_slice %arg8[%dma_wait3A_317, %dma_wait3A_328, %dma_wait3A_329] : memref<4x128x128xf32, #tpu.memory_space<vmem>> -> memref<1x128x128xf32, #tpu.memory_space<vmem>>
    %dma_wait3A_331 = tpu.memref_squeeze %dma_wait3A_330 : memref<1x128x128xf32, #tpu.memory_space<vmem>> -> memref<128x128xf32, #tpu.memory_space<vmem>>
    %dma_wait3A_332 = arith.constant 0 : i32
    %dma_wait3A_333 = arith.constant 0 : i32
    %dma_wait3A_334 = tpu.memref_slice %arg3[%dma_wait3A_332, %dma_wait3A_333] : memref<100000x128xf32, #tpu.memory_space<hbm>> -> memref<128x128xf32, #tpu.memory_space<hbm>>
    tpu.wait_dma2 semaphore(%dma_wait3A_327 : memref<!tpu.dma_semaphore, #tpu.memory_space<semaphore_mem>>) src(%dma_wait3A_334 : memref<128x128xf32, #tpu.memory_space<hbm>>) dst(%dma_wait3A_331 : memref<128x128xf32, #tpu.memory_space<vmem>>)
    %add3A_335 = arith.constant 6144 : i32
    %add3A_336 = arith.addi %mul3A_2, %add3A_335 : i32
    %dma_start3A_337 = arith.constant 0 : i32
    %dma_start3A_338 = arith.constant 0 : i32
    %dma_start3A_339 = arith.constant 0 : i32
    %dma_start3A_340 = arith.constant 0 : i32
    %dma_start3A_341 = tpu.memref_slice %arg8[%dma_start3A_337, %dma_start3A_339, %dma_start3A_340] : memref<4x128x128xf32, #tpu.memory_space<vmem>> -> memref<1x128x128xf32, #tpu.memory_space<vmem>>
    %dma_start3A_342 = tpu.memref_squeeze %dma_start3A_341 : memref<1x128x128xf32, #tpu.memory_space<vmem>> -> memref<128x128xf32, #tpu.memory_space<vmem>>
    %dma_start3A_343 = arith.constant 0 : i32
    %dma_start3A_344 = tpu.memref_slice %arg5[%add3A_336, %dma_start3A_343] : memref<204800x128xf32, #tpu.memory_space<hbm>> -> memref<128x128xf32, #tpu.memory_space<hbm>>
    %dma_start3A_345 = tpu.memref_slice %arg14[%dma_start3A_338] : memref<4x!tpu.dma_semaphore, #tpu.memory_space<semaphore_mem>> -> memref<1x!tpu.dma_semaphore, #tpu.memory_space<semaphore_mem>>
    %dma_start3A_346 = tpu.memref_squeeze %dma_start3A_345 : memref<1x!tpu.dma_semaphore, #tpu.memory_space<semaphore_mem>> -> memref<!tpu.dma_semaphore, #tpu.memory_space<semaphore_mem>>
    %dma_start3A_347 = arith.constant 0 : i32
    %dma_start3A_348 = tpu.memref_slice %arg5[%add3A_336, %dma_start3A_347] : memref<204800x128xf32, #tpu.memory_space<hbm>> -> memref<128x128xf32, #tpu.memory_space<hbm>>
    %dma_start3A_349 = arith.constant 0 : i32
    %dma_start3A_350 = arith.constant 0 : i32
    %dma_start3A_351 = tpu.memref_slice %arg8[%dma_start3A_337, %dma_start3A_349, %dma_start3A_350] : memref<4x128x128xf32, #tpu.memory_space<vmem>> -> memref<1x128x128xf32, #tpu.memory_space<vmem>>
    %dma_start3A_352 = tpu.memref_squeeze %dma_start3A_351 : memref<1x128x128xf32, #tpu.memory_space<vmem>> -> memref<128x128xf32, #tpu.memory_space<vmem>>
    tpu.enqueue_dma source(%dma_start3A_352 : memref<128x128xf32, #tpu.memory_space<vmem>>) target(%dma_start3A_348 : memref<128x128xf32, #tpu.memory_space<hbm>>) target_semaphore(%dma_start3A_346 : memref<!tpu.dma_semaphore, #tpu.memory_space<semaphore_mem>>)
    %dma_wait3A_353 = arith.constant 1 : i32
    %dma_wait3A_354 = arith.constant 1 : i32
    %dma_wait3A_355 = arith.constant 0 : i32
    %dma_wait3A_356 = arith.constant 0 : i32
    %dma_wait3A_357 = tpu.memref_slice %arg8[%dma_wait3A_353, %dma_wait3A_355, %dma_wait3A_356] : memref<4x128x128xf32, #tpu.memory_space<vmem>> -> memref<1x128x128xf32, #tpu.memory_space<vmem>>
    %dma_wait3A_358 = tpu.memref_squeeze %dma_wait3A_357 : memref<1x128x128xf32, #tpu.memory_space<vmem>> -> memref<128x128xf32, #tpu.memory_space<vmem>>
    %dma_wait3A_359 = arith.constant 0 : i32
    %dma_wait3A_360 = arith.constant 0 : i32
    %dma_wait3A_361 = tpu.memref_slice %arg3[%dma_wait3A_359, %dma_wait3A_360] : memref<100000x128xf32, #tpu.memory_space<hbm>> -> memref<128x128xf32, #tpu.memory_space<hbm>>
    %dma_wait3A_362 = tpu.memref_slice %arg13[%dma_wait3A_354] : memref<4x!tpu.dma_semaphore, #tpu.memory_space<semaphore_mem>> -> memref<1x!tpu.dma_semaphore, #tpu.memory_space<semaphore_mem>>
    %dma_wait3A_363 = tpu.memref_squeeze %dma_wait3A_362 : memref<1x!tpu.dma_semaphore, #tpu.memory_space<semaphore_mem>> -> memref<!tpu.dma_semaphore, #tpu.memory_space<semaphore_mem>>
    %dma_wait3A_364 = arith.constant 0 : i32
    %dma_wait3A_365 = arith.constant 0 : i32
    %dma_wait3A_366 = tpu.memref_slice %arg8[%dma_wait3A_353, %dma_wait3A_364, %dma_wait3A_365] : memref<4x128x128xf32, #tpu.memory_space<vmem>> -> memref<1x128x128xf32, #tpu.memory_space<vmem>>
    %dma_wait3A_367 = tpu.memref_squeeze %dma_wait3A_366 : memref<1x128x128xf32, #tpu.memory_space<vmem>> -> memref<128x128xf32, #tpu.memory_space<vmem>>
    %dma_wait3A_368 = arith.constant 0 : i32
    %dma_wait3A_369 = arith.constant 0 : i32
    %dma_wait3A_370 = tpu.memref_slice %arg3[%dma_wait3A_368, %dma_wait3A_369] : memref<100000x128xf32, #tpu.memory_space<hbm>> -> memref<128x128xf32, #tpu.memory_space<hbm>>
    tpu.wait_dma2 semaphore(%dma_wait3A_363 : memref<!tpu.dma_semaphore, #tpu.memory_space<semaphore_mem>>) src(%dma_wait3A_370 : memref<128x128xf32, #tpu.memory_space<hbm>>) dst(%dma_wait3A_367 : memref<128x128xf32, #tpu.memory_space<vmem>>)
    %add3A_371 = arith.constant 6272 : i32
    %add3A_372 = arith.addi %mul3A_2, %add3A_371 : i32
    %dma_start3A_373 = arith.constant 1 : i32
    %dma_start3A_374 = arith.constant 1 : i32
    %dma_start3A_375 = arith.constant 0 : i32
    %dma_start3A_376 = arith.constant 0 : i32
    %dma_start3A_377 = tpu.memref_slice %arg8[%dma_start3A_373, %dma_start3A_375, %dma_start3A_376] : memref<4x128x128xf32, #tpu.memory_space<vmem>> -> memref<1x128x128xf32, #tpu.memory_space<vmem>>
    %dma_start3A_378 = tpu.memref_squeeze %dma_start3A_377 : memref<1x128x128xf32, #tpu.memory_space<vmem>> -> memref<128x128xf32, #tpu.memory_space<vmem>>
    %dma_start3A_379 = arith.constant 0 : i32
    %dma_start3A_380 = tpu.memref_slice %arg5[%add3A_372, %dma_start3A_379] : memref<204800x128xf32, #tpu.memory_space<hbm>> -> memref<128x128xf32, #tpu.memory_space<hbm>>
    %dma_start3A_381 = tpu.memref_slice %arg14[%dma_start3A_374] : memref<4x!tpu.dma_semaphore, #tpu.memory_space<semaphore_mem>> -> memref<1x!tpu.dma_semaphore, #tpu.memory_space<semaphore_mem>>
    %dma_start3A_382 = tpu.memref_squeeze %dma_start3A_381 : memref<1x!tpu.dma_semaphore, #tpu.memory_space<semaphore_mem>> -> memref<!tpu.dma_semaphore, #tpu.memory_space<semaphore_mem>>
    %dma_start3A_383 = arith.constant 0 : i32
    %dma_start3A_384 = tpu.memref_slice %arg5[%add3A_372, %dma_start3A_383] : memref<204800x128xf32, #tpu.memory_space<hbm>> -> memref<128x128xf32, #tpu.memory_space<hbm>>
    %dma_start3A_385 = arith.constant 0 : i32
    %dma_start3A_386 = arith.constant 0 : i32
    %dma_start3A_387 = tpu.memref_slice %arg8[%dma_start3A_373, %dma_start3A_385, %dma_start3A_386] : memref<4x128x128xf32, #tpu.memory_space<vmem>> -> memref<1x128x128xf32, #tpu.memory_space<vmem>>
    %dma_start3A_388 = tpu.memref_squeeze %dma_start3A_387 : memref<1x128x128xf32, #tpu.memory_space<vmem>> -> memref<128x128xf32, #tpu.memory_space<vmem>>
    tpu.enqueue_dma source(%dma_start3A_388 : memref<128x128xf32, #tpu.memory_space<vmem>>) target(%dma_start3A_384 : memref<128x128xf32, #tpu.memory_space<hbm>>) target_semaphore(%dma_start3A_382 : memref<!tpu.dma_semaphore, #tpu.memory_space<semaphore_mem>>)
    %add3A_389 = arith.constant 6144 : i32
    %add3A_390 = arith.addi %mul3A_2, %add3A_389 : i32
    %dma_wait3A_391 = arith.constant 0 : i32
    %dma_wait3A_392 = arith.constant 0 : i32
    %dma_wait3A_393 = arith.constant 0 : i32
    %dma_wait3A_394 = arith.constant 0 : i32
    %dma_wait3A_395 = tpu.memref_slice %arg8[%dma_wait3A_391, %dma_wait3A_393, %dma_wait3A_394] : memref<4x128x128xf32, #tpu.memory_space<vmem>> -> memref<1x128x128xf32, #tpu.memory_space<vmem>>
    %dma_wait3A_396 = tpu.memref_squeeze %dma_wait3A_395 : memref<1x128x128xf32, #tpu.memory_space<vmem>> -> memref<128x128xf32, #tpu.memory_space<vmem>>
    %dma_wait3A_397 = arith.constant 0 : i32
    %dma_wait3A_398 = tpu.memref_slice %arg5[%add3A_390, %dma_wait3A_397] : memref<204800x128xf32, #tpu.memory_space<hbm>> -> memref<128x128xf32, #tpu.memory_space<hbm>>
    %dma_wait3A_399 = tpu.memref_slice %arg14[%dma_wait3A_392] : memref<4x!tpu.dma_semaphore, #tpu.memory_space<semaphore_mem>> -> memref<1x!tpu.dma_semaphore, #tpu.memory_space<semaphore_mem>>
    %dma_wait3A_400 = tpu.memref_squeeze %dma_wait3A_399 : memref<1x!tpu.dma_semaphore, #tpu.memory_space<semaphore_mem>> -> memref<!tpu.dma_semaphore, #tpu.memory_space<semaphore_mem>>
    %dma_wait3A_401 = arith.constant 0 : i32
    %dma_wait3A_402 = tpu.memref_slice %arg5[%add3A_390, %dma_wait3A_401] : memref<204800x128xf32, #tpu.memory_space<hbm>> -> memref<128x128xf32, #tpu.memory_space<hbm>>
    %dma_wait3A_403 = arith.constant 0 : i32
    %dma_wait3A_404 = arith.constant 0 : i32
    %dma_wait3A_405 = tpu.memref_slice %arg8[%dma_wait3A_391, %dma_wait3A_403, %dma_wait3A_404] : memref<4x128x128xf32, #tpu.memory_space<vmem>> -> memref<1x128x128xf32, #tpu.memory_space<vmem>>
    %dma_wait3A_406 = tpu.memref_squeeze %dma_wait3A_405 : memref<1x128x128xf32, #tpu.memory_space<vmem>> -> memref<128x128xf32, #tpu.memory_space<vmem>>
    tpu.wait_dma2 semaphore(%dma_wait3A_400 : memref<!tpu.dma_semaphore, #tpu.memory_space<semaphore_mem>>) src(%dma_wait3A_406 : memref<128x128xf32, #tpu.memory_space<vmem>>) dst(%dma_wait3A_402 : memref<128x128xf32, #tpu.memory_space<hbm>>)
    %add3A_407 = arith.constant 6272 : i32
    %add3A_408 = arith.addi %mul3A_2, %add3A_407 : i32
    %dma_wait3A_409 = arith.constant 1 : i32
    %dma_wait3A_410 = arith.constant 1 : i32
    %dma_wait3A_411 = arith.constant 0 : i32
    %dma_wait3A_412 = arith.constant 0 : i32
    %dma_wait3A_413 = tpu.memref_slice %arg8[%dma_wait3A_409, %dma_wait3A_411, %dma_wait3A_412] : memref<4x128x128xf32, #tpu.memory_space<vmem>> -> memref<1x128x128xf32, #tpu.memory_space<vmem>>
    %dma_wait3A_414 = tpu.memref_squeeze %dma_wait3A_413 : memref<1x128x128xf32, #tpu.memory_space<vmem>> -> memref<128x128xf32, #tpu.memory_space<vmem>>
    %dma_wait3A_415 = arith.constant 0 : i32
    %dma_wait3A_416 = tpu.memref_slice %arg5[%add3A_408, %dma_wait3A_415] : memref<204800x128xf32, #tpu.memory_space<hbm>> -> memref<128x128xf32, #tpu.memory_space<hbm>>
    %dma_wait3A_417 = tpu.memref_slice %arg14[%dma_wait3A_410] : memref<4x!tpu.dma_semaphore, #tpu.memory_space<semaphore_mem>> -> memref<1x!tpu.dma_semaphore, #tpu.memory_space<semaphore_mem>>
    %dma_wait3A_418 = tpu.memref_squeeze %dma_wait3A_417 : memref<1x!tpu.dma_semaphore, #tpu.memory_space<semaphore_mem>> -> memref<!tpu.dma_semaphore, #tpu.memory_space<semaphore_mem>>
    %dma_wait3A_419 = arith.constant 0 : i32
    %dma_wait3A_420 = tpu.memref_slice %arg5[%add3A_408, %dma_wait3A_419] : memref<204800x128xf32, #tpu.memory_space<hbm>> -> memref<128x128xf32, #tpu.memory_space<hbm>>
    %dma_wait3A_421 = arith.constant 0 : i32
    %dma_wait3A_422 = arith.constant 0 : i32
    %dma_wait3A_423 = tpu.memref_slice %arg8[%dma_wait3A_409, %dma_wait3A_421, %dma_wait3A_422] : memref<4x128x128xf32, #tpu.memory_space<vmem>> -> memref<1x128x128xf32, #tpu.memory_space<vmem>>
    %dma_wait3A_424 = tpu.memref_squeeze %dma_wait3A_423 : memref<1x128x128xf32, #tpu.memory_space<vmem>> -> memref<128x128xf32, #tpu.memory_space<vmem>>
    tpu.wait_dma2 semaphore(%dma_wait3A_418 : memref<!tpu.dma_semaphore, #tpu.memory_space<semaphore_mem>>) src(%dma_wait3A_424 : memref<128x128xf32, #tpu.memory_space<vmem>>) dst(%dma_wait3A_420 : memref<128x128xf32, #tpu.memory_space<hbm>>)
    %scan3A_425 = arith.constant 0 : i32
    %scan3A_426 = arith.constant 0 : i32
    %scan3A_427 = arith.constant 400 : i32
    %scan3A_428 = arith.addi %scan3A_426, %scan3A_427 : i32
    %scan3A_429 = arith.constant 1 : i32
    %scan3A_430 = scf.for %scan3A_494 = %scan3A_426 to %scan3A_428 step %scan3A_429 iter_args(%scan3A_495 = %scan3A_425) -> (i32)  : i32 {
      %jit3A_496 = arith.constant 8 : i32
      %div3A_497 = arith.divsi %scan3A_494, %jit3A_496 : i32
      %sign3A_498 = arith.constant 0 : i32
      %sign3A_499 = arith.cmpi sgt, %scan3A_494, %sign3A_498 : i32
      %sign3A_500 = arith.extui %sign3A_499 : i1 to i32
      %sign3A_501 = arith.constant 0 : i32
      %sign3A_502 = arith.cmpi slt, %scan3A_494, %sign3A_501 : i32
      %sign3A_503 = arith.extui %sign3A_502 : i1 to i32
      %sign3A_504 = arith.subi %sign3A_500, %sign3A_503 : i32
      %sign3A_505 = arith.constant 0 : i32
      %sign3A_506 = arith.cmpi sgt, %jit3A_496, %sign3A_505 : i32
      %sign3A_507 = arith.extui %sign3A_506 : i1 to i32
      %sign3A_508 = arith.constant 0 : i32
      %sign3A_509 = arith.cmpi slt, %jit3A_496, %sign3A_508 : i32
      %sign3A_510 = arith.extui %sign3A_509 : i1 to i32
      %sign3A_511 = arith.subi %sign3A_507, %sign3A_510 : i32
      %ne3A_512 = arith.cmpi ne, %sign3A_504, %sign3A_511 : i32
      %rem3A_513 = arith.remsi %scan3A_494, %jit3A_496 : i32
      %ne3A_514 = arith.constant 0 : i32
      %ne3A_515 = arith.cmpi ne, %rem3A_513, %ne3A_514 : i32
      %and3A_516 = arith.andi %ne3A_512, %ne3A_515 : i1
      %sub3A_517 = arith.constant 1 : i32
      %sub3A_518 = arith.subi %div3A_497, %sub3A_517 : i32
      %select_n3A_519 = arith.select %and3A_516, %sub3A_518, %div3A_497 : i32
      %rem3A_520 = arith.constant 8 : i32
      %rem3A_521 = arith.remsi %scan3A_494, %rem3A_520 : i32
      %mul3A_522 = arith.constant 16 : i32
      %mul3A_523 = arith.muli %rem3A_521, %mul3A_522 : i32
      %get3A = arith.index_cast %select_n3A_519 : i32 to index
      %get3A_524 = arith.index_cast %mul3A_523 : i32 to index
      %get3A_525 = tpu.vector_load %arg7[%get3A, %get3A_524] {strides = array<i32>} : memref<50x128xi32, #tpu.memory_space<vmem>>, vector<1x16xi32>,
      %get3A_526 = vector.shape_cast %get3A_525 : vector<1x16xi32> to vector<16xi32>
      %get3A_527 = arith.constant 0 : index
      %get3A_528 = tpu.vector_load %arg12[%get3A_527] {strides = array<i32>} : memref<16xi32, #tpu.memory_space<vmem>>, vector<16xi32>,
      %get3A_529 = vector.shape_cast %get3A_528 : vector<16xi32> to vector<16xi32>
      %max3A = arith.maxsi %get3A_529, %get3A_526 : vector<16xi32>
      %swap3A_530 = arith.constant 0 : index
      %swap3A_531 = tpu.vector_load %arg12[%swap3A_530] {strides = array<i32>} : memref<16xi32, #tpu.memory_space<vmem>>, vector<16xi32>,
      %swap3A_532 = vector.shape_cast %swap3A_531 : vector<16xi32> to vector<16xi32>
      %swap3A_533 = vector.shape_cast %max3A : vector<16xi32> to vector<16xi32>
      tpu.vector_store %arg12[%swap3A_530], %swap3A_533 {strides = array<i32>} : memref<16xi32, #tpu.memory_space<vmem>>, vector<16xi32>,
      %slice3A = vector.extract_strided_slice %get3A_526 {offsets = [0], sizes = [1], strides = [1]} : vector<16xi32> to vector<1xi32>
      %squeeze3A = vector.extract %slice3A[0] : i32 from vector<1xi32>
      %ge3A_534 = arith.constant 98000 : i32
      %ge3A_535 = arith.cmpi sge, %squeeze3A, %ge3A_534 : i32
      %lt3A = arith.constant -1 : i32
      %lt3A_536 = arith.constant 0 : i32
      %lt3A_537 = arith.cmpi slt, %lt3A, %lt3A_536 : i32
      %and3A_538 = arith.andi %ge3A_535, %lt3A_537 : i1
      %jit3A_539 = arith.constant 0 : i32
      %jit3A_540 = arith.constant -1 : i32
      %select_n3A_541 = arith.select %and3A_538, %jit3A_539, %jit3A_540 : i32
      %jit3A_542 = arith.constant 0 : i32
      %select_n3A_543 = arith.select %and3A_538, %squeeze3A, %jit3A_542 : i32
      %slice3A_544 = vector.extract_strided_slice %get3A_526 {offsets = [1], sizes = [1], strides = [1]} : vector<16xi32> to vector<1xi32>
      %squeeze3A_545 = vector.extract %slice3A_544[0] : i32 from vector<1xi32>
      %ge3A_546 = arith.constant 98000 : i32
      %ge3A_547 = arith.cmpi sge, %squeeze3A_545, %ge3A_546 : i32
      %lt3A_548 = arith.constant 0 : i32
      %lt3A_549 = arith.cmpi slt, %select_n3A_541, %lt3A_548 : i32
      %and3A_550 = arith.andi %ge3A_547, %lt3A_549 : i1
      %jit3A_551 = arith.constant 1 : i32
      %select_n3A_552 = arith.select %and3A_550, %jit3A_551, %select_n3A_541 : i32
      %select_n3A_553 = arith.select %and3A_550, %squeeze3A_545, %select_n3A_543 : i32
      %slice3A_554 = vector.extract_strided_slice %get3A_526 {offsets = [2], sizes = [1], strides = [1]} : vector<16xi32> to vector<1xi32>
      %squeeze3A_555 = vector.extract %slice3A_554[0] : i32 from vector<1xi32>
      %ge3A_556 = arith.constant 98000 : i32
      %ge3A_557 = arith.cmpi sge, %squeeze3A_555, %ge3A_556 : i32
      %lt3A_558 = arith.constant 0 : i32
      %lt3A_559 = arith.cmpi slt, %select_n3A_552, %lt3A_558 : i32
      %and3A_560 = arith.andi %ge3A_557, %lt3A_559 : i1
      %jit3A_561 = arith.constant 2 : i32
      %select_n3A_562 = arith.select %and3A_560, %jit3A_561, %select_n3A_552 : i32
      %select_n3A_563 = arith.select %and3A_560, %squeeze3A_555, %select_n3A_553 : i32
      %slice3A_564 = vector.extract_strided_slice %get3A_526 {offsets = [3], sizes = [1], strides = [1]} : vector<16xi32> to vector<1xi32>
      %squeeze3A_565 = vector.extract %slice3A_564[0] : i32 from vector<1xi32>
      %ge3A_566 = arith.constant 98000 : i32
      %ge3A_567 = arith.cmpi sge, %squeeze3A_565, %ge3A_566 : i32
      %lt3A_568 = arith.constant 0 : i32
      %lt3A_569 = arith.cmpi slt, %select_n3A_562, %lt3A_568 : i32
      %and3A_570 = arith.andi %ge3A_567, %lt3A_569 : i1
      %jit3A_571 = arith.constant 3 : i32
      %select_n3A_572 = arith.select %and3A_570, %jit3A_571, %select_n3A_562 : i32
      %select_n3A_573 = arith.select %and3A_570, %squeeze3A_565, %select_n3A_563 : i32
      %slice3A_574 = vector.extract_strided_slice %get3A_526 {offsets = [4], sizes = [1], strides = [1]} : vector<16xi32> to vector<1xi32>
      %squeeze3A_575 = vector.extract %slice3A_574[0] : i32 from vector<1xi32>
      %ge3A_576 = arith.constant 98000 : i32
      %ge3A_577 = arith.cmpi sge, %squeeze3A_575, %ge3A_576 : i32
      %lt3A_578 = arith.constant 0 : i32
      %lt3A_579 = arith.cmpi slt, %select_n3A_572, %lt3A_578 : i32
      %and3A_580 = arith.andi %ge3A_577, %lt3A_579 : i1
      %jit3A_581 = arith.constant 4 : i32
      %select_n3A_582 = arith.select %and3A_580, %jit3A_581, %select_n3A_572 : i32
      %select_n3A_583 = arith.select %and3A_580, %squeeze3A_575, %select_n3A_573 : i32
      %slice3A_584 = vector.extract_strided_slice %get3A_526 {offsets = [5], sizes = [1], strides = [1]} : vector<16xi32> to vector<1xi32>
      %squeeze3A_585 = vector.extract %slice3A_584[0] : i32 from vector<1xi32>
      %ge3A_586 = arith.constant 98000 : i32
      %ge3A_587 = arith.cmpi sge, %squeeze3A_585, %ge3A_586 : i32
      %lt3A_588 = arith.constant 0 : i32
      %lt3A_589 = arith.cmpi slt, %select_n3A_582, %lt3A_588 : i32
      %and3A_590 = arith.andi %ge3A_587, %lt3A_589 : i1
      %jit3A_591 = arith.constant 5 : i32
      %select_n3A_592 = arith.select %and3A_590, %jit3A_591, %select_n3A_582 : i32
      %select_n3A_593 = arith.select %and3A_590, %squeeze3A_585, %select_n3A_583 : i32
      %slice3A_594 = vector.extract_strided_slice %get3A_526 {offsets = [6], sizes = [1], strides = [1]} : vector<16xi32> to vector<1xi32>
      %squeeze3A_595 = vector.extract %slice3A_594[0] : i32 from vector<1xi32>
      %ge3A_596 = arith.constant 98000 : i32
      %ge3A_597 = arith.cmpi sge, %squeeze3A_595, %ge3A_596 : i32
      %lt3A_598 = arith.constant 0 : i32
      %lt3A_599 = arith.cmpi slt, %select_n3A_592, %lt3A_598 : i32
      %and3A_600 = arith.andi %ge3A_597, %lt3A_599 : i1
      %jit3A_601 = arith.constant 6 : i32
      %select_n3A_602 = arith.select %and3A_600, %jit3A_601, %select_n3A_592 : i32
      %select_n3A_603 = arith.select %and3A_600, %squeeze3A_595, %select_n3A_593 : i32
      %slice3A_604 = vector.extract_strided_slice %get3A_526 {offsets = [7], sizes = [1], strides = [1]} : vector<16xi32> to vector<1xi32>
      %squeeze3A_605 = vector.extract %slice3A_604[0] : i32 from vector<1xi32>
      %ge3A_606 = arith.constant 98000 : i32
      %ge3A_607 = arith.cmpi sge, %squeeze3A_605, %ge3A_606 : i32
      %lt3A_608 = arith.constant 0 : i32
      %lt3A_609 = arith.cmpi slt, %select_n3A_602, %lt3A_608 : i32
      %and3A_610 = arith.andi %ge3A_607, %lt3A_609 : i1
      %jit3A_611 = arith.constant 7 : i32
      %select_n3A_612 = arith.select %and3A_610, %jit3A_611, %select_n3A_602 : i32
      %select_n3A_613 = arith.select %and3A_610, %squeeze3A_605, %select_n3A_603 : i32
      %slice3A_614 = vector.extract_strided_slice %get3A_526 {offsets = [8], sizes = [1], strides = [1]} : vector<16xi32> to vector<1xi32>
      %squeeze3A_615 = vector.extract %slice3A_614[0] : i32 from vector<1xi32>
      %ge3A_616 = arith.constant 98000 : i32
      %ge3A_617 = arith.cmpi sge, %squeeze3A_615, %ge3A_616 : i32
      %lt3A_618 = arith.constant 0 : i32
      %lt3A_619 = arith.cmpi slt, %select_n3A_612, %lt3A_618 : i32
      %and3A_620 = arith.andi %ge3A_617, %lt3A_619 : i1
      %jit3A_621 = arith.constant 8 : i32
      %select_n3A_622 = arith.select %and3A_620, %jit3A_621, %select_n3A_612 : i32
      %select_n3A_623 = arith.select %and3A_620, %squeeze3A_615, %select_n3A_613 : i32
      %slice3A_624 = vector.extract_strided_slice %get3A_526 {offsets = [9], sizes = [1], strides = [1]} : vector<16xi32> to vector<1xi32>
      %squeeze3A_625 = vector.extract %slice3A_624[0] : i32 from vector<1xi32>
      %ge3A_626 = arith.constant 98000 : i32
      %ge3A_627 = arith.cmpi sge, %squeeze3A_625, %ge3A_626 : i32
      %lt3A_628 = arith.constant 0 : i32
      %lt3A_629 = arith.cmpi slt, %select_n3A_622, %lt3A_628 : i32
      %and3A_630 = arith.andi %ge3A_627, %lt3A_629 : i1
      %jit3A_631 = arith.constant 9 : i32
      %select_n3A_632 = arith.select %and3A_630, %jit3A_631, %select_n3A_622 : i32
      %select_n3A_633 = arith.select %and3A_630, %squeeze3A_625, %select_n3A_623 : i32
      %slice3A_634 = vector.extract_strided_slice %get3A_526 {offsets = [10], sizes = [1], strides = [1]} : vector<16xi32> to vector<1xi32>
      %squeeze3A_635 = vector.extract %slice3A_634[0] : i32 from vector<1xi32>
      %ge3A_636 = arith.constant 98000 : i32
      %ge3A_637 = arith.cmpi sge, %squeeze3A_635, %ge3A_636 : i32
      %lt3A_638 = arith.constant 0 : i32
      %lt3A_639 = arith.cmpi slt, %select_n3A_632, %lt3A_638 : i32
      %and3A_640 = arith.andi %ge3A_637, %lt3A_639 : i1
      %jit3A_641 = arith.constant 10 : i32
      %select_n3A_642 = arith.select %and3A_640, %jit3A_641, %select_n3A_632 : i32
      %select_n3A_643 = arith.select %and3A_640, %squeeze3A_635, %select_n3A_633 : i32
      %slice3A_644 = vector.extract_strided_slice %get3A_526 {offsets = [11], sizes = [1], strides = [1]} : vector<16xi32> to vector<1xi32>
      %squeeze3A_645 = vector.extract %slice3A_644[0] : i32 from vector<1xi32>
      %ge3A_646 = arith.constant 98000 : i32
      %ge3A_647 = arith.cmpi sge, %squeeze3A_645, %ge3A_646 : i32
      %lt3A_648 = arith.constant 0 : i32
      %lt3A_649 = arith.cmpi slt, %select_n3A_642, %lt3A_648 : i32
      %and3A_650 = arith.andi %ge3A_647, %lt3A_649 : i1
      %jit3A_651 = arith.constant 11 : i32
      %select_n3A_652 = arith.select %and3A_650, %jit3A_651, %select_n3A_642 : i32
      %select_n3A_653 = arith.select %and3A_650, %squeeze3A_645, %select_n3A_643 : i32
      %slice3A_654 = vector.extract_strided_slice %get3A_526 {offsets = [12], sizes = [1], strides = [1]} : vector<16xi32> to vector<1xi32>
      %squeeze3A_655 = vector.extract %slice3A_654[0] : i32 from vector<1xi32>
      %ge3A_656 = arith.constant 98000 : i32
      %ge3A_657 = arith.cmpi sge, %squeeze3A_655, %ge3A_656 : i32
      %lt3A_658 = arith.constant 0 : i32
      %lt3A_659 = arith.cmpi slt, %select_n3A_652, %lt3A_658 : i32
      %and3A_660 = arith.andi %ge3A_657, %lt3A_659 : i1
      %jit3A_661 = arith.constant 12 : i32
      %select_n3A_662 = arith.select %and3A_660, %jit3A_661, %select_n3A_652 : i32
      %select_n3A_663 = arith.select %and3A_660, %squeeze3A_655, %select_n3A_653 : i32
      %slice3A_664 = vector.extract_strided_slice %get3A_526 {offsets = [13], sizes = [1], strides = [1]} : vector<16xi32> to vector<1xi32>
      %squeeze3A_665 = vector.extract %slice3A_664[0] : i32 from vector<1xi32>
      %ge3A_666 = arith.constant 98000 : i32
      %ge3A_667 = arith.cmpi sge, %squeeze3A_665, %ge3A_666 : i32
      %lt3A_668 = arith.constant 0 : i32
      %lt3A_669 = arith.cmpi slt, %select_n3A_662, %lt3A_668 : i32
      %and3A_670 = arith.andi %ge3A_667, %lt3A_669 : i1
      %jit3A_671 = arith.constant 13 : i32
      %select_n3A_672 = arith.select %and3A_670, %jit3A_671, %select_n3A_662 : i32
      %select_n3A_673 = arith.select %and3A_670, %squeeze3A_665, %select_n3A_663 : i32
      %slice3A_674 = vector.extract_strided_slice %get3A_526 {offsets = [14], sizes = [1], strides = [1]} : vector<16xi32> to vector<1xi32>
      %squeeze3A_675 = vector.extract %slice3A_674[0] : i32 from vector<1xi32>
      %ge3A_676 = arith.constant 98000 : i32
      %ge3A_677 = arith.cmpi sge, %squeeze3A_675, %ge3A_676 : i32
      %lt3A_678 = arith.constant 0 : i32
      %lt3A_679 = arith.cmpi slt, %select_n3A_672, %lt3A_678 : i32
      %and3A_680 = arith.andi %ge3A_677, %lt3A_679 : i1
      %jit3A_681 = arith.constant 14 : i32
      %select_n3A_682 = arith.select %and3A_680, %jit3A_681, %select_n3A_672 : i32
      %select_n3A_683 = arith.select %and3A_680, %squeeze3A_675, %select_n3A_673 : i32
      %slice3A_684 = vector.extract_strided_slice %get3A_526 {offsets = [15], sizes = [1], strides = [1]} : vector<16xi32> to vector<1xi32>
      %squeeze3A_685 = vector.extract %slice3A_684[0] : i32 from vector<1xi32>
      %ge3A_686 = arith.constant 98000 : i32
      %ge3A_687 = arith.cmpi sge, %squeeze3A_685, %ge3A_686 : i32
      %lt3A_688 = arith.constant 0 : i32
      %lt3A_689 = arith.cmpi slt, %select_n3A_682, %lt3A_688 : i32
      %and3A_690 = arith.andi %ge3A_687, %lt3A_689 : i1
      %jit3A_691 = arith.constant 15 : i32
      %select_n3A_692 = arith.select %and3A_690, %jit3A_691, %select_n3A_682 : i32
      %select_n3A_693 = arith.select %and3A_690, %squeeze3A_685, %select_n3A_683 : i32
      %ge3A_694 = arith.constant 0 : i32
      %ge3A_695 = arith.cmpi sge, %select_n3A_692, %ge3A_694 : i32
      %convert_element_type3A_696 = arith.extui %ge3A_695 : i1 to i32
      %cond3A_697 = arith.constant 0 : i32
      %cond3A_698 = arith.cmpi ne, %convert_element_type3A_696, %cond3A_697 : i32
      scf.if %cond3A_698 {
        %ge3A_702 = arith.constant 98000 : i32
        %ge3A_703 = vector.broadcast %ge3A_702 : i32 to vector<16xi32>
        %ge3A_704 = arith.cmpi sge, %get3A_526, %ge3A_703 : vector<16xi32>
        %broadcast_in_dim3A_705 = vector.broadcast %select_n3A_693 : i32 to vector<16xi32>
        %select_n3A_706 = arith.select %ge3A_704, %get3A_526, %broadcast_in_dim3A_705 : vector<16xi1>, vector<16xi32>
        %sub3A_707 = arith.constant 98000 : i32
        %sub3A_708 = vector.broadcast %sub3A_707 : i32 to vector<16xi32>
        %sub3A_709 = arith.subi %select_n3A_706, %sub3A_708 : vector<16xi32>
        %mul3A_710 = arith.constant 16 : i32
        %mul3A_711 = arith.muli %scan3A_494, %mul3A_710 : i32
        %add3A_712 = arith.addi %mul3A_2, %mul3A_711 : i32
        %add3A_713 = vector.broadcast %add3A_712 : i32 to vector<16xi32>
        %add3A_714 = arith.addi %add3A_713, %iota3A : vector<16xi32>
        %mul3A_715 = arith.constant 16 : i32
        %mul3A_716 = arith.muli %scan3A_494, %mul3A_715 : i32
        %add3A_717 = arith.addi %mul3A_2, %mul3A_716 : i32
        %add3A_718 = arith.addi %add3A_717, %select_n3A_692 : i32
        %broadcast_in_dim3A_719 = vector.broadcast %add3A_718 : i32 to vector<16xi32>
        %select_n3A_720 = arith.select %ge3A_704, %add3A_714, %broadcast_in_dim3A_719 : vector<16xi1>, vector<16xi32>
        %jit3A_721 = arith.constant 4 : i32
        %div3A_722 = arith.divsi %scan3A_495, %jit3A_721 : i32
        %sign3A_723 = arith.constant 0 : i32
        %sign3A_724 = arith.cmpi sgt, %scan3A_495, %sign3A_723 : i32
        %sign3A_725 = arith.extui %sign3A_724 : i1 to i32
        %sign3A_726 = arith.constant 0 : i32
        %sign3A_727 = arith.cmpi slt, %scan3A_495, %sign3A_726 : i32
        %sign3A_728 = arith.extui %sign3A_727 : i1 to i32
        %sign3A_729 = arith.subi %sign3A_725, %sign3A_728 : i32
        %sign3A_730 = arith.constant 0 : i32
        %sign3A_731 = arith.cmpi sgt, %jit3A_721, %sign3A_730 : i32
        %sign3A_732 = arith.extui %sign3A_731 : i1 to i32
        %sign3A_733 = arith.constant 0 : i32
        %sign3A_734 = arith.cmpi slt, %jit3A_721, %sign3A_733 : i32
        %sign3A_735 = arith.extui %sign3A_734 : i1 to i32
        %sign3A_736 = arith.subi %sign3A_732, %sign3A_735 : i32
        %ne3A_737 = arith.cmpi ne, %sign3A_729, %sign3A_736 : i32
        %rem3A_738 = arith.remsi %scan3A_495, %jit3A_721 : i32
        %ne3A_739 = arith.constant 0 : i32
        %ne3A_740 = arith.cmpi ne, %rem3A_738, %ne3A_739 : i32
        %and3A_741 = arith.andi %ne3A_737, %ne3A_740 : i1
        %sub3A_742 = arith.constant 1 : i32
        %sub3A_743 = arith.subi %div3A_722, %sub3A_742 : i32
        %select_n3A_744 = arith.select %and3A_741, %sub3A_743, %div3A_722 : i32
        %rem3A_745 = arith.constant 2 : i32
        %rem3A_746 = arith.remsi %select_n3A_744, %rem3A_745 : i32
        %rem3A_747 = arith.constant 4 : i32
        %rem3A_748 = arith.remsi %scan3A_495, %rem3A_747 : i32
        %mul3A_749 = arith.constant 16 : i32
        %mul3A_750 = arith.muli %rem3A_748, %mul3A_749 : i32
        %multiple_of3A = tpu.assume_multiple %mul3A_750, 8 : i32
        %eq3A = arith.constant 0 : i32
        %eq3A_751 = arith.cmpi eq, %scan3A_495, %eq3A : i32
        %convert_element_type3A_752 = arith.extui %eq3A_751 : i1 to i32
        %cond3A_753 = arith.constant 0 : i32
        %cond3A_754 = arith.cmpi ne, %convert_element_type3A_752, %cond3A_753 : i32
        scf.if %cond3A_754 {
          %swap3A_770 = arith.constant 0 : i32
          %swap3A_771 = arith.index_cast %swap3A_770 : i32 to index
          %swap3A_772 = arith.constant 0 : index
          %swap3A_773 = tpu.vector_load %arg10[%swap3A_771, %swap3A_772] {strides = array<i32>} : memref<2x64xi32, #tpu.memory_space<vmem>>, vector<1x16xi32>,
          %swap3A_774 = vector.shape_cast %swap3A_773 : vector<1x16xi32> to vector<16xi32>
          %swap3A_775 = vector.shape_cast %sub3A_709 : vector<16xi32> to vector<1x16xi32>
          tpu.vector_store %arg10[%swap3A_771, %swap3A_772], %swap3A_775 {strides = array<i32>} : memref<2x64xi32, #tpu.memory_space<vmem>>, vector<1x16xi32>,
          %swap3A_776 = arith.constant 0 : i32
          %swap3A_777 = arith.index_cast %swap3A_776 : i32 to index
          %swap3A_778 = arith.constant 0 : index
          %swap3A_779 = tpu.vector_load %arg11[%swap3A_777, %swap3A_778] {strides = array<i32>} : memref<2x64xi32, #tpu.memory_space<vmem>>, vector<1x16xi32>,
          %swap3A_780 = vector.shape_cast %swap3A_779 : vector<1x16xi32> to vector<16xi32>
          %swap3A_781 = vector.shape_cast %select_n3A_720 : vector<16xi32> to vector<1x16xi32>
          tpu.vector_store %arg11[%swap3A_777, %swap3A_778], %swap3A_781 {strides = array<i32>} : memref<2x64xi32, #tpu.memory_space<vmem>>, vector<1x16xi32>,
          %swap3A_782 = arith.constant 0 : i32
          %swap3A_783 = arith.index_cast %swap3A_782 : i32 to index
          %swap3A_784 = arith.constant 16 : index
          %swap3A_785 = tpu.vector_load %arg10[%swap3A_783, %swap3A_784] {strides = array<i32>} : memref<2x64xi32, #tpu.memory_space<vmem>>, vector<1x16xi32>,
          %swap3A_786 = vector.shape_cast %swap3A_785 : vector<1x16xi32> to vector<16xi32>
          %swap3A_787 = vector.shape_cast %sub3A_709 : vector<16xi32> to vector<1x16xi32>
          tpu.vector_store %arg10[%swap3A_783, %swap3A_784], %swap3A_787 {strides = array<i32>} : memref<2x64xi32, #tpu.memory_space<vmem>>, vector<1x16xi32>,
          %swap3A_788 = arith.constant 0 : i32
          %swap3A_789 = arith.index_cast %swap3A_788 : i32 to index
          %swap3A_790 = arith.constant 16 : index
          %swap3A_791 = tpu.vector_load %arg11[%swap3A_789, %swap3A_790] {strides = array<i32>} : memref<2x64xi32, #tpu.memory_space<vmem>>, vector<1x16xi32>,
          %swap3A_792 = vector.shape_cast %swap3A_791 : vector<1x16xi32> to vector<16xi32>
          %swap3A_793 = vector.shape_cast %select_n3A_720 : vector<16xi32> to vector<1x16xi32>
          tpu.vector_store %arg11[%swap3A_789, %swap3A_790], %swap3A_793 {strides = array<i32>} : memref<2x64xi32, #tpu.memory_space<vmem>>, vector<1x16xi32>,
          %swap3A_794 = arith.constant 0 : i32
          %swap3A_795 = arith.index_cast %swap3A_794 : i32 to index
          %swap3A_796 = arith.constant 32 : index
          %swap3A_797 = tpu.vector_load %arg10[%swap3A_795, %swap3A_796] {strides = array<i32>} : memref<2x64xi32, #tpu.memory_space<vmem>>, vector<1x16xi32>,
          %swap3A_798 = vector.shape_cast %swap3A_797 : vector<1x16xi32> to vector<16xi32>
          %swap3A_799 = vector.shape_cast %sub3A_709 : vector<16xi32> to vector<1x16xi32>
          tpu.vector_store %arg10[%swap3A_795, %swap3A_796], %swap3A_799 {strides = array<i32>} : memref<2x64xi32, #tpu.memory_space<vmem>>, vector<1x16xi32>,
          %swap3A_800 = arith.constant 0 : i32
          %swap3A_801 = arith.index_cast %swap3A_800 : i32 to index
          %swap3A_802 = arith.constant 32 : index
          %swap3A_803 = tpu.vector_load %arg11[%swap3A_801, %swap3A_802] {strides = array<i32>} : memref<2x64xi32, #tpu.memory_space<vmem>>, vector<1x16xi32>,
          %swap3A_804 = vector.shape_cast %swap3A_803 : vector<1x16xi32> to vector<16xi32>
          %swap3A_805 = vector.shape_cast %select_n3A_720 : vector<16xi32> to vector<1x16xi32>
          tpu.vector_store %arg11[%swap3A_801, %swap3A_802], %swap3A_805 {strides = array<i32>} : memref<2x64xi32, #tpu.memory_space<vmem>>, vector<1x16xi32>,
          %swap3A_806 = arith.constant 0 : i32
          %swap3A_807 = arith.index_cast %swap3A_806 : i32 to index
          %swap3A_808 = arith.constant 48 : index
          %swap3A_809 = tpu.vector_load %arg10[%swap3A_807, %swap3A_808] {strides = array<i32>} : memref<2x64xi32, #tpu.memory_space<vmem>>, vector<1x16xi32>,
          %swap3A_810 = vector.shape_cast %swap3A_809 : vector<1x16xi32> to vector<16xi32>
          %swap3A_811 = vector.shape_cast %sub3A_709 : vector<16xi32> to vector<1x16xi32>
          tpu.vector_store %arg10[%swap3A_807, %swap3A_808], %swap3A_811 {strides = array<i32>} : memref<2x64xi32, #tpu.memory_space<vmem>>, vector<1x16xi32>,
          %swap3A_812 = arith.constant 0 : i32
          %swap3A_813 = arith.index_cast %swap3A_812 : i32 to index
          %swap3A_814 = arith.constant 48 : index
          %swap3A_815 = tpu.vector_load %arg11[%swap3A_813, %swap3A_814] {strides = array<i32>} : memref<2x64xi32, #tpu.memory_space<vmem>>, vector<1x16xi32>,
          %swap3A_816 = vector.shape_cast %swap3A_815 : vector<1x16xi32> to vector<16xi32>
          %swap3A_817 = vector.shape_cast %select_n3A_720 : vector<16xi32> to vector<1x16xi32>
          tpu.vector_store %arg11[%swap3A_813, %swap3A_814], %swap3A_817 {strides = array<i32>} : memref<2x64xi32, #tpu.memory_space<vmem>>, vector<1x16xi32>,
          %swap3A_818 = arith.constant 1 : i32
          %swap3A_819 = arith.index_cast %swap3A_818 : i32 to index
          %swap3A_820 = arith.constant 0 : index
          %swap3A_821 = tpu.vector_load %arg10[%swap3A_819, %swap3A_820] {strides = array<i32>} : memref<2x64xi32, #tpu.memory_space<vmem>>, vector<1x16xi32>,
          %swap3A_822 = vector.shape_cast %swap3A_821 : vector<1x16xi32> to vector<16xi32>
          %swap3A_823 = vector.shape_cast %sub3A_709 : vector<16xi32> to vector<1x16xi32>
          tpu.vector_store %arg10[%swap3A_819, %swap3A_820], %swap3A_823 {strides = array<i32>} : memref<2x64xi32, #tpu.memory_space<vmem>>, vector<1x16xi32>,
          %swap3A_824 = arith.constant 1 : i32
          %swap3A_825 = arith.index_cast %swap3A_824 : i32 to index
          %swap3A_826 = arith.constant 0 : index
          %swap3A_827 = tpu.vector_load %arg11[%swap3A_825, %swap3A_826] {strides = array<i32>} : memref<2x64xi32, #tpu.memory_space<vmem>>, vector<1x16xi32>,
          %swap3A_828 = vector.shape_cast %swap3A_827 : vector<1x16xi32> to vector<16xi32>
          %swap3A_829 = vector.shape_cast %select_n3A_720 : vector<16xi32> to vector<1x16xi32>
          tpu.vector_store %arg11[%swap3A_825, %swap3A_826], %swap3A_829 {strides = array<i32>} : memref<2x64xi32, #tpu.memory_space<vmem>>, vector<1x16xi32>,
          %swap3A_830 = arith.constant 1 : i32
          %swap3A_831 = arith.index_cast %swap3A_830 : i32 to index
          %swap3A_832 = arith.constant 16 : index
          %swap3A_833 = tpu.vector_load %arg10[%swap3A_831, %swap3A_832] {strides = array<i32>} : memref<2x64xi32, #tpu.memory_space<vmem>>, vector<1x16xi32>,
          %swap3A_834 = vector.shape_cast %swap3A_833 : vector<1x16xi32> to vector<16xi32>
          %swap3A_835 = vector.shape_cast %sub3A_709 : vector<16xi32> to vector<1x16xi32>
          tpu.vector_store %arg10[%swap3A_831, %swap3A_832], %swap3A_835 {strides = array<i32>} : memref<2x64xi32, #tpu.memory_space<vmem>>, vector<1x16xi32>,
          %swap3A_836 = arith.constant 1 : i32
          %swap3A_837 = arith.index_cast %swap3A_836 : i32 to index
          %swap3A_838 = arith.constant 16 : index
          %swap3A_839 = tpu.vector_load %arg11[%swap3A_837, %swap3A_838] {strides = array<i32>} : memref<2x64xi32, #tpu.memory_space<vmem>>, vector<1x16xi32>,
          %swap3A_840 = vector.shape_cast %swap3A_839 : vector<1x16xi32> to vector<16xi32>
          %swap3A_841 = vector.shape_cast %select_n3A_720 : vector<16xi32> to vector<1x16xi32>
          tpu.vector_store %arg11[%swap3A_837, %swap3A_838], %swap3A_841 {strides = array<i32>} : memref<2x64xi32, #tpu.memory_space<vmem>>, vector<1x16xi32>,
          %swap3A_842 = arith.constant 1 : i32
          %swap3A_843 = arith.index_cast %swap3A_842 : i32 to index
          %swap3A_844 = arith.constant 32 : index
          %swap3A_845 = tpu.vector_load %arg10[%swap3A_843, %swap3A_844] {strides = array<i32>} : memref<2x64xi32, #tpu.memory_space<vmem>>, vector<1x16xi32>,
          %swap3A_846 = vector.shape_cast %swap3A_845 : vector<1x16xi32> to vector<16xi32>
          %swap3A_847 = vector.shape_cast %sub3A_709 : vector<16xi32> to vector<1x16xi32>
          tpu.vector_store %arg10[%swap3A_843, %swap3A_844], %swap3A_847 {strides = array<i32>} : memref<2x64xi32, #tpu.memory_space<vmem>>, vector<1x16xi32>,
          %swap3A_848 = arith.constant 1 : i32
          %swap3A_849 = arith.index_cast %swap3A_848 : i32 to index
          %swap3A_850 = arith.constant 32 : index
          %swap3A_851 = tpu.vector_load %arg11[%swap3A_849, %swap3A_850] {strides = array<i32>} : memref<2x64xi32, #tpu.memory_space<vmem>>, vector<1x16xi32>,
          %swap3A_852 = vector.shape_cast %swap3A_851 : vector<1x16xi32> to vector<16xi32>
          %swap3A_853 = vector.shape_cast %select_n3A_720 : vector<16xi32> to vector<1x16xi32>
          tpu.vector_store %arg11[%swap3A_849, %swap3A_850], %swap3A_853 {strides = array<i32>} : memref<2x64xi32, #tpu.memory_space<vmem>>, vector<1x16xi32>,
          %swap3A_854 = arith.constant 1 : i32
          %swap3A_855 = arith.index_cast %swap3A_854 : i32 to index
          %swap3A_856 = arith.constant 48 : index
          %swap3A_857 = tpu.vector_load %arg10[%swap3A_855, %swap3A_856] {strides = array<i32>} : memref<2x64xi32, #tpu.memory_space<vmem>>, vector<1x16xi32>,
          %swap3A_858 = vector.shape_cast %swap3A_857 : vector<1x16xi32> to vector<16xi32>
          %swap3A_859 = vector.shape_cast %sub3A_709 : vector<16xi32> to vector<1x16xi32>
          tpu.vector_store %arg10[%swap3A_855, %swap3A_856], %swap3A_859 {strides = array<i32>} : memref<2x64xi32, #tpu.memory_space<vmem>>, vector<1x16xi32>,
          %swap3A_860 = arith.constant 1 : i32
          %swap3A_861 = arith.index_cast %swap3A_860 : i32 to index
          %swap3A_862 = arith.constant 48 : index
          %swap3A_863 = tpu.vector_load %arg11[%swap3A_861, %swap3A_862] {strides = array<i32>} : memref<2x64xi32, #tpu.memory_space<vmem>>, vector<1x16xi32>,
          %swap3A_864 = vector.shape_cast %swap3A_863 : vector<1x16xi32> to vector<16xi32>
          %swap3A_865 = vector.shape_cast %select_n3A_720 : vector<16xi32> to vector<1x16xi32>
          tpu.vector_store %arg11[%swap3A_861, %swap3A_862], %swap3A_865 {strides = array<i32>} : memref<2x64xi32, #tpu.memory_space<vmem>>, vector<1x16xi32>,
        } else {
        }
        %swap3A_755 = arith.index_cast %rem3A_746 : i32 to index
        %swap3A_756 = arith.index_cast %multiple_of3A : i32 to index
        %swap3A_757 = tpu.vector_load %arg10[%swap3A_755, %swap3A_756] {strides = array<i32>} : memref<2x64xi32, #tpu.memory_space<vmem>>, vector<1x16xi32>,
        %swap3A_758 = vector.shape_cast %swap3A_757 : vector<1x16xi32> to vector<16xi32>
        %swap3A_759 = vector.shape_cast %sub3A_709 : vector<16xi32> to vector<1x16xi32>
        tpu.vector_store %arg10[%swap3A_755, %swap3A_756], %swap3A_759 {strides = array<i32>} : memref<2x64xi32, #tpu.memory_space<vmem>>, vector<1x16xi32>,
        %swap3A_760 = arith.index_cast %rem3A_746 : i32 to index
        %swap3A_761 = arith.index_cast %multiple_of3A : i32 to index
        %swap3A_762 = tpu.vector_load %arg11[%swap3A_760, %swap3A_761] {strides = array<i32>} : memref<2x64xi32, #tpu.memory_space<vmem>>, vector<1x16xi32>,
        %swap3A_763 = vector.shape_cast %swap3A_762 : vector<1x16xi32> to vector<16xi32>
        %swap3A_764 = vector.shape_cast %select_n3A_720 : vector<16xi32> to vector<1x16xi32>
        tpu.vector_store %arg11[%swap3A_760, %swap3A_761], %swap3A_764 {strides = array<i32>} : memref<2x64xi32, #tpu.memory_space<vmem>>, vector<1x16xi32>,
        %eq3A_765 = arith.constant 3 : i32
        %eq3A_766 = arith.cmpi eq, %rem3A_748, %eq3A_765 : i32
        %convert_element_type3A_767 = arith.extui %eq3A_766 : i1 to i32
        %cond3A_768 = arith.constant 0 : i32
        %cond3A_769 = arith.cmpi ne, %convert_element_type3A_767, %cond3A_768 : i32
        scf.if %cond3A_769 {
          %jit3A_770 = arith.constant 4 : i32
          %div3A_771 = arith.divsi %scan3A_495, %jit3A_770 : i32
          %sign3A_772 = arith.constant 0 : i32
          %sign3A_773 = arith.cmpi sgt, %scan3A_495, %sign3A_772 : i32
          %sign3A_774 = arith.extui %sign3A_773 : i1 to i32
          %sign3A_775 = arith.constant 0 : i32
          %sign3A_776 = arith.cmpi slt, %scan3A_495, %sign3A_775 : i32
          %sign3A_777 = arith.extui %sign3A_776 : i1 to i32
          %sign3A_778 = arith.subi %sign3A_774, %sign3A_777 : i32
          %sign3A_779 = arith.constant 0 : i32
          %sign3A_780 = arith.cmpi sgt, %jit3A_770, %sign3A_779 : i32
          %sign3A_781 = arith.extui %sign3A_780 : i1 to i32
          %sign3A_782 = arith.constant 0 : i32
          %sign3A_783 = arith.cmpi slt, %jit3A_770, %sign3A_782 : i32
          %sign3A_784 = arith.extui %sign3A_783 : i1 to i32
          %sign3A_785 = arith.subi %sign3A_781, %sign3A_784 : i32
          %ne3A_786 = arith.cmpi ne, %sign3A_778, %sign3A_785 : i32
          %rem3A_787 = arith.remsi %scan3A_495, %jit3A_770 : i32
          %ne3A_788 = arith.constant 0 : i32
          %ne3A_789 = arith.cmpi ne, %rem3A_787, %ne3A_788 : i32
          %and3A_790 = arith.andi %ne3A_786, %ne3A_789 : i1
          %sub3A_791 = arith.constant 1 : i32
          %sub3A_792 = arith.subi %div3A_771, %sub3A_791 : i32
          %select_n3A_793 = arith.select %and3A_790, %sub3A_792, %div3A_771 : i32
          %rem3A_794 = arith.constant 2 : i32
          %rem3A_795 = arith.remsi %select_n3A_793, %rem3A_794 : i32
          %ge3A_796 = arith.constant 1 : i32
          %ge3A_797 = arith.cmpi sge, %select_n3A_793, %ge3A_796 : i32
          %convert_element_type3A_798 = arith.extui %ge3A_797 : i1 to i32
          %cond3A_799 = arith.constant 0 : i32
          %cond3A_800 = arith.cmpi ne, %convert_element_type3A_798, %cond3A_799 : i32
          scf.if %cond3A_800 {
            %sub3A_818 = arith.constant 1 : i32
            %sub3A_819 = arith.subi %select_n3A_793, %sub3A_818 : i32
            %rem3A_820 = arith.constant 2 : i32
            %rem3A_821 = arith.remsi %sub3A_819, %rem3A_820 : i32
            %dma_wait3A_822 = arith.constant 0 : i32
            %dma_wait3A_823 = arith.constant 0 : i32
            %dma_wait3A_824 = tpu.memref_slice %arg9[%rem3A_821, %dma_wait3A_822, %dma_wait3A_823] : memref<2x64x128xf32, #tpu.memory_space<vmem>> -> memref<1x64x128xf32, #tpu.memory_space<vmem>>
            %dma_wait3A_825 = tpu.memref_squeeze %dma_wait3A_824 : memref<1x64x128xf32, #tpu.memory_space<vmem>> -> memref<64x128xf32, #tpu.memory_space<vmem>>
            %dma_wait3A_826 = arith.constant 0 : i32
            %dma_wait3A_827 = arith.constant 0 : i32
            %dma_wait3A_828 = tpu.memref_slice %arg4[%dma_wait3A_826, %dma_wait3A_827] : memref<2000x128xf32, #tpu.memory_space<hbm>> -> memref<64x128xf32, #tpu.memory_space<hbm>>
            %dma_wait3A_829 = tpu.memref_slice %arg15[%rem3A_821] : memref<2x!tpu.dma_semaphore, #tpu.memory_space<semaphore_mem>> -> memref<1x!tpu.dma_semaphore, #tpu.memory_space<semaphore_mem>>
            %dma_wait3A_830 = tpu.memref_squeeze %dma_wait3A_829 : memref<1x!tpu.dma_semaphore, #tpu.memory_space<semaphore_mem>> -> memref<!tpu.dma_semaphore, #tpu.memory_space<semaphore_mem>>
            %dma_wait3A_831 = arith.constant 0 : i32
            %dma_wait3A_832 = arith.constant 0 : i32
            %dma_wait3A_833 = tpu.memref_slice %arg9[%rem3A_821, %dma_wait3A_831, %dma_wait3A_832] : memref<2x64x128xf32, #tpu.memory_space<vmem>> -> memref<1x64x128xf32, #tpu.memory_space<vmem>>
            %dma_wait3A_834 = tpu.memref_squeeze %dma_wait3A_833 : memref<1x64x128xf32, #tpu.memory_space<vmem>> -> memref<64x128xf32, #tpu.memory_space<vmem>>
            %dma_wait3A_835 = arith.constant 0 : i32
            %dma_wait3A_836 = arith.constant 0 : i32
            %dma_wait3A_837 = tpu.memref_slice %arg4[%dma_wait3A_835, %dma_wait3A_836] : memref<2000x128xf32, #tpu.memory_space<hbm>> -> memref<64x128xf32, #tpu.memory_space<hbm>>
            tpu.wait_dma2 semaphore(%dma_wait3A_830 : memref<!tpu.dma_semaphore, #tpu.memory_space<semaphore_mem>>) src(%dma_wait3A_837 : memref<64x128xf32, #tpu.memory_space<hbm>>) dst(%dma_wait3A_834 : memref<64x128xf32, #tpu.memory_space<vmem>>)
            %dma_start3A_838 = arith.constant 0 : i32
            %dma_start3A_839 = arith.constant 0 : i32
            %dma_start3A_840 = tpu.memref_slice %arg9[%rem3A_821, %dma_start3A_838, %dma_start3A_839] : memref<2x64x128xf32, #tpu.memory_space<vmem>> -> memref<1x64x128xf32, #tpu.memory_space<vmem>>
            %dma_start3A_841 = tpu.memref_squeeze %dma_start3A_840 : memref<1x64x128xf32, #tpu.memory_space<vmem>> -> memref<64x128xf32, #tpu.memory_space<vmem>>
            %dma_start3A_842 = arith.constant 0 : i32
            %dma_start3A_843 = tpu.memref_slice %arg11[%rem3A_821, %dma_start3A_842] : memref<2x64xi32, #tpu.memory_space<vmem>> -> memref<1x64xi32, #tpu.memory_space<vmem>>
            %dma_start3A_844 = tpu.memref_squeeze %dma_start3A_843 : memref<1x64xi32, #tpu.memory_space<vmem>> -> memref<64xi32, #tpu.memory_space<vmem>>
            %dma_start3A_845 = arith.constant 0 : i32
            %dma_start3A_846 = arith.constant 0 : i32
            %dma_start3A_847 = tpu.memref_slice %arg5[%dma_start3A_845, %dma_start3A_846] : memref<204800x128xf32, #tpu.memory_space<hbm>> -> memref<204800x128xf32, #tpu.memory_space<hbm>>
            %dma_start3A_848 = tpu.memref_slice %arg16[%rem3A_821] : memref<2x!tpu.dma_semaphore, #tpu.memory_space<semaphore_mem>> -> memref<1x!tpu.dma_semaphore, #tpu.memory_space<semaphore_mem>>
            %dma_start3A_849 = tpu.memref_squeeze %dma_start3A_848 : memref<1x!tpu.dma_semaphore, #tpu.memory_space<semaphore_mem>> -> memref<!tpu.dma_semaphore, #tpu.memory_space<semaphore_mem>>
            tpu.enqueue_indirect_dma source(%dma_start3A_841 : memref<64x128xf32, #tpu.memory_space<vmem>>) target(%dma_start3A_847 : memref<204800x128xf32, #tpu.memory_space<hbm>>) offsets(%dma_start3A_844 : memref<64xi32, #tpu.memory_space<vmem>>) semaphore(%dma_start3A_849 : memref<!tpu.dma_semaphore, #tpu.memory_space<semaphore_mem>>)
          } else {
          }
          %ge3A_801 = arith.constant 2 : i32
          %ge3A_802 = arith.cmpi sge, %select_n3A_793, %ge3A_801 : i32
          %convert_element_type3A_803 = arith.extui %ge3A_802 : i1 to i32
          %cond3A_804 = arith.constant 0 : i32
          %cond3A_805 = arith.cmpi ne, %convert_element_type3A_803, %cond3A_804 : i32
          scf.if %cond3A_805 {
            %dma_wait3A_818 = arith.constant 0 : i32
            %dma_wait3A_819 = arith.constant 0 : i32
            %dma_wait3A_820 = tpu.memref_slice %arg9[%rem3A_795, %dma_wait3A_818, %dma_wait3A_819] : memref<2x64x128xf32, #tpu.memory_space<vmem>> -> memref<1x64x128xf32, #tpu.memory_space<vmem>>
            %dma_wait3A_821 = tpu.memref_squeeze %dma_wait3A_820 : memref<1x64x128xf32, #tpu.memory_space<vmem>> -> memref<64x128xf32, #tpu.memory_space<vmem>>
            %dma_wait3A_822 = arith.constant 0 : i32
            %dma_wait3A_823 = arith.constant 0 : i32
            %dma_wait3A_824 = tpu.memref_slice %arg5[%dma_wait3A_822, %dma_wait3A_823] : memref<204800x128xf32, #tpu.memory_space<hbm>> -> memref<64x128xf32, #tpu.memory_space<hbm>>
            %dma_wait3A_825 = tpu.memref_slice %arg16[%rem3A_795] : memref<2x!tpu.dma_semaphore, #tpu.memory_space<semaphore_mem>> -> memref<1x!tpu.dma_semaphore, #tpu.memory_space<semaphore_mem>>
            %dma_wait3A_826 = tpu.memref_squeeze %dma_wait3A_825 : memref<1x!tpu.dma_semaphore, #tpu.memory_space<semaphore_mem>> -> memref<!tpu.dma_semaphore, #tpu.memory_space<semaphore_mem>>
            %dma_wait3A_827 = arith.constant 0 : i32
            %dma_wait3A_828 = arith.constant 0 : i32
            %dma_wait3A_829 = tpu.memref_slice %arg5[%dma_wait3A_827, %dma_wait3A_828] : memref<204800x128xf32, #tpu.memory_space<hbm>> -> memref<64x128xf32, #tpu.memory_space<hbm>>
            %dma_wait3A_830 = arith.constant 0 : i32
            %dma_wait3A_831 = arith.constant 0 : i32
            %dma_wait3A_832 = tpu.memref_slice %arg9[%rem3A_795, %dma_wait3A_830, %dma_wait3A_831] : memref<2x64x128xf32, #tpu.memory_space<vmem>> -> memref<1x64x128xf32, #tpu.memory_space<vmem>>
            %dma_wait3A_833 = tpu.memref_squeeze %dma_wait3A_832 : memref<1x64x128xf32, #tpu.memory_space<vmem>> -> memref<64x128xf32, #tpu.memory_space<vmem>>
            tpu.wait_dma2 semaphore(%dma_wait3A_826 : memref<!tpu.dma_semaphore, #tpu.memory_space<semaphore_mem>>) src(%dma_wait3A_833 : memref<64x128xf32, #tpu.memory_space<vmem>>) dst(%dma_wait3A_829 : memref<64x128xf32, #tpu.memory_space<hbm>>)
          } else {
          }
          %dma_start3A_806 = arith.constant 0 : i32
          %dma_start3A_807 = arith.constant 0 : i32
          %dma_start3A_808 = tpu.memref_slice %arg9[%rem3A_795, %dma_start3A_806, %dma_start3A_807] : memref<2x64x128xf32, #tpu.memory_space<vmem>> -> memref<1x64x128xf32, #tpu.memory_space<vmem>>
          %dma_start3A_809 = tpu.memref_squeeze %dma_start3A_808 : memref<1x64x128xf32, #tpu.memory_space<vmem>> -> memref<64x128xf32, #tpu.memory_space<vmem>>
          %dma_start3A_810 = arith.constant 0 : i32
          %dma_start3A_811 = tpu.memref_slice %arg10[%rem3A_795, %dma_start3A_810] : memref<2x64xi32, #tpu.memory_space<vmem>> -> memref<1x64xi32, #tpu.memory_space<vmem>>
          %dma_start3A_812 = tpu.memref_squeeze %dma_start3A_811 : memref<1x64xi32, #tpu.memory_space<vmem>> -> memref<64xi32, #tpu.memory_space<vmem>>
          %dma_start3A_813 = arith.constant 0 : i32
          %dma_start3A_814 = arith.constant 0 : i32
          %dma_start3A_815 = tpu.memref_slice %arg4[%dma_start3A_813, %dma_start3A_814] : memref<2000x128xf32, #tpu.memory_space<hbm>> -> memref<2000x128xf32, #tpu.memory_space<hbm>>
          %dma_start3A_816 = tpu.memref_slice %arg15[%rem3A_795] : memref<2x!tpu.dma_semaphore, #tpu.memory_space<semaphore_mem>> -> memref<1x!tpu.dma_semaphore, #tpu.memory_space<semaphore_mem>>
          %dma_start3A_817 = tpu.memref_squeeze %dma_start3A_816 : memref<1x!tpu.dma_semaphore, #tpu.memory_space<semaphore_mem>> -> memref<!tpu.dma_semaphore, #tpu.memory_space<semaphore_mem>>
          tpu.enqueue_indirect_dma source(%dma_start3A_815 : memref<2000x128xf32, #tpu.memory_space<hbm>>) target(%dma_start3A_809 : memref<64x128xf32, #tpu.memory_space<vmem>>) offsets(%dma_start3A_812 : memref<64xi32, #tpu.memory_space<vmem>>) semaphore(%dma_start3A_817 : memref<!tpu.dma_semaphore, #tpu.memory_space<semaphore_mem>>)
        } else {
        }
      } else {
      }
      %add3A_699 = arith.constant 1 : i32
      %add3A_700 = arith.addi %scan3A_495, %add3A_699 : i32
      %select_n3A_701 = arith.select %ge3A_695, %add3A_700, %scan3A_495 : i32
      scf.yield %select_n3A_701 : i32
    }
    %scan3A_431 = arith.constant 400 : i32
    "tpu.region"() ({
      %run_scoped3A = tpu.sem_alloc : memref<!tpu.dma_semaphore, #tpu.memory_space<semaphore_mem>>
      %dma_start3A_494 = arith.constant 0 : i32
      %dma_start3A_495 = tpu.memref_slice %arg6[%add3A, %dma_start3A_494] : memref<32x16xi32, #tpu.memory_space<hbm>> -> memref<1x16xi32, #tpu.memory_space<hbm>>
      %dma_start3A_496 = tpu.memref_squeeze %dma_start3A_495 : memref<1x16xi32, #tpu.memory_space<hbm>> -> memref<16xi32, #tpu.memory_space<hbm>>
      %dma_start3A_497 = arith.constant 0 : i32
      %dma_start3A_498 = tpu.memref_slice %arg6[%add3A, %dma_start3A_497] : memref<32x16xi32, #tpu.memory_space<hbm>> -> memref<1x16xi32, #tpu.memory_space<hbm>>
      %dma_start3A_499 = tpu.memref_squeeze %dma_start3A_498 : memref<1x16xi32, #tpu.memory_space<hbm>> -> memref<16xi32, #tpu.memory_space<hbm>>
      tpu.enqueue_dma source(%arg12 : memref<16xi32, #tpu.memory_space<vmem>>) target(%dma_start3A_499 : memref<16xi32, #tpu.memory_space<hbm>>) target_semaphore(%run_scoped3A : memref<!tpu.dma_semaphore, #tpu.memory_space<semaphore_mem>>)
      %dma_wait3A_500 = arith.constant 0 : i32
      %dma_wait3A_501 = tpu.memref_slice %arg6[%add3A, %dma_wait3A_500] : memref<32x16xi32, #tpu.memory_space<hbm>> -> memref<1x16xi32, #tpu.memory_space<hbm>>
      %dma_wait3A_502 = tpu.memref_squeeze %dma_wait3A_501 : memref<1x16xi32, #tpu.memory_space<hbm>> -> memref<16xi32, #tpu.memory_space<hbm>>
      %dma_wait3A_503 = arith.constant 0 : i32
      %dma_wait3A_504 = tpu.memref_slice %arg6[%add3A, %dma_wait3A_503] : memref<32x16xi32, #tpu.memory_space<hbm>> -> memref<1x16xi32, #tpu.memory_space<hbm>>
      %dma_wait3A_505 = tpu.memref_squeeze %dma_wait3A_504 : memref<1x16xi32, #tpu.memory_space<hbm>> -> memref<16xi32, #tpu.memory_space<hbm>>
      tpu.wait_dma2 semaphore(%run_scoped3A : memref<!tpu.dma_semaphore, #tpu.memory_space<semaphore_mem>>) src(%arg12 : memref<16xi32, #tpu.memory_space<vmem>>) dst(%dma_wait3A_505 : memref<16xi32, #tpu.memory_space<hbm>>)
      tpu.yield
    }) : () -> ()
    %jit3A = arith.constant 4 : i32
    %div3A = arith.divsi %scan3A_430, %jit3A : i32
    %sign3A = arith.constant 0 : i32
    %sign3A_432 = arith.cmpi sgt, %scan3A_430, %sign3A : i32
    %sign3A_433 = arith.extui %sign3A_432 : i1 to i32
    %sign3A_434 = arith.constant 0 : i32
    %sign3A_435 = arith.cmpi slt, %scan3A_430, %sign3A_434 : i32
    %sign3A_436 = arith.extui %sign3A_435 : i1 to i32
    %sign3A_437 = arith.subi %sign3A_433, %sign3A_436 : i32
    %sign3A_438 = arith.constant 0 : i32
    %sign3A_439 = arith.cmpi sgt, %jit3A, %sign3A_438 : i32
    %sign3A_440 = arith.extui %sign3A_439 : i1 to i32
    %sign3A_441 = arith.constant 0 : i32
    %sign3A_442 = arith.cmpi slt, %jit3A, %sign3A_441 : i32
    %sign3A_443 = arith.extui %sign3A_442 : i1 to i32
    %sign3A_444 = arith.subi %sign3A_440, %sign3A_443 : i32
    %ne3A = arith.cmpi ne, %sign3A_437, %sign3A_444 : i32
    %rem3A = arith.remsi %scan3A_430, %jit3A : i32
    %ne3A_445 = arith.constant 0 : i32
    %ne3A_446 = arith.cmpi ne, %rem3A, %ne3A_445 : i32
    %and3A = arith.andi %ne3A, %ne3A_446 : i1
    %sub3A = arith.constant 1 : i32
    %sub3A_447 = arith.subi %div3A, %sub3A : i32
    %select_n3A = arith.select %and3A, %sub3A_447, %div3A : i32
    %rem3A_448 = arith.constant 4 : i32
    %rem3A_449 = arith.remsi %scan3A_430, %rem3A_448 : i32
    %gt3A = arith.constant 0 : i32
    %gt3A_450 = arith.cmpi sgt, %rem3A_449, %gt3A : i32
    %convert_element_type3A = arith.extui %gt3A_450 : i1 to i32
    %cond3A = arith.constant 0 : i32
    %cond3A_451 = arith.cmpi ne, %convert_element_type3A, %cond3A : i32
    scf.if %cond3A_451 {
      %rem3A_494 = arith.constant 2 : i32
      %rem3A_495 = arith.remsi %select_n3A, %rem3A_494 : i32
      %ge3A_496 = arith.constant 1 : i32
      %ge3A_497 = arith.cmpi sge, %select_n3A, %ge3A_496 : i32
      %convert_element_type3A_498 = arith.extui %ge3A_497 : i1 to i32
      %cond3A_499 = arith.constant 0 : i32
      %cond3A_500 = arith.cmpi ne, %convert_element_type3A_498, %cond3A_499 : i32
      scf.if %cond3A_500 {
        %sub3A_518 = arith.constant 1 : i32
        %sub3A_519 = arith.subi %select_n3A, %sub3A_518 : i32
        %rem3A_520 = arith.constant 2 : i32
        %rem3A_521 = arith.remsi %sub3A_519, %rem3A_520 : i32
        %dma_wait3A_522 = arith.constant 0 : i32
        %dma_wait3A_523 = arith.constant 0 : i32
        %dma_wait3A_524 = tpu.memref_slice %arg9[%rem3A_521, %dma_wait3A_522, %dma_wait3A_523] : memref<2x64x128xf32, #tpu.memory_space<vmem>> -> memref<1x64x128xf32, #tpu.memory_space<vmem>>
        %dma_wait3A_525 = tpu.memref_squeeze %dma_wait3A_524 : memref<1x64x128xf32, #tpu.memory_space<vmem>> -> memref<64x128xf32, #tpu.memory_space<vmem>>
        %dma_wait3A_526 = arith.constant 0 : i32
        %dma_wait3A_527 = arith.constant 0 : i32
        %dma_wait3A_528 = tpu.memref_slice %arg4[%dma_wait3A_526, %dma_wait3A_527] : memref<2000x128xf32, #tpu.memory_space<hbm>> -> memref<64x128xf32, #tpu.memory_space<hbm>>
        %dma_wait3A_529 = tpu.memref_slice %arg15[%rem3A_521] : memref<2x!tpu.dma_semaphore, #tpu.memory_space<semaphore_mem>> -> memref<1x!tpu.dma_semaphore, #tpu.memory_space<semaphore_mem>>
        %dma_wait3A_530 = tpu.memref_squeeze %dma_wait3A_529 : memref<1x!tpu.dma_semaphore, #tpu.memory_space<semaphore_mem>> -> memref<!tpu.dma_semaphore, #tpu.memory_space<semaphore_mem>>
        %dma_wait3A_531 = arith.constant 0 : i32
        %dma_wait3A_532 = arith.constant 0 : i32
        %dma_wait3A_533 = tpu.memref_slice %arg9[%rem3A_521, %dma_wait3A_531, %dma_wait3A_532] : memref<2x64x128xf32, #tpu.memory_space<vmem>> -> memref<1x64x128xf32, #tpu.memory_space<vmem>>
        %dma_wait3A_534 = tpu.memref_squeeze %dma_wait3A_533 : memref<1x64x128xf32, #tpu.memory_space<vmem>> -> memref<64x128xf32, #tpu.memory_space<vmem>>
        %dma_wait3A_535 = arith.constant 0 : i32
        %dma_wait3A_536 = arith.constant 0 : i32
        %dma_wait3A_537 = tpu.memref_slice %arg4[%dma_wait3A_535, %dma_wait3A_536] : memref<2000x128xf32, #tpu.memory_space<hbm>> -> memref<64x128xf32, #tpu.memory_space<hbm>>
        tpu.wait_dma2 semaphore(%dma_wait3A_530 : memref<!tpu.dma_semaphore, #tpu.memory_space<semaphore_mem>>) src(%dma_wait3A_537 : memref<64x128xf32, #tpu.memory_space<hbm>>) dst(%dma_wait3A_534 : memref<64x128xf32, #tpu.memory_space<vmem>>)
        %dma_start3A_538 = arith.constant 0 : i32
        %dma_start3A_539 = arith.constant 0 : i32
        %dma_start3A_540 = tpu.memref_slice %arg9[%rem3A_521, %dma_start3A_538, %dma_start3A_539] : memref<2x64x128xf32, #tpu.memory_space<vmem>> -> memref<1x64x128xf32, #tpu.memory_space<vmem>>
        %dma_start3A_541 = tpu.memref_squeeze %dma_start3A_540 : memref<1x64x128xf32, #tpu.memory_space<vmem>> -> memref<64x128xf32, #tpu.memory_space<vmem>>
        %dma_start3A_542 = arith.constant 0 : i32
        %dma_start3A_543 = tpu.memref_slice %arg11[%rem3A_521, %dma_start3A_542] : memref<2x64xi32, #tpu.memory_space<vmem>> -> memref<1x64xi32, #tpu.memory_space<vmem>>
        %dma_start3A_544 = tpu.memref_squeeze %dma_start3A_543 : memref<1x64xi32, #tpu.memory_space<vmem>> -> memref<64xi32, #tpu.memory_space<vmem>>
        %dma_start3A_545 = arith.constant 0 : i32
        %dma_start3A_546 = arith.constant 0 : i32
        %dma_start3A_547 = tpu.memref_slice %arg5[%dma_start3A_545, %dma_start3A_546] : memref<204800x128xf32, #tpu.memory_space<hbm>> -> memref<204800x128xf32, #tpu.memory_space<hbm>>
        %dma_start3A_548 = tpu.memref_slice %arg16[%rem3A_521] : memref<2x!tpu.dma_semaphore, #tpu.memory_space<semaphore_mem>> -> memref<1x!tpu.dma_semaphore, #tpu.memory_space<semaphore_mem>>
        %dma_start3A_549 = tpu.memref_squeeze %dma_start3A_548 : memref<1x!tpu.dma_semaphore, #tpu.memory_space<semaphore_mem>> -> memref<!tpu.dma_semaphore, #tpu.memory_space<semaphore_mem>>
        tpu.enqueue_indirect_dma source(%dma_start3A_541 : memref<64x128xf32, #tpu.memory_space<vmem>>) target(%dma_start3A_547 : memref<204800x128xf32, #tpu.memory_space<hbm>>) offsets(%dma_start3A_544 : memref<64xi32, #tpu.memory_space<vmem>>) semaphore(%dma_start3A_549 : memref<!tpu.dma_semaphore, #tpu.memory_space<semaphore_mem>>)
      } else {
      }
      %ge3A_501 = arith.constant 2 : i32
      %ge3A_502 = arith.cmpi sge, %select_n3A, %ge3A_501 : i32
      %convert_element_type3A_503 = arith.extui %ge3A_502 : i1 to i32
      %cond3A_504 = arith.constant 0 : i32
      %cond3A_505 = arith.cmpi ne, %convert_element_type3A_503, %cond3A_504 : i32
      scf.if %cond3A_505 {
        %dma_wait3A_518 = arith.constant 0 : i32
        %dma_wait3A_519 = arith.constant 0 : i32
        %dma_wait3A_520 = tpu.memref_slice %arg9[%rem3A_495, %dma_wait3A_518, %dma_wait3A_519] : memref<2x64x128xf32, #tpu.memory_space<vmem>> -> memref<1x64x128xf32, #tpu.memory_space<vmem>>
        %dma_wait3A_521 = tpu.memref_squeeze %dma_wait3A_520 : memref<1x64x128xf32, #tpu.memory_space<vmem>> -> memref<64x128xf32, #tpu.memory_space<vmem>>
        %dma_wait3A_522 = arith.constant 0 : i32
        %dma_wait3A_523 = arith.constant 0 : i32
        %dma_wait3A_524 = tpu.memref_slice %arg5[%dma_wait3A_522, %dma_wait3A_523] : memref<204800x128xf32, #tpu.memory_space<hbm>> -> memref<64x128xf32, #tpu.memory_space<hbm>>
        %dma_wait3A_525 = tpu.memref_slice %arg16[%rem3A_495] : memref<2x!tpu.dma_semaphore, #tpu.memory_space<semaphore_mem>> -> memref<1x!tpu.dma_semaphore, #tpu.memory_space<semaphore_mem>>
        %dma_wait3A_526 = tpu.memref_squeeze %dma_wait3A_525 : memref<1x!tpu.dma_semaphore, #tpu.memory_space<semaphore_mem>> -> memref<!tpu.dma_semaphore, #tpu.memory_space<semaphore_mem>>
        %dma_wait3A_527 = arith.constant 0 : i32
        %dma_wait3A_528 = arith.constant 0 : i32
        %dma_wait3A_529 = tpu.memref_slice %arg5[%dma_wait3A_527, %dma_wait3A_528] : memref<204800x128xf32, #tpu.memory_space<hbm>> -> memref<64x128xf32, #tpu.memory_space<hbm>>
        %dma_wait3A_530 = arith.constant 0 : i32
        %dma_wait3A_531 = arith.constant 0 : i32
        %dma_wait3A_532 = tpu.memref_slice %arg9[%rem3A_495, %dma_wait3A_530, %dma_wait3A_531] : memref<2x64x128xf32, #tpu.memory_space<vmem>> -> memref<1x64x128xf32, #tpu.memory_space<vmem>>
        %dma_wait3A_533 = tpu.memref_squeeze %dma_wait3A_532 : memref<1x64x128xf32, #tpu.memory_space<vmem>> -> memref<64x128xf32, #tpu.memory_space<vmem>>
        tpu.wait_dma2 semaphore(%dma_wait3A_526 : memref<!tpu.dma_semaphore, #tpu.memory_space<semaphore_mem>>) src(%dma_wait3A_533 : memref<64x128xf32, #tpu.memory_space<vmem>>) dst(%dma_wait3A_529 : memref<64x128xf32, #tpu.memory_space<hbm>>)
      } else {
      }
      %dma_start3A_506 = arith.constant 0 : i32
      %dma_start3A_507 = arith.constant 0 : i32
      %dma_start3A_508 = tpu.memref_slice %arg9[%rem3A_495, %dma_start3A_506, %dma_start3A_507] : memref<2x64x128xf32, #tpu.memory_space<vmem>> -> memref<1x64x128xf32, #tpu.memory_space<vmem>>
      %dma_start3A_509 = tpu.memref_squeeze %dma_start3A_508 : memref<1x64x128xf32, #tpu.memory_space<vmem>> -> memref<64x128xf32, #tpu.memory_space<vmem>>
      %dma_start3A_510 = arith.constant 0 : i32
      %dma_start3A_511 = tpu.memref_slice %arg10[%rem3A_495, %dma_start3A_510] : memref<2x64xi32, #tpu.memory_space<vmem>> -> memref<1x64xi32, #tpu.memory_space<vmem>>
      %dma_start3A_512 = tpu.memref_squeeze %dma_start3A_511 : memref<1x64xi32, #tpu.memory_space<vmem>> -> memref<64xi32, #tpu.memory_space<vmem>>
      %dma_start3A_513 = arith.constant 0 : i32
      %dma_start3A_514 = arith.constant 0 : i32
      %dma_start3A_515 = tpu.memref_slice %arg4[%dma_start3A_513, %dma_start3A_514] : memref<2000x128xf32, #tpu.memory_space<hbm>> -> memref<2000x128xf32, #tpu.memory_space<hbm>>
      %dma_start3A_516 = tpu.memref_slice %arg15[%rem3A_495] : memref<2x!tpu.dma_semaphore, #tpu.memory_space<semaphore_mem>> -> memref<1x!tpu.dma_semaphore, #tpu.memory_space<semaphore_mem>>
      %dma_start3A_517 = tpu.memref_squeeze %dma_start3A_516 : memref<1x!tpu.dma_semaphore, #tpu.memory_space<semaphore_mem>> -> memref<!tpu.dma_semaphore, #tpu.memory_space<semaphore_mem>>
      tpu.enqueue_indirect_dma source(%dma_start3A_515 : memref<2000x128xf32, #tpu.memory_space<hbm>>) target(%dma_start3A_509 : memref<64x128xf32, #tpu.memory_space<vmem>>) offsets(%dma_start3A_512 : memref<64xi32, #tpu.memory_space<vmem>>) semaphore(%dma_start3A_517 : memref<!tpu.dma_semaphore, #tpu.memory_space<semaphore_mem>>)
    } else {
    }
    %add3A_452 = arith.constant 4 : i32
    %add3A_453 = arith.addi %scan3A_430, %add3A_452 : i32
    %sub3A_454 = arith.constant 1 : i32
    %sub3A_455 = arith.subi %add3A_453, %sub3A_454 : i32
    %jit3A_456 = arith.constant 4 : i32
    %div3A_457 = arith.divsi %sub3A_455, %jit3A_456 : i32
    %sign3A_458 = arith.constant 0 : i32
    %sign3A_459 = arith.cmpi sgt, %sub3A_455, %sign3A_458 : i32
    %sign3A_460 = arith.extui %sign3A_459 : i1 to i32
    %sign3A_461 = arith.constant 0 : i32
    %sign3A_462 = arith.cmpi slt, %sub3A_455, %sign3A_461 : i32
    %sign3A_463 = arith.extui %sign3A_462 : i1 to i32
    %sign3A_464 = arith.subi %sign3A_460, %sign3A_463 : i32
    %sign3A_465 = arith.constant 0 : i32
    %sign3A_466 = arith.cmpi sgt, %jit3A_456, %sign3A_465 : i32
    %sign3A_467 = arith.extui %sign3A_466 : i1 to i32
    %sign3A_468 = arith.constant 0 : i32
    %sign3A_469 = arith.cmpi slt, %jit3A_456, %sign3A_468 : i32
    %sign3A_470 = arith.extui %sign3A_469 : i1 to i32
    %sign3A_471 = arith.subi %sign3A_467, %sign3A_470 : i32
    %ne3A_472 = arith.cmpi ne, %sign3A_464, %sign3A_471 : i32
    %rem3A_473 = arith.remsi %sub3A_455, %jit3A_456 : i32
    %ne3A_474 = arith.constant 0 : i32
    %ne3A_475 = arith.cmpi ne, %rem3A_473, %ne3A_474 : i32
    %and3A_476 = arith.andi %ne3A_472, %ne3A_475 : i1
    %sub3A_477 = arith.constant 1 : i32
    %sub3A_478 = arith.subi %div3A_457, %sub3A_477 : i32
    %select_n3A_479 = arith.select %and3A_476, %sub3A_478, %div3A_457 : i32
    %ge3A = arith.constant 1 : i32
    %ge3A_480 = arith.cmpi sge, %select_n3A_479, %ge3A : i32
    %convert_element_type3A_481 = arith.extui %ge3A_480 : i1 to i32
    %cond3A_482 = arith.constant 0 : i32
    %cond3A_483 = arith.cmpi ne, %convert_element_type3A_481, %cond3A_482 : i32
    scf.if %cond3A_483 {
      %sub3A_494 = arith.constant 1 : i32
      %sub3A_495 = arith.subi %select_n3A_479, %sub3A_494 : i32
      %rem3A_496 = arith.constant 2 : i32
      %rem3A_497 = arith.remsi %sub3A_495, %rem3A_496 : i32
      %dma_wait3A_498 = arith.constant 0 : i32
      %dma_wait3A_499 = arith.constant 0 : i32
      %dma_wait3A_500 = tpu.memref_slice %arg9[%rem3A_497, %dma_wait3A_498, %dma_wait3A_499] : memref<2x64x128xf32, #tpu.memory_space<vmem>> -> memref<1x64x128xf32, #tpu.memory_space<vmem>>
      %dma_wait3A_501 = tpu.memref_squeeze %dma_wait3A_500 : memref<1x64x128xf32, #tpu.memory_space<vmem>> -> memref<64x128xf32, #tpu.memory_space<vmem>>
      %dma_wait3A_502 = arith.constant 0 : i32
      %dma_wait3A_503 = arith.constant 0 : i32
      %dma_wait3A_504 = tpu.memref_slice %arg4[%dma_wait3A_502, %dma_wait3A_503] : memref<2000x128xf32, #tpu.memory_space<hbm>> -> memref<64x128xf32, #tpu.memory_space<hbm>>
      %dma_wait3A_505 = tpu.memref_slice %arg15[%rem3A_497] : memref<2x!tpu.dma_semaphore, #tpu.memory_space<semaphore_mem>> -> memref<1x!tpu.dma_semaphore, #tpu.memory_space<semaphore_mem>>
      %dma_wait3A_506 = tpu.memref_squeeze %dma_wait3A_505 : memref<1x!tpu.dma_semaphore, #tpu.memory_space<semaphore_mem>> -> memref<!tpu.dma_semaphore, #tpu.memory_space<semaphore_mem>>
      %dma_wait3A_507 = arith.constant 0 : i32
      %dma_wait3A_508 = arith.constant 0 : i32
      %dma_wait3A_509 = tpu.memref_slice %arg9[%rem3A_497, %dma_wait3A_507, %dma_wait3A_508] : memref<2x64x128xf32, #tpu.memory_space<vmem>> -> memref<1x64x128xf32, #tpu.memory_space<vmem>>
      %dma_wait3A_510 = tpu.memref_squeeze %dma_wait3A_509 : memref<1x64x128xf32, #tpu.memory_space<vmem>> -> memref<64x128xf32, #tpu.memory_space<vmem>>
      %dma_wait3A_511 = arith.constant 0 : i32
      %dma_wait3A_512 = arith.constant 0 : i32
      %dma_wait3A_513 = tpu.memref_slice %arg4[%dma_wait3A_511, %dma_wait3A_512] : memref<2000x128xf32, #tpu.memory_space<hbm>> -> memref<64x128xf32, #tpu.memory_space<hbm>>
      tpu.wait_dma2 semaphore(%dma_wait3A_506 : memref<!tpu.dma_semaphore, #tpu.memory_space<semaphore_mem>>) src(%dma_wait3A_513 : memref<64x128xf32, #tpu.memory_space<hbm>>) dst(%dma_wait3A_510 : memref<64x128xf32, #tpu.memory_space<vmem>>)
      %dma_start3A_514 = arith.constant 0 : i32
      %dma_start3A_515 = arith.constant 0 : i32
      %dma_start3A_516 = tpu.memref_slice %arg9[%rem3A_497, %dma_start3A_514, %dma_start3A_515] : memref<2x64x128xf32, #tpu.memory_space<vmem>> -> memref<1x64x128xf32, #tpu.memory_space<vmem>>
      %dma_start3A_517 = tpu.memref_squeeze %dma_start3A_516 : memref<1x64x128xf32, #tpu.memory_space<vmem>> -> memref<64x128xf32, #tpu.memory_space<vmem>>
      %dma_start3A_518 = arith.constant 0 : i32
      %dma_start3A_519 = tpu.memref_slice %arg11[%rem3A_497, %dma_start3A_518] : memref<2x64xi32, #tpu.memory_space<vmem>> -> memref<1x64xi32, #tpu.memory_space<vmem>>
      %dma_start3A_520 = tpu.memref_squeeze %dma_start3A_519 : memref<1x64xi32, #tpu.memory_space<vmem>> -> memref<64xi32, #tpu.memory_space<vmem>>
      %dma_start3A_521 = arith.constant 0 : i32
      %dma_start3A_522 = arith.constant 0 : i32
      %dma_start3A_523 = tpu.memref_slice %arg5[%dma_start3A_521, %dma_start3A_522] : memref<204800x128xf32, #tpu.memory_space<hbm>> -> memref<204800x128xf32, #tpu.memory_space<hbm>>
      %dma_start3A_524 = tpu.memref_slice %arg16[%rem3A_497] : memref<2x!tpu.dma_semaphore, #tpu.memory_space<semaphore_mem>> -> memref<1x!tpu.dma_semaphore, #tpu.memory_space<semaphore_mem>>
      %dma_start3A_525 = tpu.memref_squeeze %dma_start3A_524 : memref<1x!tpu.dma_semaphore, #tpu.memory_space<semaphore_mem>> -> memref<!tpu.dma_semaphore, #tpu.memory_space<semaphore_mem>>
      tpu.enqueue_indirect_dma source(%dma_start3A_517 : memref<64x128xf32, #tpu.memory_space<vmem>>) target(%dma_start3A_523 : memref<204800x128xf32, #tpu.memory_space<hbm>>) offsets(%dma_start3A_520 : memref<64xi32, #tpu.memory_space<vmem>>) semaphore(%dma_start3A_525 : memref<!tpu.dma_semaphore, #tpu.memory_space<semaphore_mem>>)
    } else {
    }
    %ge3A_484 = arith.constant 2 : i32
    %ge3A_485 = arith.cmpi sge, %select_n3A_479, %ge3A_484 : i32
    %convert_element_type3A_486 = arith.extui %ge3A_485 : i1 to i32
    %cond3A_487 = arith.constant 0 : i32
    %cond3A_488 = arith.cmpi ne, %convert_element_type3A_486, %cond3A_487 : i32
    scf.if %cond3A_488 {
      %sub3A_494 = arith.constant 2 : i32
      %sub3A_495 = arith.subi %select_n3A_479, %sub3A_494 : i32
      %rem3A_496 = arith.constant 2 : i32
      %rem3A_497 = arith.remsi %sub3A_495, %rem3A_496 : i32
      %dma_wait3A_498 = arith.constant 0 : i32
      %dma_wait3A_499 = arith.constant 0 : i32
      %dma_wait3A_500 = tpu.memref_slice %arg9[%rem3A_497, %dma_wait3A_498, %dma_wait3A_499] : memref<2x64x128xf32, #tpu.memory_space<vmem>> -> memref<1x64x128xf32, #tpu.memory_space<vmem>>
      %dma_wait3A_501 = tpu.memref_squeeze %dma_wait3A_500 : memref<1x64x128xf32, #tpu.memory_space<vmem>> -> memref<64x128xf32, #tpu.memory_space<vmem>>
      %dma_wait3A_502 = arith.constant 0 : i32
      %dma_wait3A_503 = arith.constant 0 : i32
      %dma_wait3A_504 = tpu.memref_slice %arg5[%dma_wait3A_502, %dma_wait3A_503] : memref<204800x128xf32, #tpu.memory_space<hbm>> -> memref<64x128xf32, #tpu.memory_space<hbm>>
      %dma_wait3A_505 = tpu.memref_slice %arg16[%rem3A_497] : memref<2x!tpu.dma_semaphore, #tpu.memory_space<semaphore_mem>> -> memref<1x!tpu.dma_semaphore, #tpu.memory_space<semaphore_mem>>
      %dma_wait3A_506 = tpu.memref_squeeze %dma_wait3A_505 : memref<1x!tpu.dma_semaphore, #tpu.memory_space<semaphore_mem>> -> memref<!tpu.dma_semaphore, #tpu.memory_space<semaphore_mem>>
      %dma_wait3A_507 = arith.constant 0 : i32
      %dma_wait3A_508 = arith.constant 0 : i32
      %dma_wait3A_509 = tpu.memref_slice %arg5[%dma_wait3A_507, %dma_wait3A_508] : memref<204800x128xf32, #tpu.memory_space<hbm>> -> memref<64x128xf32, #tpu.memory_space<hbm>>
      %dma_wait3A_510 = arith.constant 0 : i32
      %dma_wait3A_511 = arith.constant 0 : i32
      %dma_wait3A_512 = tpu.memref_slice %arg9[%rem3A_497, %dma_wait3A_510, %dma_wait3A_511] : memref<2x64x128xf32, #tpu.memory_space<vmem>> -> memref<1x64x128xf32, #tpu.memory_space<vmem>>
      %dma_wait3A_513 = tpu.memref_squeeze %dma_wait3A_512 : memref<1x64x128xf32, #tpu.memory_space<vmem>> -> memref<64x128xf32, #tpu.memory_space<vmem>>
      tpu.wait_dma2 semaphore(%dma_wait3A_506 : memref<!tpu.dma_semaphore, #tpu.memory_space<semaphore_mem>>) src(%dma_wait3A_513 : memref<64x128xf32, #tpu.memory_space<vmem>>) dst(%dma_wait3A_509 : memref<64x128xf32, #tpu.memory_space<hbm>>)
    } else {
    }
    %ge3A_489 = arith.constant 1 : i32
    %ge3A_490 = arith.cmpi sge, %select_n3A_479, %ge3A_489 : i32
    %convert_element_type3A_491 = arith.extui %ge3A_490 : i1 to i32
    %cond3A_492 = arith.constant 0 : i32
    %cond3A_493 = arith.cmpi ne, %convert_element_type3A_491, %cond3A_492 : i32
    scf.if %cond3A_493 {
      %sub3A_494 = arith.constant 1 : i32
      %sub3A_495 = arith.subi %select_n3A_479, %sub3A_494 : i32
      %rem3A_496 = arith.constant 2 : i32
      %rem3A_497 = arith.remsi %sub3A_495, %rem3A_496 : i32
      %dma_wait3A_498 = arith.constant 0 : i32
      %dma_wait3A_499 = arith.constant 0 : i32
      %dma_wait3A_500 = tpu.memref_slice %arg9[%rem3A_497, %dma_wait3A_498, %dma_wait3A_499] : memref<2x64x128xf32, #tpu.memory_space<vmem>> -> memref<1x64x128xf32, #tpu.memory_space<vmem>>
      %dma_wait3A_501 = tpu.memref_squeeze %dma_wait3A_500 : memref<1x64x128xf32, #tpu.memory_space<vmem>> -> memref<64x128xf32, #tpu.memory_space<vmem>>
      %dma_wait3A_502 = arith.constant 0 : i32
      %dma_wait3A_503 = arith.constant 0 : i32
      %dma_wait3A_504 = tpu.memref_slice %arg5[%dma_wait3A_502, %dma_wait3A_503] : memref<204800x128xf32, #tpu.memory_space<hbm>> -> memref<64x128xf32, #tpu.memory_space<hbm>>
      %dma_wait3A_505 = tpu.memref_slice %arg16[%rem3A_497] : memref<2x!tpu.dma_semaphore, #tpu.memory_space<semaphore_mem>> -> memref<1x!tpu.dma_semaphore, #tpu.memory_space<semaphore_mem>>
      %dma_wait3A_506 = tpu.memref_squeeze %dma_wait3A_505 : memref<1x!tpu.dma_semaphore, #tpu.memory_space<semaphore_mem>> -> memref<!tpu.dma_semaphore, #tpu.memory_space<semaphore_mem>>
      %dma_wait3A_507 = arith.constant 0 : i32
      %dma_wait3A_508 = arith.constant 0 : i32
      %dma_wait3A_509 = tpu.memref_slice %arg5[%dma_wait3A_507, %dma_wait3A_508] : memref<204800x128xf32, #tpu.memory_space<hbm>> -> memref<64x128xf32, #tpu.memory_space<hbm>>
      %dma_wait3A_510 = arith.constant 0 : i32
      %dma_wait3A_511 = arith.constant 0 : i32
      %dma_wait3A_512 = tpu.memref_slice %arg9[%rem3A_497, %dma_wait3A_510, %dma_wait3A_511] : memref<2x64x128xf32, #tpu.memory_space<vmem>> -> memref<1x64x128xf32, #tpu.memory_space<vmem>>
      %dma_wait3A_513 = tpu.memref_squeeze %dma_wait3A_512 : memref<1x64x128xf32, #tpu.memory_space<vmem>> -> memref<64x128xf32, #tpu.memory_space<vmem>>
      tpu.wait_dma2 semaphore(%dma_wait3A_506 : memref<!tpu.dma_semaphore, #tpu.memory_space<semaphore_mem>>) src(%dma_wait3A_513 : memref<64x128xf32, #tpu.memory_space<vmem>>) dst(%dma_wait3A_509 : memref<64x128xf32, #tpu.memory_space<hbm>>)
    } else {
    }
    return
  }
}

</mosaic_0001>

<sc_bundles>
// kernel: kernel.3.cloned.1.call-start
scs
__scs_entry_jumppad:
0x0: {  	(pc) =	sbr.rel $0x88, $3  }
0x1: {  	(tag) =	ssettag $0x0;
	lr =	simm.s32 $0x1  }
0x2: {  	[smem:$0x3F9D] =	sst lr;
	_ =	strace $0xD0000000  }
0x3: {  	_ = 	snop  }
0x4: {  	_ = 	snop  }
0x5: {  	_ = 	snop  }
0x6: {  	_ = 	snop  }
0x7: {  	_ = 	snop  }
__scs_overlays_trampoline_lowered:
0x8: {  	[smem:$0x3FAC] =	sst s0  }
0x9: {  	[smem:$0x3FAD] =	sst s1  }
0xa: {  	[smem:$0x3FAE] =	sst s2  }
0xb: {  	[smem:$0x3FAF] =	sst s3  }
0xc: {  	[smem:$0x3FB0] =	sst s4  }
0xd: {  	[smem:$0x3FB1] =	sst s5  }
0xe: {  	[smem:$0x3FB2] =	sst s6  }
0xf: {  	[smem:$0x3FB3] =	sst s7  }
0x10: {  	[smem:$0x3FB4] =	sst s8  }
0x11: {  	[smem:$0x3FB5] =	sst s9;
	s0 =	simm.s32 @!p0 $0x0  }
0x12: {  	s1 =	sld [smem:$0x3F9B];
	s0 =	simm.s32 @p0 $0x1  }
0x13: {  	[smem:$0x3FB6] =	sst s0;
	s0 =	simm.s32 @!p1 $0x0  }
0x14: {  	s2 =	sld [smem:$0x3F9A];
	s0 =	simm.s32 @p1 $0x1  }
0x15: {  	[smem:$0x3FB7] =	sst s0;
	s0 =	simm.s32 @!p2 $0x0  }
0x16: {  	s3 =	sld [smem:$0x3FDB];
	s0 =	simm.s32 @p2 $0x1  }
0x17: {  	s4 =	simm.s32 $0x1BF5;
	[smem:$0x3FB9] =	sst s0  }
0x18: {  	s0 =	sld [smem:$0x3F9C];
	_ =	swait.ge [sflag:s4], $0x0  }
0x19: {  	s7 =	sld [smem:$0x3F9D]  }
0x1a: {  	s8 =	sadd.s32 $0xFFFFE003, lr  }
0x1b: {  	s9 =	sadd.s32 $0xFFFFFEF7, lr;
	s5 =	simm.s32 $0xFFFFFFFF;
	p2 =	slt.u32 s8, $0xFFFFF086  }
0x1c: {  	p1 =	slt.u32 s9, $0xF7A;
	s5 =	simm.s32 @!p2 $0x0  }
0x1d: {  	s5 =	simm.s32 @p1 $0x1;
	p0 =	seq.s32 s7, s2  }
0x1e: {  	s7 =	smul.u32 @!p0 $0xF7A, s2;
	p2 =	seq.s32 @!p0 s5, $0x0  }
0x1f: {  	s9 =	smul.u32 $0xF7A, s1;
	s8 =	simm.s32 @!p0 $0x1BF5;
	p2 =	por !p2, p0  }
0x20: {  	[sflag:s8] =	ssyncset.s32 @!p0 $0xFFFFF086;
	s6 =	sadd.s32 @!p0 s3, s7;
	s7 =	simm.s32 @!p0 $0x108  }
0x21: {  	s3 =	sadd.s32 s3, s9;
	s6 =	sadd.s32 @!p0 $0x88, s6;
	s7 =	simm.s32 @p2 $0x1082  }
0x22: {  	[simem:s7], [sflag:s8] =	dma.local @!p0 [hbm:s6], $0xF7A  }
0x23: {  	s9 =	sor.u32 $0xD0000000, s2;
	s6 =	simm.s32 $0x108;
	_ =	swait.ge @!p0 [sflag:s8], $0x0  }
0x24: {  	s3 =	sadd.s32 $0x88, s3;
	s6 =	simm.s32 @!p1 $0x1082;
	[sflag:s4] =	ssyncset.s32 $0xFFFFF086  }
0x25: {  	[simem:s6], [sflag:s4] =	dma.local [hbm:s3], $0xF7A  }
0x26: {  	[smem:$0x3F9D] =	sst s1;
	(tag) =	ssettag s2;
	_ =	strace s9  }
0x27: {  	s1 =	sld [smem:$0x3FAD]  }
0x28: {  	s2 =	sld [smem:$0x3FAE]  }
0x29: {  	s4 =	sld [smem:$0x3FB0]  }
0x2a: {  	p0 =	seq.s32 s5, $0x0;
	s5 =	sld [smem:$0x3FB1]  }
0x2b: {  	s6 =	sld [smem:$0x3FB2]  }
0x2c: {  	s7 =	sld [smem:$0x3FB3]  }
0x2d: {  	s3 =	simm.s32 $0x108;
	s8 =	sld [smem:$0x3FB4]  }
0x2e: {  	s3 =	simm.s32 @!p0 $0x1082;
	s9 =	sld [smem:$0x3FB5]  }
0x2f: {  	lr =	sadd.s32 s0, s3;
	s0 =	sld [smem:$0x3FAC]  }
0x30: {  	s3 =	sld [smem:$0x3FAF]  }
0x31: {  	[smem:$0x3FB8] =	sst s10  }
0x32: {  	s10 =	sld [smem:$0x3FB6];
	_ =	sdelay $0x3  }
0x33: {  	p0 =	seq.s32 s10, $0x1;
	s10 =	sld [smem:$0x3FB8];
	_ =	sdelay $0x3  }
0x34: {  	[smem:$0x3FB8] =	sst s10  }
0x35: {  	s10 =	sld [smem:$0x3FB7];
	_ =	sdelay $0x3  }
0x36: {  	p1 =	seq.s32 s10, $0x1;
	s10 =	sld [smem:$0x3FB8];
	_ =	sdelay $0x3  }
0x37: {  	[smem:$0x3FB8] =	sst s10  }
0x38: {  	s10 =	sld [smem:$0x3FB9]  }
0x39: {  	_ = 	snop;
	(pc) =	sbr.ind lr, $3  }
0x3a: {  	_ = 	snop  }
0x3b: {  	_ = 	snop  }
0x3c: {  	p2 =	seq.s32 s10, $0x1;
	s10 =	sld [smem:$0x3FB8]  }
0x3d: {  	_ =	shalt  }
0x3e: {  	_ =	shalt  }
0x3f: {  	_ =	shalt  }
0x40: {  	_ =	shalt  }
0x41: {  	_ =	shalt  }
0x42: {  	_ =	shalt  }
0x43: {  	_ =	shalt  }
0x44: {  	_ =	shalt  }
0x45: {  	_ =	shalt  }
0x46: {  	_ =	shalt  }
0x47: {  	_ =	shalt  }
0x48: {  	_ =	shalt  }
0x49: {  	_ =	shalt  }
0x4a: {  	_ =	shalt  }
0x4b: {  	_ =	shalt  }
0x4c: {  	_ =	shalt  }
0x4d: {  	_ =	shalt  }
0x4e: {  	_ =	shalt  }
0x4f: {  	_ =	shalt  }
0x50: {  	_ =	shalt  }
0x51: {  	_ =	shalt  }
0x52: {  	_ =	shalt  }
0x53: {  	_ =	shalt  }
0x54: {  	_ =	shalt  }
0x55: {  	_ =	shalt  }
0x56: {  	_ =	shalt  }
0x57: {  	_ =	shalt  }
0x58: {  	_ =	shalt  }
0x59: {  	_ =	shalt  }
0x5a: {  	_ =	shalt  }
0x5b: {  	_ =	shalt  }
0x5c: {  	_ =	shalt  }
0x5d: {  	_ =	shalt  }
0x5e: {  	_ =	shalt  }
0x5f: {  	_ =	shalt  }
0x60: {  	_ =	shalt  }
0x61: {  	_ =	shalt  }
0x62: {  	_ =	shalt  }
0x63: {  	_ =	shalt  }
0x64: {  	_ =	shalt  }
0x65: {  	_ =	shalt  }
0x66: {  	_ =	shalt  }
0x67: {  	_ =	shalt  }
0x68: {  	_ =	shalt  }
0x69: {  	_ =	shalt  }
0x6a: {  	_ =	shalt  }
0x6b: {  	_ =	shalt  }
0x6c: {  	_ =	shalt  }
0x6d: {  	_ =	shalt  }
0x6e: {  	_ =	shalt  }
0x6f: {  	_ =	shalt  }
0x70: {  	_ =	shalt  }
0x71: {  	_ =	shalt  }
0x72: {  	_ =	shalt  }
0x73: {  	_ =	shalt  }
0x74: {  	_ =	shalt  }
0x75: {  	_ =	shalt  }
0x76: {  	_ =	shalt  }
0x77: {  	_ =	shalt  }
0x78: {  	_ =	shalt  }
0x79: {  	_ =	shalt  }
0x7a: {  	_ =	shalt  }
0x7b: {  	_ =	shalt  }
0x7c: {  	_ =	shalt  }
0x7d: {  	_ =	shalt  }
0x7e: {  	_ =	shalt  }
0x7f: {  	_ =	shalt  }
0x80: {  	_ =	shalt  }
0x81: {  	_ =	shalt  }
0x82: {  	_ =	shalt  }
0x83: {  	_ =	shalt  }
0x84: {  	_ =	shalt  }
0x85: {  	_ =	shalt  }
0x86: {  	_ =	shalt  }
0x87: {  	_ =	shalt  }
.Lfunc_end0:
.L_simem_size_0:
called_computation.1_lowered:
.L_overlay_start_0:
0x88: {  	s2 =	sld [smem:$0x3FD9]  }
0x89: {  	s3 =	sld [smem:$0x3FFE];
	_ =	sdelay $0x1  }
0x8a: {  	s1 =	srdreg.scid  }
0x8b: {  	s0 =	sand.u32 $0x1, s1  }
0x8c: {  	s14 =	sshll.u32 s0, $0xA;
	s2 =	sadd.s32 s3, s2  }
0x8d: {  	s2 =	sadd.s32 s2, s14  }
0x8e: {  	[smem:$0x3FC4] =	sst s2  }
0x8f: {  	_ = 	snop  }
0x90: {  	s2 =	sld [smem:$0x3FD0];
	_ =	sdelay $0x1  }
0x91: {  	s15 =	sld [smem:$0x3FC7]  }
0x92: {  	s5 =	simm.s32 $0xA;
	s6 =	simm.s32 $0x10;
	s4 =	sld [smem:$0x3FC6]  }
0x93: {  	[smem:s6], [sflag:s5] =	dma.local [hbm:s2], $0x1  }
0x94: {  	_ =	swait.eq [sflag:s5], $0x1  }
0x95: {  	[sflag:s5] =	ssyncset.done $0x0  }
0x96: {  	[sflag:s5] =	ssyncadd.s32 $0xFFFFFFFF  }
0x97: {  	s16 =	sld [smem:$0x10];
	(tm) =	ssettm $0x1  }
0x98: {  	s17 =	sld [smem:$0x3FFB];
	_ =	sdelay $0x3  }
0x99: {  	_ =	strace s17  }
0x9a: {  	s5 =	sld [smem:$0x3FFC];
	_ =	sdelay $0x3  }
0x9b: {  	_ =	strace s5  }
0x9c: {  	s5 =	sld [smem:$0x3FFD];
	_ =	sdelay $0x3  }
0x9d: {  	_ =	strace s5  }
0x9e: {  	_ =	strace $0x8FFFFFFF  }
0x9f: {  	s18 =	sld [smem:$0x3FDB];
	_ =	sdelay $0x1  }
0xa0: {  	s19 =	simm.s32 $_scs_section_size  }
0xa1: {  	s7 =	simm.s32 $_size__tile_overlayer_lowered;
	s8 =	simm.s32 $_tile_overlayer_lowered  }
0xa2: {  	s22 =	simm.s32 $0x1BFF;
	s21 =	sshll.u32 s8, $0x1;
	s5 =	sadd.s32 s19, s18  }
0xa3: {  	s9 =	simm.s32 $0x0;
	s20 =	sshll.u32 s7, $0x1;
	s7 =	sadd.s32 s21, s5  }
0xa4: {  	[timem:s9], [sflag:s22] =	dma.local [hbm:s7], s20  }
0xa5: {  	_ =	swait.ge [sflag:s22], s20  }
0xa6: {  	s6 =	ssub.s32 $0x0, s20;
	[sflag:s22] =	ssyncset.done $0x0  }
0xa7: {  	[sflag:s22] =	ssyncadd.s32 s6;
	_ =	sdelay $0x1  }
0xa8: {  	s23 =	simm.s32 $0x1B8B  }
0xa9: {  	_ =	swait.ge [sflag:s23], $0x1  }
0xaa: {  	[sflag:s23] =	ssyncset.done $0x0  }
0xab: {  	s25 =	simm.s32 $0x1B8E;
	s24 =	sld [smem:$0x3FFE];
	[sflag:s23] =	ssyncadd.s32 $0xFFFFFFFF  }
0xac: {  	s26 =	simm.s32 $execute0_lowered;
	[smem:$0x3FD2] =	sst s25  }
0xad: {  	s7 =	sshll.u32 s26, $0x1;
	_ =	strace $0x80000046;
	[dreg:$0x1] =	wrdreg $0xFFFFFFFF  }
0xae: {  	s28 =	simm.s32 $_size_execute0_lowered;
	s5 =	sadd.s32 s5, s7;
	[dreg:$0x0] =	wrdreg $0x0  }
0xaf: {  	s7 =	sshll.u32 s28, $0x1;
	[dreg:$0x2] =	wrdreg s5  }
0xb0: {  	[dreg:$0x3] =	wrdreg s7  }
0xb1: {  	[dreg:$0x4] =	wrdreg $0xC0  }
0xb2: {  	_ =	task [dreg:s9], $0x5FFFF  }
0xb3: {  	[dreg:$0x1] =	wrdreg $0xFFFFFFFF  }
0xb4: {  	[dreg:$0x0] =	wrdreg $0x60  }
0xb5: {  	[dreg:$0x2] =	wrdreg s24  }
0xb6: {  	[dreg:$0x3] =	wrdreg s15  }
0xb7: {  	[dreg:$0x4] =	wrdreg s4  }
0xb8: {  	[dreg:$0x5] =	wrdreg s16  }
0xb9: {  	[dreg:$0x6] =	wrdreg $0x9  }
0xba: {  	_ =	task.clear_ibuf [dreg:s9], $0x7FFFF;
	_ =	strace $0x90000046  }
0xbb: {  	s29 =	simm.s32 $0x9;
	_ =	strace $0x80000048  }
0xbc: {  	_ =	swait.ge [sflag:s29], $0x1  }
0xbd: {  	[sflag:s29] =	ssyncadd.s32 $0xFFFFFFFF  }
0xbe: {  	_ =	strace $0x90000048  }
0xbf: {  	_ =	sfence  }
0xc0: {  	s30 =	sld [smem:$0x0];
	_ =	sdelay $0x2  }
0xc1: {  	s31 =	sshll.u32 s1, $0xD;
	s1 =	sshrl.u32 s1, $0x2  }
0xc2: {  	s3 =	sand.u32 $0x4000, s31;
	s1 =	sadd.s32 s1, s30  }
0xc3: {  	s0 =	sor.u32 s3, s0;
	s1 =	sshll.u32 s1, $0x11  }
0xc4: {  	s0 =	sor.u32 s1, s0  }
0xc5: {  	s0 =	sadd.s32 $0x8F2B, s0  }
0xc6: {  	[sflag:s0] =	ssyncadd.remote.s32 $0x1  }
0xc7: {  	_ =	sfence.sel $0xFFFF  }
0xc8: {  	[dreg:$0x0] =	wrdreg $0xFFFFFFFF;
	(pc) =	sbr.abs _section_cstart, $3  }
0xc9: {  	[dreg:$0x1] =	wrdreg $0xFFFFFFFF  }
0xca: {  	_ =	task.clear_ibuf [dreg:s9], $0x2FFFF;
	_ =	strace $0x9FFFFFFF  }
0xcb: {  	(tm) =	ssettm $0x7FFFFFFF  }
tec
execute0_lowered:
.L_overlay_start_1:
0x0: {  	(tag) =	ssettag $0x1  }
0x1: {  	s0 =	rddreg [dreg:$0x0]  }
0x2: {  	s1 =	rddreg [dreg:$0x1];
	s9 =	stileid.u32  }
0x3: {  	s2 =	srdreg.scid;
	s15 =	smul.u32 $0x190000, s9  }
0x4: {  	s10 =	rddreg [dreg:$0x3];
	s5 =	simm.s32 $0x0;
	s21 =	smul.u32 $0x32000, s9  }
0x5: {  	s28 =	simm.s32 $0x5;
	s2 =	sand.u32 $0x1, s2;
	s24 =	smul.u32 $0x3200, s9  }
0x6: {  	s29 =	simm.s32 $0x2;
	s30 =	simm.s32 $0x6;
	s18 =	smul.u32 $0xC8000, s2  }
0x7: {  	s3 =	sshll.u32 s9, $0x1;
	[smem:$0x7FF] =	sst s5;
	s22 =	smul.u32 $0x19000, s2  }
0x8: {  	s3 =	sor.u32 s2, s3;
	s6 =	ssub.s32 $0x2, s2;
	s2 =	smul.u32 $0x1900, s2  }
0x9: {  	s31 =	simm.s32 $0x3;
	_ =	strace $0x80000047;
	s4 =	smul.u32 $0x380, s3  }
0xa: {  	s7 =	smul.u32 $0xC8000, s3;
	s3 =	sshll.u32 s3, $0x4;
	s8 =	sshrl.u32 s6, $0x1  }
0xb: {  	s25 =	sadd.s32 s21, s10;
	s21 =	simm.s32 $0x5C00;
	s12 =	ssub.s32 s6, s8  }
0xc: {  	s23 =	sadd.s32 s18, s15;
	s26 =	sadd.s32 s2, s24;
	s4 =	sadd.s32 s4, s0  }
0xd: {  	s0 =	sadd.s32 s3, s0;
	s3 =	smax.u32 s12, $0x1;
	[dreg:$0xe] =	wrdreg s26  }
0xe: {  	s13 =	sshrl.u32 s7, $0x3;
	s4 =	sadd.s32 $0xA00, s4;
	[dreg:$0xd] =	wrdreg s3  }
0xf: {  	s14 =	sadd.s32 s10, s13;
	s0 =	sadd.s32 $0x7A00, s0;
	[dreg:$0x5] =	wrdreg s4  }
0x10: {  	s2 =	simm.s32 $0x7;
	s16 =	sadd.s32 $0x16000, s14;
	[dreg:$0xc] =	wrdreg s0  }
0x11: {  	s12 =	simm.s32 $0xD;
	s17 =	sadd.s32 $0x16800, s14;
	[dreg:$0x6] =	wrdreg s16  }
0x12: {  	s26 =	simm.s32 $0x1;
	s19 =	sadd.s32 $0x17000, s14;
	[dreg:$0x7] =	wrdreg s17  }
0x13: {  	s20 =	sadd.s32 $0x17800, s14;
	s11 =	sadd.s32 $0x18000, s14;
	[dreg:$0x8] =	wrdreg s19  }
.Ltmp0:
0x14: {  	s4 =	sadd.s32 $0x18800, s14;
	[dreg:$0x9] =	wrdreg s20;
	(pc) =	sbr.rel .LBB2_1-.Ltmp0, $4  }
0x15: {  	s0 =	sshrl.u32 s23, $0x3;
	s23 =	simm.s32 $0x9C00;
	[dreg:$0xa] =	wrdreg s11  }
0x16: {  	[dreg:$0xb] =	wrdreg s4;
	s15 =	sadd.s32 s0, s10;
	s16 =	sadd.s32 s22, s25  }
0x17: {  	s19 =	simm.s32 $0x80;
	s20 =	simm.s32 $0x1C00;
	s25 =	simm.s32 $0xDC00  }
0x18: {  	v0 =	vimm.s32 $0x0;
	v1 =	vlaneseq.u32;
	s0 =	simm.s32 $0x4;
	s22 =	simm.s32 $0x8;
	s4 =	simm.s32 $0x0  }
.LBB2_7:
0x19: {  	s3 =	rddreg [dreg:$0xc];
	s4 =	simm.s32 $0x15E00;
	s11 =	sshra.s32 s6, $0x1F  }
0x1a: {  	[hbm4b:s3+s5] =	stream.linear.scatter [tilespmem:s4], [sflag:$0xD], $0x80, $0x38;
	[tilespmem:$0x15E80] =	vst v63  }
0x1b: {  	s3 =	sshrl.u32 s11, $0x1E  }
0x1c: {  	s3 =	sadd.s32 s3, s6  }
0x1d: {  	s12 =	sand.u32 $0xFFFFFFFC, s3  }
0x1e: {  	p0 =	slt.s32 s6, $0x1;
	p1 =	sne.s32 s6, s12  }
0x1f: {  	p0 =	por !p0, !p1  }
0x20: {  	s7 =	simm.s32 $0x1;
	p0 =	por !p0, !p0  }
0x21: {  	s3 =	sshra.s32 s3, $0x2;
	s4 =	ssub.s32 s6, s12;
	s7 =	simm.s32 @!p0 $0x0  }
0x22: {  	p0 =	slt.s32 s4, $0x1;
	s3 =	ssub.s32 s3, s7  }
0x23: {  	p1 =	slt.s32 @!p0 s3, $0x1  }
0x24: {  	s12 =	simm.s32 $0xD;
	p2 =	por p1, p0  }
0x25: {  	_ =	swait.ge [sflag:s12], $0x80;
	s4 =	sxor.u32 @!p2 $0xFFFFFFFF, s3  }
0x26: {  	[sflag:s12] =	ssyncset.done $0x0;
	s4 =	sand.u32 @!p2 $0x1, s4  }
0x27: {  	[sflag:s12] =	ssyncadd.s32 $0xFFFFFF80;
	s7 =	sadd.s32 @!p2 $0x9, s4  }
0x28: {  	s8 =	sshrl.u32 @!p0 s3, $0x1F;
	_ =	swait.ge @!p2 [sflag:s7], $0x2000  }
0x29: {  	s10 =	simm.s32 @!p2 $0x40;
	s9 =	sshll.u32 @!p2 s4, $0xD;
	[sflag:s7] =	ssyncset.done @!p2 $0x0  }
0x2a: {  	s9 =	sor.u32 @!p2 $0x11C00, s9;
	[sflag:s7] =	ssyncadd.s32 @!p2 $0xFFFFE000;
	s7 =	sshll.u32 @!p2 s4, $0x7  }
0x2b: {  	s4 =	sadd.s32 @!p2 $0xB, s4;
	s7 =	sor.u32 @!p2 $0x15D00, s7;
	s11 =	rddreg [dreg:$0x3]  }
0x2c: {  	[hbm4b:s11+s10] =	stream.indirect.scatter @!p2 [tilespmem:s9], [sflag:s4], $0x80, s7, s10, $0xb8;
	[tilespmem:$0x15E80] =	vst v63  }
0x2d: {  	s13 =	sadd.s32 $0x3, s6;
	s4 =	sadd.s32 @!p0 s8, s3;
	p2 =	seq.s32 @!p2 s3, $0x1  }
0x2e: {  	s14 =	sand.u32 $0x3, s13;
	s4 =	sand.u32 @!p0 $0xFFFFFFFE, s4;
	p1 =	por @!p0 p2, p1  }
0x2f: {  	p5 =	slt.s32 s13, $0x1;
	s3 =	ssub.s32 @!p0 s3, s4;
	p1 =	por p1, p0  }
0x30: {  	p6 =	sne.s32 s14, $0x0;
	s6 =	sshra.s32 s13, $0x1F;
	s4 =	sadd.s32 @!p1 $0xB, s3  }
0x31: {  	s7 =	sshll.u32 @!p0 s3, $0xF;
	s8 =	sshll.u32 @!p0 s3, $0x9;
	_ =	swait.ge @!p1 [sflag:s4], $0x2000  }
0x32: {  	s3 =	sadd.s32 @!p0 $0x9, s3;
	s7 =	sshra.s32 @!p0 s7, $0x2;
	[sflag:s4] =	ssyncset.done @!p1 $0x0  }
0x33: {  	[sflag:s4] =	ssyncadd.s32 @!p1 $0xFFFFE000;
	s4 =	sadd.s32 @!p0 $0x11C00, s7;
	s7 =	sshra.s32 @!p0 s8, $0x2  }
0x34: {  	s8 =	simm.s32 @!p0 $0x40;
	s7 =	sadd.s32 @!p0 $0x15C00, s7;
	s9 =	rddreg [dreg:$0x2]  }
0x35: {  	[tilespmem:s4], [sflag:s3] =	stream.indirect.gather @!p0 [hbm4b:s9+s8], $0x80, s7, s8, $0xb8;
	[tilespmem:$0x15E80] =	vst v63  }
0x36: {  	s17 =	sshrl.u32 s6, $0x1E;
	p0 =	por !p5, !p6  }
0x37: {  	s3 =	sadd.s32 s17, s13;
	s4 =	simm.s32 $0x1;
	p0 =	por !p0, !p0  }
0x38: {  	s3 =	sshra.s32 s3, $0x2;
	s4 =	simm.s32 @!p0 $0x0  }
0x39: {  	s3 =	ssub.s32 s3, s4  }
0x3a: {  	p0 =	slt.s32 s3, $0x1  }
0x3b: {  	s4 =	sand.u32 @!p0 $0x1, s3  }
0x3c: {  	s6 =	sxor.u32 @!p0 $0x1, s4  }
0x3d: {  	s7 =	sadd.s32 @!p0 $0x9, s6  }
0x3e: {  	s9 =	simm.s32 @!p0 $0x40;
	p1 =	seq.s32 @!p0 s3, $0x1;
	_ =	swait.ge @!p0 [sflag:s7], $0x2000  }
0x3f: {  	p1 =	por p1, p0;
	s8 =	sshll.u32 @!p0 s6, $0xD;
	[sflag:s7] =	ssyncset.done @!p0 $0x0  }
0x40: {  	s3 =	sadd.s32 @!p1 $0xB, s4;
	[sflag:s7] =	ssyncadd.s32 @!p0 $0xFFFFE000;
	s7 =	sshll.u32 @!p0 s6, $0x7  }
0x41: {  	s8 =	sor.u32 @!p0 $0x11C00, s8;
	s6 =	sadd.s32 @!p0 $0xB, s6;
	s7 =	sor.u32 @!p0 $0x15D00, s7  }
0x42: {  	[hbm4b:s11+s9] =	stream.indirect.scatter @!p0 [tilespmem:s8], [sflag:s6], $0x80, s7, s9, $0xb8;
	[tilespmem:$0x15E80] =	vst v63  }
0x43: {  	_ =	swait.ge @!p1 [sflag:s3], $0x2000  }
0x44: {  	[sflag:s3] =	ssyncset.done @!p1 $0x0  }
0x45: {  	[sflag:s3] =	ssyncadd.s32 @!p1 $0xFFFFE000  }
0x46: {  	_ =	swait.ge @!p0 [sflag:s6], $0x2000  }
0x47: {  	s18 =	rddreg [dreg:$0xf]  }
0x48: {  	s24 =	rddreg [dreg:$0xd];
	s4 =	sadd.s32 $0x1, s18  }
0x49: {  	p1 =	sne.s32 s4, s24  }
.Ltmp1:
0x4a: {  	_ = 	snop;
	(pc) =	sbr.rel @!p1 .LBB2_8-.Ltmp1, $3  }
0x4b: {  	_ =	sdelay $0x1  }
0x4c: {  	[sflag:s6] =	ssyncset.done @!p0 $0x0  }
0x4d: {  	[sflag:s6] =	ssyncadd.s32 @!p0 $0xFFFFE000  }
.LBB2_1:
0x4e: {  	[dreg:$0xf] =	wrdreg s4  }
0x4f: {  	s3 =	rddreg [dreg:$0x5]  }
0x50: {  	[tilespmem:s5], [sflag:$0xD] =	stream.linear.gather [hbm4b:s3+s5], $0x1900, $0x38;
	[tilespmem:$0x15E80] =	vst v63  }
0x51: {  	_ =	swait.ge [sflag:s12], $0x1900  }
0x52: {  	[sflag:s12] =	ssyncset.done $0x0  }
0x53: {  	[sflag:s12] =	ssyncadd.s32 $0xFFFFE700  }
0x54: {  	[tilespmem:$0x15E00] =	vst v0  }
0x55: {  	[tilespmem:s20], [sflag:$0x1] =	stream.indirect.gather [hbm4b:s1+s19], $0x80, s5, s19, $0xb8;
	[tilespmem:$0x15E80] =	vst v63  }
0x56: {  	_ = 	snop  }
0x57: {  	[tilespmem:s21], [sflag:$0x2] =	stream.indirect.gather [hbm4b:s1+s19], $0x80, s19, s19, $0xb8;
	[tilespmem:$0x15E80] =	vst v63  }
0x58: {  	s9 =	simm.s32 $0x100  }
0x59: {  	[tilespmem:s23], [sflag:$0x3] =	stream.indirect.gather [hbm4b:s1+s19], $0x80, s9, s19, $0xb8;
	[tilespmem:$0x15E80] =	vst v63  }
0x5a: {  	s10 =	simm.s32 $0x180  }
0x5b: {  	[tilespmem:s25], [sflag:$0x4] =	stream.indirect.gather [hbm4b:s1+s19], $0x80, s10, s19, $0xb8;
	[tilespmem:$0x15E80] =	vst v63  }
0x5c: {  	_ =	swait.ge [sflag:s26], $0x4000  }
0x5d: {  	[sflag:s26] =	ssyncset.done $0x0  }
0x5e: {  	s11 =	sadd.s32 $0x0, s15;
	[sflag:s26] =	ssyncadd.s32 $0xFFFFC000  }
0x5f: {  	[hbm4b:s11+s5] =	stream.linear.scatter [tilespmem:s20], [sflag:$0x5], $0x4000, $0x38;
	[tilespmem:$0x15E80] =	vst v63  }
0x60: {  	_ =	swait.ge [sflag:s28], $0x4000  }
0x61: {  	[sflag:s28] =	ssyncset.done $0x0  }
0x62: {  	s12 =	simm.s32 $0x200;
	[sflag:s28] =	ssyncadd.s32 $0xFFFFC000  }
0x63: {  	[tilespmem:s20], [sflag:$0x1] =	stream.indirect.gather [hbm4b:s1+s19], $0x80, s12, s19, $0xb8;
	[tilespmem:$0x15E80] =	vst v63  }
0x64: {  	_ =	swait.ge [sflag:s29], $0x4000  }
0x65: {  	s13 =	sadd.s32 $0x0, s16;
	[sflag:s29] =	ssyncset.done $0x0  }
0x66: {  	s14 =	sadd.s32 $0x800, s13;
	[sflag:s29] =	ssyncadd.s32 $0xFFFFC000  }
0x67: {  	[hbm4b:s14+s5] =	stream.linear.scatter [tilespmem:s21], [sflag:$0x6], $0x4000, $0x38;
	[tilespmem:$0x15E80] =	vst v63  }
0x68: {  	_ =	swait.ge [sflag:s30], $0x4000  }
0x69: {  	[sflag:s30] =	ssyncset.done $0x0  }
0x6a: {  	s17 =	simm.s32 $0x280;
	[sflag:s30] =	ssyncadd.s32 $0xFFFFC000  }
0x6b: {  	[tilespmem:s21], [sflag:$0x2] =	stream.indirect.gather [hbm4b:s1+s19], $0x80, s17, s19, $0xb8;
	[tilespmem:$0x15E80] =	vst v63  }
0x6c: {  	_ =	swait.ge [sflag:s31], $0x4000  }
0x6d: {  	[sflag:s31] =	ssyncset.done $0x0  }
0x6e: {  	s18 =	sadd.s32 $0x1000, s13;
	[sflag:s31] =	ssyncadd.s32 $0xFFFFC000  }
0x6f: {  	[hbm4b:s18+s5] =	stream.linear.scatter [tilespmem:s23], [sflag:$0x7], $0x4000, $0x38;
	[tilespmem:$0x15E80] =	vst v63  }
0x70: {  	_ =	swait.ge [sflag:s2], $0x4000  }
0x71: {  	[sflag:s2] =	ssyncset.done $0x0  }
0x72: {  	s24 =	simm.s32 $0x300;
	[sflag:s2] =	ssyncadd.s32 $0xFFFFC000  }
0x73: {  	[tilespmem:s23], [sflag:$0x3] =	stream.indirect.gather [hbm4b:s1+s19], $0x80, s24, s19, $0xb8;
	[tilespmem:$0x15E80] =	vst v63  }
0x74: {  	_ =	swait.ge [sflag:s0], $0x4000  }
0x75: {  	[sflag:s0] =	ssyncset.done $0x0  }
0x76: {  	s3 =	sadd.s32 $0x1800, s13;
	[sflag:s0] =	ssyncadd.s32 $0xFFFFC000  }
0x77: {  	[hbm4b:s3+s5] =	stream.linear.scatter [tilespmem:s25], [sflag:$0x8], $0x4000, $0x38;
	[tilespmem:$0x15E80] =	vst v63  }
0x78: {  	_ =	swait.ge [sflag:s22], $0x4000  }
0x79: {  	s6 =	simm.s32 $0x380;
	[sflag:s22] =	ssyncset.done $0x0  }
0x7a: {  	s7 =	simm.s32 $0x2000;
	s8 =	simm.s32 $0x580;
	[sflag:s22] =	ssyncadd.s32 $0xFFFFC000  }
.LBB2_2:
0x7b: {  	[tilespmem:s25], [sflag:$0x4] =	stream.indirect.gather [hbm4b:s1+s19], $0x80, s6, s19, $0xb8;
	[tilespmem:$0x15E80] =	vst v63  }
0x7c: {  	s3 =	smov.u32 s7;
	s6 =	smov.u32 s8  }
0x7d: {  	p0 =	sne.s32 s7, $0x14000;
	s7 =	sadd.s32 $0x2000, s7;
	_ =	swait.ge [sflag:s26], $0x4000  }
0x7e: {  	[sflag:s26] =	ssyncset.done $0x0  }
0x7f: {  	s4 =	sadd.s32 s3, s15;
	[sflag:s26] =	ssyncadd.s32 $0xFFFFC000  }
0x80: {  	[hbm4b:s4+s5] =	stream.linear.scatter [tilespmem:s20], [sflag:$0x5], $0x4000, $0x38;
	[tilespmem:$0x15E80] =	vst v63  }
0x81: {  	_ =	swait.ge [sflag:s28], $0x4000  }
0x82: {  	[sflag:s28] =	ssyncset.done $0x0  }
0x83: {  	s4 =	sadd.s32 $0xFFFFFE80, s8;
	[sflag:s28] =	ssyncadd.s32 $0xFFFFC000  }
0x84: {  	[tilespmem:s20], [sflag:$0x1] =	stream.indirect.gather [hbm4b:s1+s19], $0x80, s4, s19, $0xb8;
	[tilespmem:$0x15E80] =	vst v63  }
0x85: {  	_ =	swait.ge [sflag:s29], $0x4000  }
0x86: {  	s3 =	sadd.s32 s3, s16;
	[sflag:s29] =	ssyncset.done $0x0  }
0x87: {  	s4 =	sadd.s32 $0x800, s3;
	[sflag:s29] =	ssyncadd.s32 $0xFFFFC000  }
0x88: {  	[hbm4b:s4+s5] =	stream.linear.scatter [tilespmem:s21], [sflag:$0x6], $0x4000, $0x38;
	[tilespmem:$0x15E80] =	vst v63  }
0x89: {  	_ =	swait.ge [sflag:s30], $0x4000  }
0x8a: {  	[sflag:s30] =	ssyncset.done $0x0  }
0x8b: {  	s4 =	sadd.s32 $0xFFFFFF00, s8;
	[sflag:s30] =	ssyncadd.s32 $0xFFFFC000  }
0x8c: {  	[tilespmem:s21], [sflag:$0x2] =	stream.indirect.gather [hbm4b:s1+s19], $0x80, s4, s19, $0xb8;
	[tilespmem:$0x15E80] =	vst v63  }
0x8d: {  	_ =	swait.ge [sflag:s31], $0x4000  }
0x8e: {  	[sflag:s31] =	ssyncset.done $0x0  }
0x8f: {  	s4 =	sadd.s32 $0x1000, s3;
	[sflag:s31] =	ssyncadd.s32 $0xFFFFC000  }
0x90: {  	[hbm4b:s4+s5] =	stream.linear.scatter [tilespmem:s23], [sflag:$0x7], $0x4000, $0x38;
	[tilespmem:$0x15E80] =	vst v63  }
0x91: {  	_ =	swait.ge [sflag:s2], $0x4000  }
0x92: {  	[sflag:s2] =	ssyncset.done $0x0  }
0x93: {  	s4 =	sadd.s32 $0xFFFFFF80, s8;
	[sflag:s2] =	ssyncadd.s32 $0xFFFFC000  }
0x94: {  	[tilespmem:s23], [sflag:$0x3] =	stream.indirect.gather [hbm4b:s1+s19], $0x80, s4, s19, $0xb8;
	[tilespmem:$0x15E80] =	vst v63  }
0x95: {  	_ =	swait.ge [sflag:s0], $0x4000  }
0x96: {  	[sflag:s0] =	ssyncset.done $0x0  }
.Ltmp2:
0x97: {  	s3 =	sadd.s32 $0x1800, s3;
	[sflag:s0] =	ssyncadd.s32 $0xFFFFC000;
	(pc) =	sbr.rel @p0 .LBB2_2-.Ltmp2, $4  }
0x98: {  	[hbm4b:s3+s5] =	stream.linear.scatter [tilespmem:s25], [sflag:$0x8], $0x4000, $0x38;
	[tilespmem:$0x15E80] =	vst v63  }
0x99: {  	_ =	swait.ge [sflag:s22], $0x4000  }
0x9a: {  	[sflag:s22] =	ssyncset.done $0x0  }
0x9b: {  	s8 =	sadd.s32 $0x200, s8;
	[sflag:s22] =	ssyncadd.s32 $0xFFFFC000  }
0x9c: {  	[tilespmem:s25], [sflag:$0x4] =	stream.indirect.gather [hbm4b:s1+s19], $0x80, s6, s19, $0xb8;
	[tilespmem:$0x15E80] =	vst v63  }
0x9d: {  	_ =	swait.ge [sflag:s26], $0x4000  }
0x9e: {  	[sflag:s26] =	ssyncset.done $0x0  }
0x9f: {  	s4 =	simm.s32 $0x0;
	s3 =	rddreg [dreg:$0x6];
	[sflag:s26] =	ssyncadd.s32 $0xFFFFC000  }
0xa0: {  	[hbm4b:s3+s4] =	stream.linear.scatter [tilespmem:s20], [sflag:$0x5], $0x4000, $0x38;
	[tilespmem:$0x15E80] =	vst v63  }
0xa1: {  	_ =	swait.ge [sflag:s28], $0x4000  }
0xa2: {  	[sflag:s28] =	ssyncset.done $0x0  }
0xa3: {  	[sflag:s28] =	ssyncadd.s32 $0xFFFFC000  }
0xa4: {  	_ =	swait.ge [sflag:s29], $0x4000  }
0xa5: {  	[sflag:s29] =	ssyncset.done $0x0  }
0xa6: {  	s11 =	rddreg [dreg:$0x7];
	[sflag:s29] =	ssyncadd.s32 $0xFFFFC000  }
0xa7: {  	[hbm4b:s11+s4] =	stream.linear.scatter [tilespmem:s21], [sflag:$0x6], $0x4000, $0x38;
	[tilespmem:$0x15E80] =	vst v63  }
0xa8: {  	_ =	swait.ge [sflag:s30], $0x4000  }
0xa9: {  	[sflag:s30] =	ssyncset.done $0x0  }
0xaa: {  	[sflag:s30] =	ssyncadd.s32 $0xFFFFC000  }
0xab: {  	_ =	swait.ge [sflag:s31], $0x4000  }
0xac: {  	[sflag:s31] =	ssyncset.done $0x0  }
0xad: {  	s12 =	rddreg [dreg:$0x8];
	[sflag:s31] =	ssyncadd.s32 $0xFFFFC000  }
0xae: {  	[hbm4b:s12+s4] =	stream.linear.scatter [tilespmem:s23], [sflag:$0x7], $0x4000, $0x38;
	[tilespmem:$0x15E80] =	vst v63  }
0xaf: {  	_ =	swait.ge [sflag:s2], $0x4000  }
0xb0: {  	[sflag:s2] =	ssyncset.done $0x0  }
0xb1: {  	[sflag:s2] =	ssyncadd.s32 $0xFFFFC000  }
0xb2: {  	_ =	swait.ge [sflag:s0], $0x4000  }
0xb3: {  	[sflag:s0] =	ssyncset.done $0x0  }
0xb4: {  	s13 =	rddreg [dreg:$0x9];
	[sflag:s0] =	ssyncadd.s32 $0xFFFFC000  }
0xb5: {  	[hbm4b:s13+s4] =	stream.linear.scatter [tilespmem:s25], [sflag:$0x8], $0x4000, $0x38;
	[tilespmem:$0x15E80] =	vst v63  }
0xb6: {  	_ =	swait.ge [sflag:s22], $0x4000  }
0xb7: {  	[sflag:s22] =	ssyncset.done $0x0  }
0xb8: {  	s14 =	simm.s32 $0x1800;
	[sflag:s22] =	ssyncadd.s32 $0xFFFFC000  }
0xb9: {  	[tilespmem:s20], [sflag:$0x1] =	stream.indirect.gather [hbm4b:s1+s19], $0x80, s14, s19, $0xb8;
	[tilespmem:$0x15E80] =	vst v63  }
0xba: {  	s17 =	simm.s32 $0x1880  }
0xbb: {  	[tilespmem:s21], [sflag:$0x2] =	stream.indirect.gather [hbm4b:s1+s19], $0x80, s17, s19, $0xb8;
	[tilespmem:$0x15E80] =	vst v63  }
0xbc: {  	_ =	swait.ge [sflag:s26], $0x4000  }
0xbd: {  	[sflag:s26] =	ssyncset.done $0x0  }
0xbe: {  	s18 =	rddreg [dreg:$0xa];
	[sflag:s26] =	ssyncadd.s32 $0xFFFFC000  }
0xbf: {  	[hbm4b:s18+s4] =	stream.linear.scatter [tilespmem:s20], [sflag:$0x5], $0x4000, $0x38;
	[tilespmem:$0x15E80] =	vst v63  }
0xc0: {  	_ =	swait.ge [sflag:s29], $0x4000  }
0xc1: {  	[sflag:s29] =	ssyncset.done $0x0  }
0xc2: {  	s24 =	rddreg [dreg:$0xb];
	[sflag:s29] =	ssyncadd.s32 $0xFFFFC000  }
0xc3: {  	[hbm4b:s24+s4] =	stream.linear.scatter [tilespmem:s21], [sflag:$0x6], $0x4000, $0x38;
	[tilespmem:$0x15E80] =	vst v63  }
0xc4: {  	_ =	swait.ge [sflag:s28], $0x4000  }
.Ltmp3:
0xc5: {  	[sflag:s28] =	ssyncset.done $0x0;
	(pc) =	sbr.rel .LBB2_4-.Ltmp3, $4  }
0xc6: {  	[sflag:s28] =	ssyncadd.s32 $0xFFFFC000  }
0xc7: {  	_ =	swait.ge [sflag:s30], $0x4000  }
0xc8: {  	[sflag:s30] =	ssyncset.done $0x0  }
0xc9: {  	s8 =	simm.s32 $0x0;
	s6 =	simm.s32 $0x0;
	[sflag:s30] =	ssyncadd.s32 $0xFFFFC000  }
.LBB2_6:
0xca: {  	s8 =	sadd.s32 $0x40, s8  }
0xcb: {  	p0 =	sne.s32 s8, $0x6400  }
.Ltmp4:
0xcc: {  	_ = 	snop;
	(pc) =	sbr.rel @!p0 .LBB2_7-.Ltmp4, $4  }
0xcd: {  	_ = 	snop  }
0xce: {  	s3 =	sxor.u32 $0xFFFFFFFF, s9  }
0xcf: {  	s4 =	rddreg [dreg:$0x10];
	s3 =	sshrl.u32 s3, $0x1F  }
0xd0: {  	s4 =	sadd.s32 $0x10, s4;
	s6 =	sadd.s32 s3, s6  }
.LBB2_4:
0xd1: {  	s3 =	sand.u32 $0x7E00, s8  }
0xd2: {  	s12 =	sand.u32 $0x70, s4;
	s3 =	sshrl.u32 s3, $0x2  }
0xd3: {  	s3 =	sor.u32 s12, s3  }
0xd4: {  	v2 =	vld [tilespmem:s3+$0x0];
	_ =	sdelay $0x4  }
0xd5: {  	(v2sf) =	vpush v2, $0x0  }
0xd6: {  	(v2sf) =	vpush v2, $0x1;
	_ =	sdelay $0x4  }
0xd7: {  	(v2sf) =	vpush v2, $0x2;
	_ =	sdelay $0x3  }
0xd8: {  	(v2sf) =	vpush v2, $0x3;
	_ =	sdelay $0x2  }
0xd9: {  	(v2sf) =	vpush v2, $0x4;
	_ =	sdelay $0x1  }
0xda: {  	s10 =	spop (v2sf)  }
0xdb: {  	s11 =	spop (v2sf)  }
0xdc: {  	p1 =	sgt.s32 s11, $0x17ECF  }
0xdd: {  	(v2sf) =	vpush v2, $0x5;
	p0 =	slt.s32 s10, $0x17ED0;
	s3 =	simm.s32 @!p1 $0x0  }
0xde: {  	s3 =	simm.s32 @p1 $0x1;
	p1 =	por !p1, !p0  }
0xdf: {  	p1 =	por !p1, !p1  }
0xe0: {  	s9 =	simm.s32 $0xFFFFFFFF;
	s13 =	spop (v2sf);
	p2 =	por !p1, !p1  }
0xe1: {  	(v2sf) =	vpush v2, $0x6;
	s9 =	simm.s32 @!p0 $0x0;
	p3 =	sgt.s32 s13, $0x17ECF;
	p2 =	por @!p0 p1, p1  }
0xe2: {  	[smem:$0x7F4] =	sst s3;
	s3 =	simm.s32 @!p0 $0x0;
	p2 =	por !p3, !p2  }
0xe3: {  	s3 =	simm.s32 @p0 $0x1;
	s9 =	simm.s32 @p1 $0x1;
	p0 =	por !p2, !p2  }
0xe4: {  	s14 =	spop (v2sf);
	s9 =	simm.s32 @p0 $0x2  }
0xe5: {  	p4 =	sgt.s32 s14, $0x17ECF;
	p5 =	slt.s32 s9, $0x0  }
0xe6: {  	[smem:$0x7F5] =	sst s3;
	s3 =	simm.s32 @!p0 $0x0;
	p1 =	por !p4, !p5  }
0xe7: {  	(v2sf) =	vpush v2, $0x7;
	s17 =	spop (v2sf);
	s3 =	simm.s32 @p0 $0x1;
	p0 =	por !p1, !p1  }
0xe8: {  	[smem:$0x7F6] =	sst s3;
	s3 =	simm.s32 @!p0 $0x0;
	s9 =	simm.s32 @p0 $0x3  }
0xe9: {  	p6 =	sgt.s32 s17, $0x17ECF;
	s3 =	simm.s32 @p0 $0x1;
	p0 =	slt.s32 s9, $0x0  }
0xea: {  	p1 =	por !p6, !p0  }
0xeb: {  	p0 =	por !p1, !p1  }
0xec: {  	s18 =	spop (v2sf);
	s9 =	simm.s32 @p0 $0x4  }
0xed: {  	(v2sf) =	vpush v2, $0x8;
	p2 =	sgt.s32 s18, $0x17ECF;
	p3 =	slt.s32 s9, $0x0  }
0xee: {  	[smem:$0x7F7] =	sst s3;
	s3 =	simm.s32 @!p0 $0x0;
	p1 =	por !p2, !p3  }
0xef: {  	s3 =	simm.s32 @p0 $0x1;
	p0 =	por !p1, !p1  }
0xf0: {  	s24 =	spop (v2sf);
	s9 =	simm.s32 @p0 $0x5  }
0xf1: {  	(v2sf) =	vpush v2, $0x9;
	p4 =	sgt.s32 s24, $0x17ECF;
	p5 =	slt.s32 s9, $0x0  }
0xf2: {  	[smem:$0x7F8] =	sst s3;
	s3 =	simm.s32 @!p0 $0x0;
	p1 =	por !p4, !p5  }
0xf3: {  	s3 =	simm.s32 @p0 $0x1;
	p0 =	por !p1, !p1  }
0xf4: {  	(v2sf) =	vpush v2, $0xA;
	[smem:$0x7F9] =	sst s3;
	s3 =	simm.s32 @!p0 $0x0  }
0xf5: {  	s3 =	simm.s32 @p0 $0x1  }
0xf6: {  	s9 =	simm.s32 @p0 $0x6;
	[smem:$0x7FA] =	sst s3;
	s3 =	spop (v2sf)  }
0xf7: {  	p0 =	slt.s32 s9, $0x0;
	p6 =	sgt.s32 s3, $0x17ECF  }
0xf8: {  	p1 =	por !p6, !p0  }
0xf9: {  	(v2sf) =	vpush v2, $0xB;
	p0 =	por !p1, !p1  }
0xfa: {  	[dreg:$0x10] =	wrdreg s4;
	s4 =	simm.s32 @!p0 $0x0  }
0xfb: {  	s4 =	simm.s32 @p0 $0x1  }
0xfc: {  	s9 =	simm.s32 @p0 $0x7;
	[smem:$0x7FB] =	sst s4;
	s4 =	spop (v2sf)  }
0xfd: {  	p3 =	slt.s32 s9, $0x0;
	(v2sf) =	vpush v2, $0xC;
	p2 =	sgt.s32 s4, $0x17ECF  }
0xfe: {  	p1 =	por !p2, !p3  }
0xff: {  	p0 =	por !p1, !p1  }
0x100: {  	[dreg:$0x13] =	wrdreg s17;
	s17 =	spop (v2sf);
	s9 =	simm.s32 @p0 $0x8  }
0x101: {  	(v2sf) =	vpush v2, $0xD;
	p4 =	sgt.s32 s17, $0x17ECF;
	p5 =	slt.s32 s9, $0x0  }
0x102: {  	s7 =	simm.s32 @!p0 $0x0;
	p1 =	por !p4, !p5  }
0x103: {  	s12 =	spop (v2sf);
	s7 =	simm.s32 @p0 $0x1;
	p0 =	por !p1, !p1  }
0x104: {  	[smem:$0x7FC] =	sst s7;
	s7 =	simm.s32 @!p0 $0x0;
	s9 =	simm.s32 @p0 $0x9  }
0x105: {  	(v2sf) =	vpush v2, $0xE;
	p6 =	sgt.s32 s12, $0x17ECF;
	s7 =	simm.s32 @p0 $0x1;
	p0 =	slt.s32 s9, $0x0  }
0x106: {  	p1 =	por !p6, !p0  }
0x107: {  	p4 =	por !p1, !p1  }
0x108: {  	[dreg:$0x11] =	wrdreg s13;
	s13 =	spop (v2sf);
	s9 =	simm.s32 @p4 $0xA  }
0x109: {  	(v2sf) =	vpush v2, $0xF;
	p3 =	sgt.s32 s13, $0x17ECF;
	p5 =	slt.s32 s9, $0x0  }
0x10a: {  	p1 =	por !p3, !p5  }
0x10b: {  	p5 =	por !p1, !p1  }
0x10c: {  	[dreg:$0x12] =	wrdreg s14;
	s14 =	spop (v2sf);
	s9 =	simm.s32 @p5 $0xB  }
0x10d: {  	p6 =	sgt.s32 s14, $0x17ECF;
	p0 =	slt.s32 s9, $0x0  }
0x10e: {  	p1 =	por !p6, !p0  }
0x10f: {  	p6 =	por !p1, !p1  }
0x110: {  	[dreg:$0x14] =	wrdreg s18;
	s18 =	spop (v2sf);
	s9 =	simm.s32 @p6 $0xC  }
0x111: {  	p3 =	sgt.s32 s18, $0x17ECF;
	p0 =	slt.s32 s9, $0x0  }
0x112: {  	p1 =	por !p3, !p0  }
0x113: {  	p1 =	por !p1, !p1  }
0x114: {  	[dreg:$0x15] =	wrdreg s24;
	s24 =	spop (v2sf);
	s9 =	simm.s32 @p1 $0xD  }
0x115: {  	p3 =	sgt.s32 s24, $0x17ECF;
	p0 =	slt.s32 s9, $0x0  }
0x116: {  	p2 =	por !p3, !p0  }
0x117: {  	p2 =	por !p2, !p2  }
0x118: {  	[smem:$0x7FD] =	sst s7;
	s7 =	spop (v2sf);
	s9 =	simm.s32 @p2 $0xE  }
0x119: {  	p3 =	sgt.s32 s7, $0x17ECF;
	p0 =	slt.s32 s9, $0x0  }
0x11a: {  	p0 =	por !p3, !p0  }
0x11b: {  	v3 =	vld [tilespmem:$0x15E00];
	p3 =	por !p0, !p0  }
0x11c: {  	s9 =	simm.s32 @p3 $0xF  }
0x11d: {  	p0 =	slt.s32 s9, $0x0  }
.Ltmp5:
0x11e: {  	_ = 	snop;
	(pc) =	sbr.rel @p0 .LBB2_6-.Ltmp5, $4  }
0x11f: {  	_ = 	snop  }
0x120: {  	vm0 =	vgt.s32 v3, v2  }
0x121: {  	v3 =	vsel vm0, v3, v2  }
0x122: {  	[tilespmem:$0x15E00] =	vst v3  }
0x123: {  	[smem:$0x7F3] =	sst s0  }
0x124: {  	s0 =	sld [smem:$0x7F4];
	_ =	sdelay $0x2  }
0x125: {  	p0 =	seq.s32 s0, $0x1;
	s0 =	sld [smem:$0x7F3];
	_ =	sdelay $0x2  }
0x126: {  	[smem:$0x7F3] =	sst s0  }
0x127: {  	s0 =	sld [smem:$0x7F5];
	_ =	sdelay $0x2  }
0x128: {  	s11 =	simm.s32 @!p0 $0x0;
	p0 =	seq.s32 s0, $0x1;
	s0 =	sld [smem:$0x7F3]  }
0x129: {  	_ = 	snop  }
0x12a: {  	s10 =	smov.u32 @p0 s11;
	s11 =	rddreg [dreg:$0x11]  }
0x12b: {  	[smem:$0x7F3] =	sst s0  }
0x12c: {  	s0 =	sld [smem:$0x7F6];
	_ =	sdelay $0x2  }
0x12d: {  	p0 =	seq.s32 s0, $0x1;
	s0 =	sld [smem:$0x7F3];
	_ =	sdelay $0x1  }
0x12e: {  	s10 =	smov.u32 @p0 s11;
	s11 =	rddreg [dreg:$0x12]  }
0x12f: {  	[smem:$0x7F3] =	sst s0  }
0x130: {  	s0 =	sld [smem:$0x7F7];
	_ =	sdelay $0x2  }
0x131: {  	p0 =	seq.s32 s0, $0x1;
	s0 =	sld [smem:$0x7F3];
	_ =	sdelay $0x1  }
0x132: {  	s10 =	smov.u32 @p0 s11;
	s11 =	rddreg [dreg:$0x13]  }
0x133: {  	[smem:$0x7F3] =	sst s0  }
0x134: {  	s0 =	sld [smem:$0x7F8];
	_ =	sdelay $0x2  }
0x135: {  	p0 =	seq.s32 s0, $0x1;
	s0 =	sld [smem:$0x7F3];
	_ =	sdelay $0x1  }
0x136: {  	s10 =	smov.u32 @p0 s11;
	s11 =	rddreg [dreg:$0x14]  }
0x137: {  	[smem:$0x7F3] =	sst s0  }
0x138: {  	s0 =	sld [smem:$0x7F9];
	_ =	sdelay $0x2  }
0x139: {  	p0 =	seq.s32 s0, $0x1;
	s0 =	sld [smem:$0x7F3];
	_ =	sdelay $0x1  }
0x13a: {  	s10 =	smov.u32 @p0 s11;
	s11 =	rddreg [dreg:$0x15]  }
0x13b: {  	[smem:$0x7F3] =	sst s0  }
0x13c: {  	s0 =	sld [smem:$0x7FA];
	_ =	sdelay $0x2  }
0x13d: {  	p0 =	seq.s32 s0, $0x1;
	s0 =	sld [smem:$0x7F3]  }
0x13e: {  	s10 =	smov.u32 @p0 s11;
	s11 =	sld [smem:$0x7FB];
	_ =	sdelay $0x2  }
0x13f: {  	p0 =	seq.s32 s11, $0x1;
	s11 =	sld [smem:$0x7FC];
	_ =	sdelay $0x2  }
0x140: {  	s10 =	smov.u32 @p0 s3;
	p0 =	seq.s32 s11, $0x1;
	s11 =	sld [smem:$0x7FD]  }
0x141: {  	_ =	sdelay $0x1  }
0x142: {  	s10 =	smov.u32 @p0 s4;
	p0 =	seq.s32 s11, $0x1  }
0x143: {  	s10 =	smov.u32 @p0 s17  }
0x144: {  	s10 =	smov.u32 @p4 s12;
	s12 =	rddreg [dreg:$0xe]  }
0x145: {  	s10 =	smov.u32 @p5 s13;
	s13 =	rddreg [dreg:$0x10]  }
0x146: {  	s3 =	sadd.s32 s13, s12  }
0x147: {  	vm0 =	vgt.s32 v2, $0x17ECF;
	v3 =	vor.u32 s3, v1;
	s3 =	sadd.s32 s9, s3  }
0x148: {  	p0 =	sne.s32 s6, $0x0;
	v3 =	vnsel vm0, s3, v3  }
0x149: {  	s10 =	smov.u32 @p6 s14;
	s14 =	sshra.s32 s6, $0x1F;
	[tilespmem:$0x15D00] =	vst @!p0 v3  }
0x14a: {  	s3 =	sshrl.u32 s14, $0x1E;
	[tilespmem:$0x15D10] =	vst @!p0 v3  }
0x14b: {  	s3 =	sadd.s32 s3, s6;
	[tilespmem:$0x15D20] =	vst @!p0 v3  }
0x14c: {  	s10 =	smov.u32 @p1 s18;
	[tilespmem:$0x15D30] =	vst @!p0 v3;
	s17 =	sand.u32 $0xFFFFFFFC, s3  }
0x14d: {  	p5 =	slt.s32 s6, $0x1;
	s10 =	smov.u32 @p2 s24;
	[tilespmem:$0x15D80] =	vst @!p0 v3;
	p6 =	sne.s32 s6, s17  }
0x14e: {  	s10 =	smov.u32 @p3 s7;
	[tilespmem:$0x15D90] =	vst @!p0 v3;
	p1 =	por !p5, !p6  }
0x14f: {  	s7 =	simm.s32 $0x1;
	[tilespmem:$0x15DA0] =	vst @!p0 v3;
	v2 =	vnsel vm0, s10, v2;
	p1 =	por !p1, !p1  }
0x150: {  	[tilespmem:$0x15DB0] =	vst @!p0 v3;
	s3 =	sshra.s32 s3, $0x2;
	v2 =	vadd.s32 $0xFFFE8130, v2;
	s7 =	simm.s32 @!p1 $0x0  }
0x151: {  	[tilespmem:$0x15C00] =	vst @!p0 v2;
	s3 =	ssub.s32 s3, s7  }
0x152: {  	[tilespmem:$0x15C10] =	vst @!p0 v2;
	s7 =	sshrl.u32 s3, $0x1F  }
0x153: {  	[tilespmem:$0x15C20] =	vst @!p0 v2;
	s7 =	sadd.s32 s7, s3  }
0x154: {  	s4 =	ssub.s32 s6, s17;
	[tilespmem:$0x15C30] =	vst @!p0 v2;
	s7 =	sand.u32 $0xFFFFFFFE, s7  }
0x155: {  	[tilespmem:$0x15C80] =	vst @!p0 v2;
	s18 =	sshll.u32 s4, $0x4;
	p1 =	sne.s32 s4, $0x3;
	s7 =	ssub.s32 s3, s7  }
0x156: {  	[tilespmem:$0x15C90] =	vst @!p0 v2;
	s24 =	sand.u32 $0xFFFFFF80, s18;
	p2 =	slt.s32 @!p1 s3, $0x1;
	s11 =	sshll.u32 s7, $0x7  }
0x157: {  	[tilespmem:$0x15CA0] =	vst @!p0 v2;
	s10 =	sand.u32 $0x70, s18;
	p3 =	por p2, p1;
	s4 =	sadd.s32 s24, s11  }
0x158: {  	[tilespmem:$0x15CB0] =	vst @!p0 v2;
	s4 =	sor.u32 s10, s4;
	s10 =	sxor.u32 @!p3 $0xFFFFFFFF, s3  }
0x159: {  	p0 =	seq.s32 @!p3 s3, $0x1;
	[tilespmem:s4+$0x15C00] =	vst v2;
	s10 =	sand.u32 @!p3 $0x1, s10  }
0x15a: {  	p0 =	por @!p1 p0, p2;
	[tilespmem:s4+$0x15D00] =	vst v3;
	s4 =	sadd.s32 @!p3 $0x9, s10  }
0x15b: {  	s13 =	simm.s32 @!p3 $0x40;
	p0 =	por p0, p1;
	_ =	swait.ge @!p3 [sflag:s4], $0x2000  }
0x15c: {  	s3 =	sadd.s32 @!p0 $0xB, s7;
	s12 =	sshll.u32 @!p3 s10, $0xD;
	[sflag:s4] =	ssyncset.done @!p3 $0x0  }
0x15d: {  	s12 =	sor.u32 @!p3 $0x11C00, s12;
	[sflag:s4] =	ssyncadd.s32 @!p3 $0xFFFFE000;
	s4 =	sshll.u32 @!p3 s10, $0x7  }
0x15e: {  	s10 =	sadd.s32 @!p3 $0xB, s10;
	s4 =	sor.u32 @!p3 $0x15D00, s4;
	s14 =	rddreg [dreg:$0x3]  }
0x15f: {  	[hbm4b:s14+s13] =	stream.indirect.scatter @!p3 [tilespmem:s12], [sflag:s10], $0x80, s4, s13, $0xb8;
	[tilespmem:$0x15E80] =	vst v63  }
.Ltmp6:
0x160: {  	_ =	swait.ge @!p0 [sflag:s3], $0x2000;
	(pc) =	sbr.rel .LBB2_6-.Ltmp6, $4  }
0x161: {  	s4 =	sshll.u32 @!p1 s7, $0xF;
	s7 =	sadd.s32 @!p1 $0x9, s7;
	[sflag:s3] =	ssyncset.done @!p0 $0x0  }
0x162: {  	s10 =	simm.s32 @!p1 $0x40;
	s4 =	sshra.s32 @!p1 s4, $0x2;
	[sflag:s3] =	ssyncadd.s32 @!p0 $0xFFFFE000  }
0x163: {  	s3 =	sadd.s32 @!p1 $0x11C00, s4;
	s4 =	sadd.s32 @!p1 $0x15C00, s11;
	s11 =	rddreg [dreg:$0x2]  }
0x164: {  	[tilespmem:s3], [sflag:s7] =	stream.indirect.gather @!p1 [hbm4b:s11+s10], $0x80, s4, s10, $0xb8;
	[tilespmem:$0x15E80] =	vst v63  }
.LBB2_8:
0x165: {  	_ =	sfence.sel $0x180000  }
0x166: {  	[bflag:$0x0] =	sbarrier.arrive $0xFFFF  }
0x167: {  	_ =	strace $0x90000047  }
0x168: {  	s0 =	stileid.u32;
	[bflag:$0x2] =	sbarrier.arrive $0xFFFF  }
0x169: {  	p0 =	sne.s32 s0, $0x0;
	s0 =	rddreg [dreg:$0x4]  }
0x16a: {  	s0 =	sadd.s32 @!p0 $0x100000, s0  }
0x16b: {  	[sflag:s0] =	ssyncadd.tile.s32 @!p0 $0x1;
	_ =	shalt  }
.Lfunc_end2:
_tile_overlayer_lowered:
.L_overlay_start_2:
0x16c: {  	(tag) =	ssettag $0x2  }
0x16d: {  	s0 =	rddreg [dreg:$0x0];
	s2 =	stileid.u32  }
0x16e: {  	s1 =	rddreg [dreg:$0x1];
	p0 =	sne.s32 s2, $0x0  }
0x16f: {  	s3 =	rddreg [dreg:$0x2];
	[bflag:$0x3] =	sbarrier.arrive $0xFFFF;
	s2 =	simm.s32 @!p0 $0x1C0D  }
0x170: {  	[timem:s3], [sflag:s2] =	dma.local @!p0 [hbm:s0], s1  }
0x171: {  	s0 =	simm.s32 @!p0 $0xD  }
0x172: {  	_ =	swait.ge @!p0 [sflag:s0], s1  }
0x173: {  	s1 =	ssub.s32 @!p0 $0x0, s1;
	[sflag:s0] =	ssyncset.done @!p0 $0x0  }
0x174: {  	[sflag:s0] =	ssyncadd.s32 @!p0 s1  }
0x175: {  	[bflag:$0x3] =	sbarrier.arrive $0xFFFF  }
0x176: {  	_ =	shalt  }

// kernel: sparse-core-data-format-call.cloned.1.call-start
scs
called_computation_lowered:
.L_overlay_start_0:
0x0: {  	s2 =	sld [smem:$0x3FD9]  }
0x1: {  	s3 =	sld [smem:$0x3FFE];
	_ =	sdelay $0x1  }
0x2: {  	s1 =	srdreg.scid  }
0x3: {  	s0 =	sand.u32 $0x1, s1  }
0x4: {  	s15 =	sshll.u32 s0, $0xA;
	s2 =	sadd.s32 s3, s2  }
0x5: {  	s2 =	sadd.s32 s2, s15  }
0x6: {  	[smem:$0x3FC4] =	sst s2  }
0x7: {  	_ = 	snop  }
0x8: {  	s2 =	sld [smem:$0x3FD0];
	_ =	sdelay $0x2  }
0x9: {  	s16 =	simm.s32 $0xA;
	s4 =	simm.s32 $0x10  }
0xa: {  	[smem:s4], [sflag:s16] =	dma.local [hbm:s2], $0x1  }
0xb: {  	_ =	swait.eq [sflag:s16], $0x1  }
0xc: {  	[sflag:s16] =	ssyncset.done $0x0  }
0xd: {  	[sflag:s16] =	ssyncadd.s32 $0xFFFFFFFF  }
0xe: {  	s17 =	sld [smem:$0x10];
	(tm) =	ssettm $0x1  }
0xf: {  	s18 =	sld [smem:$0x3FFB];
	_ =	sdelay $0x3  }
0x10: {  	_ =	strace s18  }
0x11: {  	s3 =	sld [smem:$0x3FFC];
	_ =	sdelay $0x3  }
0x12: {  	_ =	strace s3  }
0x13: {  	s3 =	sld [smem:$0x3FFD];
	_ =	sdelay $0x3  }
0x14: {  	_ =	strace s3  }
0x15: {  	_ =	strace $0x8FFFFFFF  }
0x16: {  	s19 =	sld [smem:$0x3FDB];
	_ =	sdelay $0x1  }
0x17: {  	s20 =	simm.s32 $_scs_section_size  }
0x18: {  	s5 =	simm.s32 $_size__tile_overlayer_lowered;
	s6 =	simm.s32 $_tile_overlayer_lowered  }
0x19: {  	s23 =	simm.s32 $0x1BFF;
	s22 =	sshll.u32 s6, $0x1;
	s3 =	sadd.s32 s20, s19  }
0x1a: {  	s7 =	simm.s32 $0x0;
	s21 =	sshll.u32 s5, $0x1;
	s5 =	sadd.s32 s22, s3  }
0x1b: {  	[timem:s7], [sflag:s23] =	dma.local [hbm:s5], s21  }
0x1c: {  	_ =	swait.ge [sflag:s23], s21  }
0x1d: {  	s4 =	ssub.s32 $0x0, s21;
	[sflag:s23] =	ssyncset.done $0x0  }
0x1e: {  	[sflag:s23] =	ssyncadd.s32 s4;
	_ =	sdelay $0x1  }
0x1f: {  	s24 =	simm.s32 $0x1B8B  }
0x20: {  	_ =	swait.ge [sflag:s24], $0x1  }
0x21: {  	[sflag:s24] =	ssyncset.done $0x0  }
0x22: {  	s26 =	simm.s32 $0x1B8E;
	s25 =	sld [smem:$0x3FFE];
	[sflag:s24] =	ssyncadd.s32 $0xFFFFFFFF  }
0x23: {  	s27 =	simm.s32 $execute0_lowered;
	[smem:$0x3FD2] =	sst s26  }
0x24: {  	s5 =	sshll.u32 s27, $0x1;
	_ =	strace $0x80000049;
	[dreg:$0x1] =	wrdreg $0xFFFFFFFF  }
0x25: {  	s28 =	simm.s32 $_size_execute0_lowered;
	s3 =	sadd.s32 s3, s5;
	[dreg:$0x0] =	wrdreg $0x0  }
0x26: {  	s5 =	sshll.u32 s28, $0x1;
	[dreg:$0x2] =	wrdreg s3  }
0x27: {  	[dreg:$0x3] =	wrdreg s5  }
0x28: {  	[dreg:$0x4] =	wrdreg $0xC0  }
0x29: {  	_ =	task [dreg:s7], $0x5FFFF  }
0x2a: {  	[dreg:$0x1] =	wrdreg $0xFFFFFFFF  }
0x2b: {  	[dreg:$0x0] =	wrdreg $0x60  }
0x2c: {  	[dreg:$0x2] =	wrdreg s25  }
0x2d: {  	[dreg:$0x3] =	wrdreg s17  }
0x2e: {  	[dreg:$0x4] =	wrdreg $0x9  }
0x2f: {  	_ =	task.clear_ibuf [dreg:s7], $0x5FFFF;
	_ =	strace $0x90000049  }
0x30: {  	s29 =	simm.s32 $0x9;
	_ =	strace $0x8000004B  }
0x31: {  	_ =	swait.ge [sflag:s29], $0x1  }
0x32: {  	[sflag:s29] =	ssyncadd.s32 $0xFFFFFFFF  }
0x33: {  	_ =	strace $0x9000004B  }
0x34: {  	_ =	sfence  }
0x35: {  	s30 =	sld [smem:$0x0];
	_ =	sdelay $0x2  }
0x36: {  	s31 =	sshll.u32 s1, $0xD;
	s1 =	sshrl.u32 s1, $0x2  }
0x37: {  	s3 =	sand.u32 $0x4000, s31;
	s1 =	sadd.s32 s1, s30  }
0x38: {  	s0 =	sor.u32 s3, s0;
	s1 =	sshll.u32 s1, $0x11  }
0x39: {  	s0 =	sor.u32 s1, s0  }
0x3a: {  	s0 =	sadd.s32 $0x8F2B, s0  }
0x3b: {  	[sflag:s0] =	ssyncadd.remote.s32 $0x1  }
0x3c: {  	_ =	sfence.sel $0xFFFF  }
0x3d: {  	[dreg:$0x0] =	wrdreg $0xFFFFFFFF;
	(pc) =	sbr.abs _section_cstart, $3  }
0x3e: {  	[dreg:$0x1] =	wrdreg $0xFFFFFFFF  }
0x3f: {  	_ =	task.clear_ibuf [dreg:s7], $0x2FFFF;
	_ =	strace $0x9FFFFFFF  }
0x40: {  	(tm) =	ssettm $0x7FFFFFFF  }
0x41: {  	_ =	shalt  }
tec
execute0_lowered:
.L_overlay_start_1:
0x0: {  	(tag) =	ssettag $0x1  }
0x1: {  	s0 =	srdreg.scid  }
0x2: {  	s1 =	sshll.u32 s0, $0x4  }
0x3: {  	s0 =	stileid.u32;
	s1 =	sand.u32 $0x10, s1  }
0x4: {  	s1 =	sor.u32 s0, s1  }
0x5: {  	s6 =	rddreg [dreg:$0x0];
	s4 =	simm.s32 $0x1;
	s2 =	sshll.u32 s1, $0x6  }
0x6: {  	s7 =	simm.s32 $0x2;
	s13 =	simm.s32 $0x0;
	s1 =	ssub.s32 $0x1000, s2  }
0x7: {  	s8 =	simm.s32 $0x2000;
	s9 =	simm.s32 $0x80000;
	s3 =	sand.u32 $0x7C0, s1  }
0x8: {  	s14 =	simm.s32 $0x0;
	s5 =	sshrl.u32 s1, $0xB;
	p0 =	sne.s32 s3, $0x0  }
.Ltmp0:
0x9: {  	s1 =	rddreg [dreg:$0x2];
	s4 =	simm.s32 @!p0 $0x0;
	(pc) =	sbr.rel .LBB1_1-.Ltmp0, $4  }
0xa: {  	s10 =	simm.s32 $0x0;
	s3 =	rddreg [dreg:$0x1];
	s5 =	sadd.s32 s4, s5  }
0xb: {  	_ =	strace $0x8000004A;
	s4 =	simm.s32 $0x1;
	s5 =	smul.u32 $0x19, s5  }
0xc: {  	s12 =	simm.s32 $0x0;
	s6 =	sadd.s32 $0x7C00, s6;
	[sflag:s4] =	ssyncpa.u1 $0x0  }
0xd: {  	s11 =	smov.u32 s2;
	[sflag:s7] =	ssyncpa.u1 $0x0;
	s7 =	sadd.s32 $0x1, s5  }
.LBB1_7:
0xe: {  	s15 =	sadd.s32 $0x2, s10  }
0xf: {  	s13 =	sadd.s32 $0x800, s11;
	s17 =	smov.u32 s11;
	p1 =	sgt.s32 s15, $0x31  }
0x10: {  	s17 =	smov.u32 @p1 s13  }
0x11: {  	s15 =	simm.s32 @p1 $0x0;
	p1 =	sgt.s32 s17, $0xFFF  }
0x12: {  	s17 =	smov.u32 @p1 s2;
	p1 =	sne.s32 s12, s7  }
.Ltmp1:
0x13: {  	p0 =	slt.u32 s12, $0x2;
	(pc) =	sbr.rel @!p1 .LBB1_8-.Ltmp1, $4  }
0x14: {  	s16 =	simm.s32 @!p0 $0x2  }
0x15: {  	s14 =	smov.u32 s11;
	_ =	swait.ge @!p0 [sflag:s16], $0x4000  }
0x16: {  	s13 =	smov.u32 s10;
	[sflag:s16] =	ssyncset.done @!p0 $0x0;
	s10 =	smov.u32 s15  }
0x17: {  	s12 =	sadd.s32 $0x1, s12;
	[sflag:s16] =	ssyncadd.s32 @!p0 $0xFFFFC000;
	s11 =	smov.u32 s17  }
.LBB1_1:
0x18: {  	p0 =	sge.u32 s12, s5  }
0x19: {  	s15 =	sand.u32 @!p0 $0x1FFFFFF, s10  }
0x1a: {  	s16 =	smulhi.u32 @!p0 $0x4924925, s15;
	_ =	sdelay $0x1  }
0x1b: {  	s16 =	smul.u32 @!p0 $0x38, s16  }
0x1c: {  	s17 =	sxor.u32 @!p0 $0xFFFFFFFF, s12;
	s18 =	smul.u32 @!p0 $0x380, s11  }
0x1d: {  	s31 =	sadd.s32 $0xFFFFFFFF, s12;
	s17 =	sshll.u32 @!p0 s17, $0xE;
	s15 =	ssub.s32 @!p0 s15, s16  }
0x1e: {  	s16 =	sand.u32 @!p0 $0x4000, s17;
	s17 =	sadd.s32 @!p0 s6, s18;
	s15 =	sshll.u32 @!p0 s15, $0x4  }
0x1f: {  	s18 =	simm.s32 @!p0 $0x1C00;
	s15 =	sadd.s32 @!p0 s15, s17;
	s17 =	simm.s32 @!p0 $0x100  }
0x20: {  	[tilespmem:s16], [sflag:$0x1] =	stream.strided.gather @!p0 [hbm4b:s15+s17], $0x4000, s18, s17, $0x38;
	[tilespmem:$0x10000] =	vst v63  }
0x21: {  	p0 =	sge.u32 s31, s5  }
.Ltmp2:
0x22: {  	_ = 	snop;
	(pc) =	sbr.rel @p0 .LBB1_7-.Ltmp2, $1  }
0x23: {  	_ =	sdelay $0x3  }
0x24: {  	_ =	swait.ge [sflag:s4], $0x4000;
	s15 =	sshll.u32 s12, $0xE  }
0x25: {  	[sflag:s4] =	ssyncset.done $0x0;
	s16 =	sand.u32 $0x4000, s15  }
0x26: {  	s17 =	simm.s32 $0x0;
	[sflag:s4] =	ssyncadd.s32 $0xFFFFC000;
	s15 =	sor.u32 $0x8000, s16  }
.LBB1_3:
0x27: {  	s18 =	sshll.u32 s17, $0x8  }
0x28: {  	s18 =	sand.u32 $0x3FFFFF00, s18  }
0x29: {  	s19 =	sshll.u32 s17, $0x7;
	s18 =	sadd.s32 s18, s16  }
0x2a: {  	s19 =	sand.u32 $0x3FFFFF80, s19;
	v0 =	vmov s18  }
0x2b: {  	s19 =	sadd.s32 s19, s15  }
0x2c: {  	p0 =	por $0x1, $0x1;
	v1 =	vmov s19;
	s18 =	simm.s32 $0x0  }
.LBB1_4:
0x2d: {  	s19 =	sshll.u32 s18, $0x7  }
0x2e: {  	s19 =	sand.u32 $0x3FFFFF80, s19  }
0x2f: {  	v2 =	vld.idx.msk [tilespmem:v0+s19+$0x0 ss:$0x1], $0xffff  }
0x30: {  	v3 =	vld.idx.msk [tilespmem:v0+s19+$0x10 ss:$0x1], $0xffff  }
0x31: {  	v4 =	vld.idx.msk [tilespmem:v0+s19+$0x20 ss:$0x1], $0xffff  }
0x32: {  	s31 =	sshll.u32 s18, $0xD;
	v5 =	vld.idx.msk [tilespmem:v0+s19+$0x30 ss:$0x1], $0xffff  }
0x33: {  	s18 =	sand.u32 $0x3FFFE000, s31;
	v6 =	vld.idx.msk [tilespmem:v0+s19+$0x40 ss:$0x1], $0xffff  }
0x34: {  	v63 =	vld.idx.msk [tilespmem:v0+s19+$0x70 ss:$0x1], $0xffff;
	[tilespmem:v1+s18+$0x0 ss:$0x1] =	vst.idx.msk $0xffff, v2  }
0x35: {  	v2 =	vld.idx.msk [tilespmem:v0+s19+$0x50 ss:$0x1], $0xffff;
	[tilespmem:v1+s18+$0x10 ss:$0x1] =	vst.idx.msk $0xffff, v3  }
0x36: {  	p1 =	por p0, p0;
	v3 =	vld.idx.msk [tilespmem:v0+s19+$0x60 ss:$0x1], $0xffff;
	[tilespmem:v1+s18+$0x20 ss:$0x1] =	vst.idx.msk $0xffff, v4  }
.Ltmp3:
0x37: {  	[tilespmem:v1+s18+$0x30 ss:$0x1] =	vst.idx.msk $0xffff, v5;
	(pc) =	sbr.rel @p1 .LBB1_4-.Ltmp3, $4  }
0x38: {  	[tilespmem:v1+s18+$0x40 ss:$0x1] =	vst.idx.msk $0xffff, v6  }
0x39: {  	[tilespmem:v1+s18+$0x70 ss:$0x1] =	vst.idx.msk $0xffff, v63  }
0x3a: {  	[tilespmem:v1+s18+$0x50 ss:$0x1] =	vst.idx.msk $0xffff, v2  }
0x3b: {  	p0 =	por $0x0, $0x0;
	[tilespmem:v1+s18+$0x60 ss:$0x1] =	vst.idx.msk $0xffff, v3;
	s18 =	simm.s32 $0x1  }
0x3c: {  	s17 =	sadd.s32 $0x1, s17  }
0x3d: {  	p0 =	sne.s32 s17, $0x40  }
.Ltmp4:
0x3e: {  	_ = 	snop;
	(pc) =	sbr.rel @p0 .LBB1_3-.Ltmp4, $1  }
0x3f: {  	_ =	sdelay $0x3  }
.Ltmp5:
0x40: {  	s14 =	sshll.u32 s14, $0x4;
	(pc) =	sbr.rel .LBB1_7-.Ltmp5, $4  }
0x41: {  	s14 =	sand.u32 $0xFFF0, s14  }
0x42: {  	s13 =	sshll.u32 s13, $0x10;
	s14 =	sadd.s32 s3, s14  }
0x43: {  	s13 =	sadd.s32 s13, s14  }
0x44: {  	[hbm4b:s13+s8] =	stream.strided.scatter [tilespmem:s15], [sflag:$0x2], $0x4000, s9, s8, $0x38;
	[tilespmem:$0x10000] =	vst v63  }
.LBB1_8:
0x45: {  	_ =	sfence.sel $0x180000  }
0x46: {  	s2 =	simm.s32 $0x1;
	[bflag:$0x0] =	sbarrier.arrive $0xFFFF  }
0x47: {  	s31 =	simm.s32 $0x2;
	[sflag:s2] =	ssyncpa.u1 $0x1  }
0x48: {  	[sflag:s31] =	ssyncpa.u1 $0x1  }
0x49: {  	p0 =	sne.s32 s0, $0x0;
	_ =	strace $0x9000004A  }
0x4a: {  	s0 =	sadd.s32 @!p0 $0x100000, s1;
	[bflag:$0x2] =	sbarrier.arrive $0xFFFF  }
0x4b: {  	[sflag:s0] =	ssyncadd.tile.s32 @!p0 $0x1;
	_ =	shalt  }
.Lfunc_end1:
_tile_overlayer_lowered:
.L_overlay_start_2:
0x4c: {  	(tag) =	ssettag $0x2  }
0x4d: {  	s0 =	rddreg [dreg:$0x0];
	s2 =	stileid.u32  }
0x4e: {  	s1 =	rddreg [dreg:$0x1];
	p0 =	sne.s32 s2, $0x0  }
0x4f: {  	s3 =	rddreg [dreg:$0x2];
	[bflag:$0x3] =	sbarrier.arrive $0xFFFF;
	s2 =	simm.s32 @!p0 $0x1C01  }
0x50: {  	[timem:s3], [sflag:s2] =	dma.local @!p0 [hbm:s0], s1  }
0x51: {  	s0 =	simm.s32 @!p0 $0x1  }
0x52: {  	_ =	swait.ge @!p0 [sflag:s0], s1  }
0x53: {  	s1 =	ssub.s32 @!p0 $0x0, s1;
	[sflag:s0] =	ssyncset.done @!p0 $0x0  }
0x54: {  	[sflag:s0] =	ssyncadd.s32 @!p0 s1  }
0x55: {  	[bflag:$0x3] =	sbarrier.arrive $0xFFFF  }
0x56: {  	_ =	shalt  }

</sc_bundles>
